<compile_context>
chip_gen: v7x
topology: tpu7x:2x2x1
jax: 0.10.2.dev20260603
libtpu: 0.0.44.dev20260713+nightly
codegen_flags: <defaults>
</compile_context>

<pallas_src>
import functools

import jax
import jax.numpy as jnp
from jax import lax
from jax.experimental import pallas as pl
from jax.experimental.pallas import tpu as pltpu
from jax.experimental.pallas import tpu_sc as plsc

N = 10000
E = 320000
DF = 128
D = 64
G = 64

NW = 32
C = 80
EW = E // NW
K = EW // C
NP = 10112
RT = NP // 16
DW = 16

BN = 2000
GRID = N // BN

_f32 = jnp.float32



@functools.lru_cache(maxsize=None)
def _sc_mesh():
    return plsc.VectorSubcoreMesh(core_axis_name="c", subcore_axis_name="s")


NBUF = 5
SDEPTH = 2


def _edge_body_common(h, ei3, z64, out_p, src_v, dst_v, rowsb, sem_g, sem_s,
                      acc, deg_part):
    cid = lax.axis_index("c")
    sid = lax.axis_index("s")
    wid = cid * 16 + sid
    r0 = sid * RT
    pltpu.sync_copy(z64.at[pl.ds(r0, RT)], acc.at[pl.ds(r0, RT)])
    if deg_part is not None:
        z16, o8, accd, ones_v, out_d, sem_d = deg_part
        pltpu.sync_copy(z16.at[pl.ds(r0, RT)], accd.at[pl.ds(r0, RT)])
        pltpu.sync_copy(o8, ones_v)
    pltpu.sync_copy(ei3.at[0, wid], src_v)
    pltpu.sync_copy(ei3.at[1, wid], dst_v)
    plsc.subcore_barrier()

    for b in range(NBUF - SDEPTH):
        pltpu.async_copy(h.at[src_v.at[b]], rowsb.at[b], sem_g.at[b])

    def _group(t, carry):
        jg = NBUF * t
        for b in range(NBUF):
            j = jg + b
            pltpu.make_async_copy(h.at[src_v.at[0]], rowsb.at[b],
                                  sem_g.at[b]).wait()
            pltpu.async_copy(rowsb.at[b], acc.at[dst_v.at[j]], sem_s.at[b],
                             add=True)
            if deg_part is not None:
                pltpu.async_copy(ones_v, accd.at[dst_v.at[j]], sem_d,
                                 add=True)
            bn = (b + NBUF - SDEPTH) % NBUF
            jn = j + NBUF - SDEPTH

            @pl.when(jnp.logical_and(j >= SDEPTH, jn < K))
            def _():
                pltpu.make_async_copy(rowsb.at[bn], acc.at[dst_v.at[0]],
                                      sem_s.at[bn]).wait()

            @pl.when(jn < K)
            def _():
                pltpu.async_copy(h.at[src_v.at[jn]], rowsb.at[bn],
                                 sem_g.at[bn])
        return carry
    lax.fori_loop(0, K // NBUF, _group, 0)
    for b in range(NBUF):
        pltpu.make_async_copy(rowsb.at[b], acc.at[dst_v.at[0]],
                              sem_s.at[b]).wait()
    if deg_part is not None:
        def _drain(i, carry):
            pltpu.make_async_copy(ones_v, accd.at[dst_v.at[0]], sem_d).wait()
            return carry
        lax.fori_loop(0, K, _drain, 0)
    plsc.subcore_barrier()
    pltpu.sync_copy(acc.at[pl.ds(r0, RT)], out_p.at[cid, pl.ds(r0, RT)])
    if deg_part is not None:
        pltpu.sync_copy(accd.at[pl.ds(r0, RT)],
                        out_d.at[cid, pl.ds(r0, RT)])


@functools.lru_cache(maxsize=None)
def _sc_edge_pass_deg():
    @functools.partial(
        pl.kernel,
        out_type=(jax.ShapeDtypeStruct((2, NP, D), _f32),
                  jax.ShapeDtypeStruct((2, NP, DW), _f32)),
        mesh=_sc_mesh(),
        compiler_params=pltpu.CompilerParams(use_tc_tiling_on_sc=False),
        scratch_types=[
            pltpu.VMEM((K, C), jnp.int32),
            pltpu.VMEM((K, C), jnp.int32),
            pltpu.VMEM((NBUF, C, D), _f32),
            pltpu.VMEM((C, DW), _f32),
            pltpu.VMEM_SHARED((NP, D), _f32),
            pltpu.VMEM_SHARED((NP, DW), _f32),
            pltpu.SemaphoreType.DMA((NBUF,)),
            pltpu.SemaphoreType.DMA((NBUF,)),
            pltpu.SemaphoreType.DMA,
        ],
    )
    def body(h, ei3, z64, z16, o8, out_p, out_d,
             src_v, dst_v, rowsb, ones_v, acc, accd, sem_g, sem_s, sem_d):
        _edge_body_common(h, ei3, z64, out_p, src_v, dst_v, rowsb, sem_g,
                          sem_s, acc, (z16, o8, accd, ones_v, out_d, sem_d))
    return body


@functools.lru_cache(maxsize=None)
def _sc_edge_pass():
    @functools.partial(
        pl.kernel,
        out_type=jax.ShapeDtypeStruct((2, NP, D), _f32),
        mesh=_sc_mesh(),
        compiler_params=pltpu.CompilerParams(use_tc_tiling_on_sc=False),
        scratch_types=[
            pltpu.VMEM((K, C), jnp.int32),
            pltpu.VMEM((K, C), jnp.int32),
            pltpu.VMEM((NBUF, C, D), _f32),
            pltpu.VMEM_SHARED((NP, D), _f32),
            pltpu.SemaphoreType.DMA((NBUF,)),
            pltpu.SemaphoreType.DMA((NBUF,)),
        ],
    )
    def body(h, ei3, z64, out_p, src_v, dst_v, rowsb, acc, sem_g, sem_s):
        _edge_body_common(h, ei3, z64, out_p, src_v, dst_v, rowsb, sem_g,
                          sem_s, acc, None)
    return body



def _norm_rows(v):
    return jnp.maximum(jnp.sqrt(jnp.sum(v * v, axis=1, keepdims=True)), 1e-6)


def _klayer(xb, W):
    nx = jnp.sqrt(jnp.sum(xb * xb, axis=1, keepdims=True))
    xn = xb / jnp.maximum(nx, 1e-6)
    Wn = W / _norm_rows(W)
    lo = lax.dot_general(xn, Wn, (((1,), (1,)), ((), ())),
                         preferred_element_type=_f32)
    return nx * jnp.exp(lo - 1.0)


def _tc_head_body(x_ref, W_ref, o_ref):
    o_ref[...] = _klayer(x_ref[...], W_ref[...])


def _tc_head(x, W_in):
    return pl.pallas_call(
        _tc_head_body,
        grid=(GRID,),
        in_specs=[
            pl.BlockSpec((BN, DF), lambda i: (i, 0)),
            pl.BlockSpec((D, DF), lambda i: (0, 0)),
        ],
        out_specs=pl.BlockSpec((BN, D), lambda i: (i, 0)),
        out_shape=jax.ShapeDtypeStruct((N, D), _f32),
    )(x, W_in)


def _fie_combine(p0, p1, d0, d1, h, mu):
    deg = (d0 + d1)[:, :1]
    s = p0 + p1
    return (s - deg * mu) / jnp.maximum(deg, 1.0) + h


_P_SPECS = [
    pl.BlockSpec((1, BN, D), lambda i: (0, i, 0)),
    pl.BlockSpec((1, BN, D), lambda i: (1, i, 0)),
    pl.BlockSpec((1, BN, DW), lambda i: (0, i, 0)),
    pl.BlockSpec((1, BN, DW), lambda i: (1, i, 0)),
]


def _tc_mid_body(p0_ref, p1_ref, d0_ref, d1_ref, h_ref, mu_ref, Wp_ref,
                 o_ref):
    t = _fie_combine(p0_ref[0], p1_ref[0], d0_ref[0], d1_ref[0],
                     h_ref[...], mu_ref[...])
    o_ref[...] = _klayer(t, Wp_ref[...])


def _tc_mid(p, dp, h0, mu1, Wp1):
    return pl.pallas_call(
        _tc_mid_body,
        grid=(GRID,),
        in_specs=_P_SPECS + [
            pl.BlockSpec((BN, D), lambda i: (i, 0)),
            pl.BlockSpec((1, D), lambda i: (0, 0)),
            pl.BlockSpec((D, D), lambda i: (0, 0)),
        ],
        out_specs=pl.BlockSpec((BN, D), lambda i: (i, 0)),
        out_shape=jax.ShapeDtypeStruct((N, D), _f32),
    )(p, p, dp, dp, h0, mu1, Wp1)


def _tc_pool_body(p0_ref, p1_ref, d0_ref, d1_ref, h_ref, mu_ref, b_ref,
                  o_ref, acc_ref):
    i = pl.program_id(0)
    h2 = _fie_combine(p0_ref[0], p1_ref[0], d0_ref[0], d1_ref[0],
                      h_ref[...], mu_ref[...])
    onehot = (b_ref[...] ==
              lax.broadcasted_iota(jnp.int32, (BN, G), 1).astype(_f32)
              ).astype(_f32)
    ext = jnp.concatenate([h2, jnp.ones((BN, D), _f32)], axis=1)
    part = lax.dot_general(onehot, ext, (((0,), (0,)), ((), ())),
                           preferred_element_type=_f32)

    @pl.when(i == 0)
    def _():
        acc_ref[...] = part

    @pl.when(i > 0)
    def _():
        acc_ref[...] += part

    @pl.when(i == pl.num_programs(0) - 1)
    def _():
        a = acc_ref[...]
        o_ref[...] = a[:, :D] / jnp.maximum(a[:, D:D + 1], 1.0)


def _tc_pool(p, dp, h1, mu2, batchf):
    return pl.pallas_call(
        _tc_pool_body,
        grid=(GRID,),
        in_specs=_P_SPECS + [
            pl.BlockSpec((BN, D), lambda i: (i, 0)),
            pl.BlockSpec((1, D), lambda i: (0, 0)),
            pl.BlockSpec((BN, 1), lambda i: (i, 0)),
        ],
        out_specs=pl.BlockSpec((G, D), lambda i: (0, 0)),
        out_shape=jax.ShapeDtypeStruct((G, D), _f32),
        scratch_shapes=[pltpu.VMEM((G, 2 * D), _f32)],
    )(p, p, dp, dp, h1, mu2, batchf)



def kernel(x, edge_index, batch, W_in, mu1, Wp1, mu2):
    ei3 = edge_index.astype(jnp.int32).reshape(2, NW, K, C)
    batchf = batch.astype(_f32).reshape(N, 1)
    z64 = jnp.zeros((NP, D), _f32)
    z16 = jnp.zeros((NP, DW), _f32)
    o8 = jnp.ones((C, DW), _f32)

    h0 = _tc_head(x, W_in)
    p, dp = _sc_edge_pass_deg()(h0, ei3, z64, z16, o8)
    h1 = _tc_mid(p, dp, h0, mu1, Wp1)
    p2 = _sc_edge_pass()(h1, ei3, z64)
    pooled = _tc_pool(p2, dp, h1, mu2, batchf)
    weights = jnp.full((G, 1), 1.0 / G, _f32)
    return pooled, weights

# --- scband reference (transcript-rebuilt; emitter-appended) ---
"""Pipeline reference for scband-spantherbase-63745904607993 (READ-ONLY COPY).

The authoritative reference and input builder live on the scoring server;
editing this copy changes nothing except your own understanding.
"""

import jax, jax.numpy as jnp
import numpy as np

N_NODES = 10000
N_EDGES = 320000
D_FEAT = 128
HIDDEN = 64
NUM_MIX = 1
NUM_GRAPHS = 64
SIGMA = 1.0


def kernel_layer(x, W, sigma):
    # KernelLayer: CKN-style Gaussian kernel embedding with exp dot-product kernel
    norm = jnp.linalg.norm(x, axis=-1, keepdims=True)
    xn = x / jnp.maximum(norm, 1e-6)
    Wn = W / jnp.maximum(jnp.linalg.norm(W, axis=-1, keepdims=True), 1e-6)
    return norm * jnp.exp((xn @ Wn.T - 1.0) / (sigma * sigma))


def fie_layer(x, edge_index, mu, W_proj, sigma, residue=True):
    # Fisher-information-embedding message passing layer ('exp' kernel):
    # posterior weights over Gaussian mixture components, mean-aggregated
    # gradient embedding (x_j - mu_k) over in-neighbors, residual, optional
    # kernel output projection.
    n = x.shape[0]
    src = edge_index[0]
    dst = edge_index[1]
    h = jnp.take(x, src, axis=0)                       # gather [E, d]
    logits = (h @ mu.T) / sigma                        # [E, K]
    attn = jax.nn.softmax(logits, axis=-1)             # [E, K]
    msg = attn[:, :, None] * (h[:, None, :] - mu[None, :, :])  # [E, K, d]
    agg = jax.ops.segment_sum(msg, dst, num_segments=n)        # scatter-add [N, K, d]
    deg = jax.ops.segment_sum(jnp.ones((h.shape[0],), dtype=x.dtype), dst, num_segments=n)
    out = agg / jnp.maximum(deg, 1.0)[:, None, None]
    out = out.reshape(n, -1)                           # [N, K*d]
    if residue:
        out = out + x
    if W_proj is not None:
        out = kernel_layer(out, W_proj, sigma)
    return out


def setup_inputs(seed: int = 0):
    key = jax.random.key(seed)
    k1, k2, k3, k4, k5, k6, k7 = jax.random.split(key, 7)
    x = jax.random.normal(k1, (N_NODES, D_FEAT), dtype=jnp.float32)
    edge_index = jax.random.randint(k2, (2, N_EDGES), 0, N_NODES)
    batch = jnp.sort(jax.random.randint(k3, (N_NODES,), 0, NUM_GRAPHS))
    # learned params: in_head kernel weights, per-layer mixture means, layer-0 out_proj kernel weights
    W_in = jax.random.normal(k4, (HIDDEN, D_FEAT), dtype=jnp.float32) * 0.1
    mu1 = jax.random.normal(k5, (NUM_MIX, HIDDEN), dtype=jnp.float32) * 0.1
    Wp1 = jax.random.normal(k6, (HIDDEN, NUM_MIX * HIDDEN), dtype=jnp.float32) * 0.1
    mu2 = jax.random.normal(k7, (NUM_MIX, HIDDEN), dtype=jnp.float32) * 0.1
    return {"x": x, "edge_index": edge_index, "batch": batch, "W_in": W_in, "mu1": mu1, "Wp1": Wp1, "mu2": mu2}


def reference(x, edge_index, batch, W_in, mu1, Wp1, mu2):
    h = kernel_layer(x, W_in, SIGMA)                   # in_head
    outputs = [h]
    h = fie_layer(h, edge_index, mu1, Wp1, SIGMA, residue=True)   # layer 0 (out_proj='kernel')
    outputs.append(h)
    h = fie_layer(h, edge_index, mu2, None, SIGMA, residue=True)  # last layer (out_proj=None)
    outputs.append(h)
    output = outputs[-1]  # concat=False
    # global_mean_pool over batch ids, then (output, weights) per pooling!='ot' branch
    pooled = jax.ops.segment_sum(output, batch, num_segments=NUM_GRAPHS)
    cnt = jax.ops.segment_sum(jnp.ones((N_NODES,), dtype=output.dtype), batch, num_segments=NUM_GRAPHS)
    pooled = pooled / jnp.maximum(cnt, 1.0)[:, None]
    weights = jnp.ones((NUM_GRAPHS, 1), dtype=pooled.dtype) / NUM_GRAPHS
    return (pooled, weights)

if __name__ == "__main__":
    import jax
    _d = setup_inputs()
    print(jax.jit(kernel)(*tuple(_d.values())))

</pallas_src>

<mosaic_0001>
#map = affine_map<(d0, d1) -> (0, 0)>
#map1 = affine_map<(d0, d1) -> (0, 0, 0, 0)>
#map2 = affine_map<(d0, d1) -> (0, 0, 0)>
module attributes {stable_mosaic.version = 14 : i64} {
  func.func @body(%arg0: i32, %arg1: i32, %arg2: memref<10000x64xf32, #tpu.memory_space<hbm>>, %arg3: memref<2x32x125x80xi32, #tpu.memory_space<hbm>>, %arg4: memref<10112x64xf32, #tpu.memory_space<hbm>>, %arg5: memref<2x10112x64xf32, #tpu.memory_space<hbm>>, %arg6: memref<125x80xi32, #tpu.memory_space<vmem>>, %arg7: memref<125x80xi32, #tpu.memory_space<vmem>>, %arg8: memref<5x80x64xf32, #tpu.memory_space<vmem>>, %arg9: memref<10112x64xf32, #tpu.memory_space<vmem_shared>>, %arg10: memref<5x!tpu.dma_semaphore, #tpu.memory_space<semaphore_mem>>, %arg11: memref<5x!tpu.dma_semaphore, #tpu.memory_space<semaphore_mem>>) attributes {dimension_semantics = [#tpu.dimension_semantics<core_parallel>, #tpu.dimension_semantics<subcore_parallel>], iteration_bounds = array<i64: 2, 16>, scalar_prefetch = 0 : i64, scratch_operands = 6 : i64, tpu.core_type = #tpu.core_type<sc_vector_subcore>, window_params = [{transform_indices = #map}, {transform_indices = #map1}, {transform_indices = #map}, {transform_indices = #map2}]} {
    %mul3A = arith.constant 16 : i32
    %mul3A_0 = arith.muli %arg0, %mul3A : i32
    %add3A = arith.addi %mul3A_0, %arg1 : i32
    %mul3A_1 = arith.constant 632 : i32
    %mul3A_2 = arith.muli %arg1, %mul3A_1 : i32
    "tpu.region"() ({
      %run_scoped3A_128 = tpu.sem_alloc : memref<!tpu.dma_semaphore, #tpu.memory_space<semaphore_mem>>
      %dma_start3A_129 = arith.constant 0 : i32
      %dma_start3A_130 = tpu.memref_slice %arg9[%mul3A_2, %dma_start3A_129] : memref<10112x64xf32, #tpu.memory_space<vmem_shared>> -> memref<632x64xf32, #tpu.memory_space<vmem_shared>>
      %dma_start3A_131 = arith.constant 0 : i32
      %dma_start3A_132 = tpu.memref_slice %arg4[%mul3A_2, %dma_start3A_131] : memref<10112x64xf32, #tpu.memory_space<hbm>> -> memref<632x64xf32, #tpu.memory_space<hbm>>
      tpu.enqueue_dma source(%dma_start3A_132 : memref<632x64xf32, #tpu.memory_space<hbm>>) target(%dma_start3A_130 : memref<632x64xf32, #tpu.memory_space<vmem_shared>>) target_semaphore(%run_scoped3A_128 : memref<!tpu.dma_semaphore, #tpu.memory_space<semaphore_mem>>)
      %dma_wait3A_133 = arith.constant 0 : i32
      %dma_wait3A_134 = tpu.memref_slice %arg9[%mul3A_2, %dma_wait3A_133] : memref<10112x64xf32, #tpu.memory_space<vmem_shared>> -> memref<632x64xf32, #tpu.memory_space<vmem_shared>>
      %dma_wait3A_135 = arith.constant 0 : i32
      %dma_wait3A_136 = tpu.memref_slice %arg4[%mul3A_2, %dma_wait3A_135] : memref<10112x64xf32, #tpu.memory_space<hbm>> -> memref<632x64xf32, #tpu.memory_space<hbm>>
      tpu.wait_dma2 semaphore(%run_scoped3A_128 : memref<!tpu.dma_semaphore, #tpu.memory_space<semaphore_mem>>) src(%dma_wait3A_136 : memref<632x64xf32, #tpu.memory_space<hbm>>) dst(%dma_wait3A_134 : memref<632x64xf32, #tpu.memory_space<vmem_shared>>)
      tpu.yield
    }) : () -> ()
    %run_scoped3A = arith.constant 0 : i32
    "tpu.region"() ({
      %run_scoped3A_128 = tpu.sem_alloc : memref<!tpu.dma_semaphore, #tpu.memory_space<semaphore_mem>>
      %dma_start3A_129 = arith.constant 0 : i32
      %dma_start3A_130 = arith.constant 0 : i32
      %dma_start3A_131 = tpu.memref_slice %arg3[%run_scoped3A, %add3A, %dma_start3A_129, %dma_start3A_130] : memref<2x32x125x80xi32, #tpu.memory_space<hbm>> -> memref<1x1x125x80xi32, #tpu.memory_space<hbm>>
      %dma_start3A_132 = tpu.memref_squeeze %dma_start3A_131 : memref<1x1x125x80xi32, #tpu.memory_space<hbm>> -> memref<125x80xi32, #tpu.memory_space<hbm>>
      %dma_start3A_133 = arith.constant 0 : i32
      %dma_start3A_134 = arith.constant 0 : i32
      %dma_start3A_135 = tpu.memref_slice %arg3[%run_scoped3A, %add3A, %dma_start3A_133, %dma_start3A_134] : memref<2x32x125x80xi32, #tpu.memory_space<hbm>> -> memref<1x1x125x80xi32, #tpu.memory_space<hbm>>
      %dma_start3A_136 = tpu.memref_squeeze %dma_start3A_135 : memref<1x1x125x80xi32, #tpu.memory_space<hbm>> -> memref<125x80xi32, #tpu.memory_space<hbm>>
      tpu.enqueue_dma source(%dma_start3A_136 : memref<125x80xi32, #tpu.memory_space<hbm>>) target(%arg6 : memref<125x80xi32, #tpu.memory_space<vmem>>) target_semaphore(%run_scoped3A_128 : memref<!tpu.dma_semaphore, #tpu.memory_space<semaphore_mem>>)
      %dma_wait3A_137 = arith.constant 0 : i32
      %dma_wait3A_138 = arith.constant 0 : i32
      %dma_wait3A_139 = tpu.memref_slice %arg3[%run_scoped3A, %add3A, %dma_wait3A_137, %dma_wait3A_138] : memref<2x32x125x80xi32, #tpu.memory_space<hbm>> -> memref<1x1x125x80xi32, #tpu.memory_space<hbm>>
      %dma_wait3A_140 = tpu.memref_squeeze %dma_wait3A_139 : memref<1x1x125x80xi32, #tpu.memory_space<hbm>> -> memref<125x80xi32, #tpu.memory_space<hbm>>
      %dma_wait3A_141 = arith.constant 0 : i32
      %dma_wait3A_142 = arith.constant 0 : i32
      %dma_wait3A_143 = tpu.memref_slice %arg3[%run_scoped3A, %add3A, %dma_wait3A_141, %dma_wait3A_142] : memref<2x32x125x80xi32, #tpu.memory_space<hbm>> -> memref<1x1x125x80xi32, #tpu.memory_space<hbm>>
      %dma_wait3A_144 = tpu.memref_squeeze %dma_wait3A_143 : memref<1x1x125x80xi32, #tpu.memory_space<hbm>> -> memref<125x80xi32, #tpu.memory_space<hbm>>
      tpu.wait_dma2 semaphore(%run_scoped3A_128 : memref<!tpu.dma_semaphore, #tpu.memory_space<semaphore_mem>>) src(%dma_wait3A_144 : memref<125x80xi32, #tpu.memory_space<hbm>>) dst(%arg6 : memref<125x80xi32, #tpu.memory_space<vmem>>)
      tpu.yield
    }) : () -> ()
    %run_scoped3A_3 = arith.constant 1 : i32
    "tpu.region"() ({
      %run_scoped3A_128 = tpu.sem_alloc : memref<!tpu.dma_semaphore, #tpu.memory_space<semaphore_mem>>
      %dma_start3A_129 = arith.constant 0 : i32
      %dma_start3A_130 = arith.constant 0 : i32
      %dma_start3A_131 = tpu.memref_slice %arg3[%run_scoped3A_3, %add3A, %dma_start3A_129, %dma_start3A_130] : memref<2x32x125x80xi32, #tpu.memory_space<hbm>> -> memref<1x1x125x80xi32, #tpu.memory_space<hbm>>
      %dma_start3A_132 = tpu.memref_squeeze %dma_start3A_131 : memref<1x1x125x80xi32, #tpu.memory_space<hbm>> -> memref<125x80xi32, #tpu.memory_space<hbm>>
      %dma_start3A_133 = arith.constant 0 : i32
      %dma_start3A_134 = arith.constant 0 : i32
      %dma_start3A_135 = tpu.memref_slice %arg3[%run_scoped3A_3, %add3A, %dma_start3A_133, %dma_start3A_134] : memref<2x32x125x80xi32, #tpu.memory_space<hbm>> -> memref<1x1x125x80xi32, #tpu.memory_space<hbm>>
      %dma_start3A_136 = tpu.memref_squeeze %dma_start3A_135 : memref<1x1x125x80xi32, #tpu.memory_space<hbm>> -> memref<125x80xi32, #tpu.memory_space<hbm>>
      tpu.enqueue_dma source(%dma_start3A_136 : memref<125x80xi32, #tpu.memory_space<hbm>>) target(%arg7 : memref<125x80xi32, #tpu.memory_space<vmem>>) target_semaphore(%run_scoped3A_128 : memref<!tpu.dma_semaphore, #tpu.memory_space<semaphore_mem>>)
      %dma_wait3A_137 = arith.constant 0 : i32
      %dma_wait3A_138 = arith.constant 0 : i32
      %dma_wait3A_139 = tpu.memref_slice %arg3[%run_scoped3A_3, %add3A, %dma_wait3A_137, %dma_wait3A_138] : memref<2x32x125x80xi32, #tpu.memory_space<hbm>> -> memref<1x1x125x80xi32, #tpu.memory_space<hbm>>
      %dma_wait3A_140 = tpu.memref_squeeze %dma_wait3A_139 : memref<1x1x125x80xi32, #tpu.memory_space<hbm>> -> memref<125x80xi32, #tpu.memory_space<hbm>>
      %dma_wait3A_141 = arith.constant 0 : i32
      %dma_wait3A_142 = arith.constant 0 : i32
      %dma_wait3A_143 = tpu.memref_slice %arg3[%run_scoped3A_3, %add3A, %dma_wait3A_141, %dma_wait3A_142] : memref<2x32x125x80xi32, #tpu.memory_space<hbm>> -> memref<1x1x125x80xi32, #tpu.memory_space<hbm>>
      %dma_wait3A_144 = tpu.memref_squeeze %dma_wait3A_143 : memref<1x1x125x80xi32, #tpu.memory_space<hbm>> -> memref<125x80xi32, #tpu.memory_space<hbm>>
      tpu.wait_dma2 semaphore(%run_scoped3A_128 : memref<!tpu.dma_semaphore, #tpu.memory_space<semaphore_mem>>) src(%dma_wait3A_144 : memref<125x80xi32, #tpu.memory_space<hbm>>) dst(%arg7 : memref<125x80xi32, #tpu.memory_space<vmem>>)
      tpu.yield
    }) : () -> ()
    %barrier3A = arith.constant 0 : index
    tpu.barrier barrier_id(%barrier3A)
    %dma_start3A = arith.constant 0 : i32
    %dma_start3A_4 = arith.constant 0 : i32
    %dma_start3A_5 = arith.constant 0 : i32
    %dma_start3A_6 = arith.constant 0 : i32
    %dma_start3A_7 = arith.constant 0 : i32
    %dma_start3A_8 = tpu.memref_slice %arg8[%dma_start3A_4, %dma_start3A_6, %dma_start3A_7] : memref<5x80x64xf32, #tpu.memory_space<vmem>> -> memref<1x80x64xf32, #tpu.memory_space<vmem>>
    %dma_start3A_9 = tpu.memref_squeeze %dma_start3A_8 : memref<1x80x64xf32, #tpu.memory_space<vmem>> -> memref<80x64xf32, #tpu.memory_space<vmem>>
    %dma_start3A_10 = arith.constant 0 : i32
    %dma_start3A_11 = tpu.memref_slice %arg6[%dma_start3A, %dma_start3A_10] : memref<125x80xi32, #tpu.memory_space<vmem>> -> memref<1x80xi32, #tpu.memory_space<vmem>>
    %dma_start3A_12 = tpu.memref_squeeze %dma_start3A_11 : memref<1x80xi32, #tpu.memory_space<vmem>> -> memref<80xi32, #tpu.memory_space<vmem>>
    %dma_start3A_13 = arith.constant 0 : i32
    %dma_start3A_14 = arith.constant 0 : i32
    %dma_start3A_15 = tpu.memref_slice %arg2[%dma_start3A_13, %dma_start3A_14] : memref<10000x64xf32, #tpu.memory_space<hbm>> -> memref<10000x64xf32, #tpu.memory_space<hbm>>
    %dma_start3A_16 = tpu.memref_slice %arg10[%dma_start3A_5] : memref<5x!tpu.dma_semaphore, #tpu.memory_space<semaphore_mem>> -> memref<1x!tpu.dma_semaphore, #tpu.memory_space<semaphore_mem>>
    %dma_start3A_17 = tpu.memref_squeeze %dma_start3A_16 : memref<1x!tpu.dma_semaphore, #tpu.memory_space<semaphore_mem>> -> memref<!tpu.dma_semaphore, #tpu.memory_space<semaphore_mem>>
    tpu.enqueue_indirect_dma source(%dma_start3A_15 : memref<10000x64xf32, #tpu.memory_space<hbm>>) target(%dma_start3A_9 : memref<80x64xf32, #tpu.memory_space<vmem>>) offsets(%dma_start3A_12 : memref<80xi32, #tpu.memory_space<vmem>>) semaphore(%dma_start3A_17 : memref<!tpu.dma_semaphore, #tpu.memory_space<semaphore_mem>>)
    %dma_start3A_18 = arith.constant 1 : i32
    %dma_start3A_19 = arith.constant 1 : i32
    %dma_start3A_20 = arith.constant 1 : i32
    %dma_start3A_21 = arith.constant 0 : i32
    %dma_start3A_22 = arith.constant 0 : i32
    %dma_start3A_23 = tpu.memref_slice %arg8[%dma_start3A_19, %dma_start3A_21, %dma_start3A_22] : memref<5x80x64xf32, #tpu.memory_space<vmem>> -> memref<1x80x64xf32, #tpu.memory_space<vmem>>
    %dma_start3A_24 = tpu.memref_squeeze %dma_start3A_23 : memref<1x80x64xf32, #tpu.memory_space<vmem>> -> memref<80x64xf32, #tpu.memory_space<vmem>>
    %dma_start3A_25 = arith.constant 0 : i32
    %dma_start3A_26 = tpu.memref_slice %arg6[%dma_start3A_18, %dma_start3A_25] : memref<125x80xi32, #tpu.memory_space<vmem>> -> memref<1x80xi32, #tpu.memory_space<vmem>>
    %dma_start3A_27 = tpu.memref_squeeze %dma_start3A_26 : memref<1x80xi32, #tpu.memory_space<vmem>> -> memref<80xi32, #tpu.memory_space<vmem>>
    %dma_start3A_28 = arith.constant 0 : i32
    %dma_start3A_29 = arith.constant 0 : i32
    %dma_start3A_30 = tpu.memref_slice %arg2[%dma_start3A_28, %dma_start3A_29] : memref<10000x64xf32, #tpu.memory_space<hbm>> -> memref<10000x64xf32, #tpu.memory_space<hbm>>
    %dma_start3A_31 = tpu.memref_slice %arg10[%dma_start3A_20] : memref<5x!tpu.dma_semaphore, #tpu.memory_space<semaphore_mem>> -> memref<1x!tpu.dma_semaphore, #tpu.memory_space<semaphore_mem>>
    %dma_start3A_32 = tpu.memref_squeeze %dma_start3A_31 : memref<1x!tpu.dma_semaphore, #tpu.memory_space<semaphore_mem>> -> memref<!tpu.dma_semaphore, #tpu.memory_space<semaphore_mem>>
    tpu.enqueue_indirect_dma source(%dma_start3A_30 : memref<10000x64xf32, #tpu.memory_space<hbm>>) target(%dma_start3A_24 : memref<80x64xf32, #tpu.memory_space<vmem>>) offsets(%dma_start3A_27 : memref<80xi32, #tpu.memory_space<vmem>>) semaphore(%dma_start3A_32 : memref<!tpu.dma_semaphore, #tpu.memory_space<semaphore_mem>>)
    %dma_start3A_33 = arith.constant 2 : i32
    %dma_start3A_34 = arith.constant 2 : i32
    %dma_start3A_35 = arith.constant 2 : i32
    %dma_start3A_36 = arith.constant 0 : i32
    %dma_start3A_37 = arith.constant 0 : i32
    %dma_start3A_38 = tpu.memref_slice %arg8[%dma_start3A_34, %dma_start3A_36, %dma_start3A_37] : memref<5x80x64xf32, #tpu.memory_space<vmem>> -> memref<1x80x64xf32, #tpu.memory_space<vmem>>
    %dma_start3A_39 = tpu.memref_squeeze %dma_start3A_38 : memref<1x80x64xf32, #tpu.memory_space<vmem>> -> memref<80x64xf32, #tpu.memory_space<vmem>>
    %dma_start3A_40 = arith.constant 0 : i32
    %dma_start3A_41 = tpu.memref_slice %arg6[%dma_start3A_33, %dma_start3A_40] : memref<125x80xi32, #tpu.memory_space<vmem>> -> memref<1x80xi32, #tpu.memory_space<vmem>>
    %dma_start3A_42 = tpu.memref_squeeze %dma_start3A_41 : memref<1x80xi32, #tpu.memory_space<vmem>> -> memref<80xi32, #tpu.memory_space<vmem>>
    %dma_start3A_43 = arith.constant 0 : i32
    %dma_start3A_44 = arith.constant 0 : i32
    %dma_start3A_45 = tpu.memref_slice %arg2[%dma_start3A_43, %dma_start3A_44] : memref<10000x64xf32, #tpu.memory_space<hbm>> -> memref<10000x64xf32, #tpu.memory_space<hbm>>
    %dma_start3A_46 = tpu.memref_slice %arg10[%dma_start3A_35] : memref<5x!tpu.dma_semaphore, #tpu.memory_space<semaphore_mem>> -> memref<1x!tpu.dma_semaphore, #tpu.memory_space<semaphore_mem>>
    %dma_start3A_47 = tpu.memref_squeeze %dma_start3A_46 : memref<1x!tpu.dma_semaphore, #tpu.memory_space<semaphore_mem>> -> memref<!tpu.dma_semaphore, #tpu.memory_space<semaphore_mem>>
    tpu.enqueue_indirect_dma source(%dma_start3A_45 : memref<10000x64xf32, #tpu.memory_space<hbm>>) target(%dma_start3A_39 : memref<80x64xf32, #tpu.memory_space<vmem>>) offsets(%dma_start3A_42 : memref<80xi32, #tpu.memory_space<vmem>>) semaphore(%dma_start3A_47 : memref<!tpu.dma_semaphore, #tpu.memory_space<semaphore_mem>>)
    %scan3A = arith.constant 0 : i32
    %scan3A_48 = arith.constant 0 : i32
    %scan3A_49 = arith.constant 25 : i32
    %scan3A_50 = arith.addi %scan3A_48, %scan3A_49 : i32
    %scan3A_51 = arith.constant 1 : i32
    scf.for %scan3A_128 = %scan3A_48 to %scan3A_50 step %scan3A_51  : i32 {
      %mul3A_129 = arith.constant 5 : i32
      %mul3A_130 = arith.muli %mul3A_129, %scan3A_128 : i32
      %add3A_131 = arith.constant 0 : i32
      %add3A_132 = arith.addi %mul3A_130, %add3A_131 : i32
      %dma_wait3A_133 = arith.constant 0 : i32
      %dma_wait3A_134 = arith.constant 0 : i32
      %dma_wait3A_135 = arith.constant 0 : i32
      %dma_wait3A_136 = arith.constant 0 : i32
      %dma_wait3A_137 = arith.constant 0 : i32
      %dma_wait3A_138 = tpu.memref_slice %arg8[%dma_wait3A_134, %dma_wait3A_136, %dma_wait3A_137] : memref<5x80x64xf32, #tpu.memory_space<vmem>> -> memref<1x80x64xf32, #tpu.memory_space<vmem>>
      %dma_wait3A_139 = tpu.memref_squeeze %dma_wait3A_138 : memref<1x80x64xf32, #tpu.memory_space<vmem>> -> memref<80x64xf32, #tpu.memory_space<vmem>>
      %dma_wait3A_140 = arith.constant 0 : i32
      %dma_wait3A_141 = tpu.memref_slice %arg6[%dma_wait3A_133, %dma_wait3A_140] : memref<125x80xi32, #tpu.memory_space<vmem>> -> memref<1x80xi32, #tpu.memory_space<vmem>>
      %dma_wait3A_142 = tpu.memref_squeeze %dma_wait3A_141 : memref<1x80xi32, #tpu.memory_space<vmem>> -> memref<80xi32, #tpu.memory_space<vmem>>
      %dma_wait3A_143 = arith.constant 0 : i32
      %dma_wait3A_144 = arith.constant 0 : i32
      %dma_wait3A_145 = tpu.memref_slice %arg2[%dma_wait3A_143, %dma_wait3A_144] : memref<10000x64xf32, #tpu.memory_space<hbm>> -> memref<10000x64xf32, #tpu.memory_space<hbm>>
      %dma_wait3A_146 = tpu.memref_slice %arg10[%dma_wait3A_135] : memref<5x!tpu.dma_semaphore, #tpu.memory_space<semaphore_mem>> -> memref<1x!tpu.dma_semaphore, #tpu.memory_space<semaphore_mem>>
      %dma_wait3A_147 = tpu.memref_squeeze %dma_wait3A_146 : memref<1x!tpu.dma_semaphore, #tpu.memory_space<semaphore_mem>> -> memref<!tpu.dma_semaphore, #tpu.memory_space<semaphore_mem>>
      tpu.wait_indirect_dma semaphore(%dma_wait3A_147 : memref<!tpu.dma_semaphore, #tpu.memory_space<semaphore_mem>>) src(%dma_wait3A_145 : memref<10000x64xf32, #tpu.memory_space<hbm>>) dst(%dma_wait3A_139 : memref<80x64xf32, #tpu.memory_space<vmem>>)
      %dma_start3A_148 = arith.constant 0 : i32
      %dma_start3A_149 = arith.constant 0 : i32
      %dma_start3A_150 = arith.constant 0 : i32
      %dma_start3A_151 = arith.constant 0 : i32
      %dma_start3A_152 = tpu.memref_slice %arg8[%dma_start3A_148, %dma_start3A_150, %dma_start3A_151] : memref<5x80x64xf32, #tpu.memory_space<vmem>> -> memref<1x80x64xf32, #tpu.memory_space<vmem>>
      %dma_start3A_153 = tpu.memref_squeeze %dma_start3A_152 : memref<1x80x64xf32, #tpu.memory_space<vmem>> -> memref<80x64xf32, #tpu.memory_space<vmem>>
      %dma_start3A_154 = arith.constant 0 : i32
      %dma_start3A_155 = tpu.memref_slice %arg7[%add3A_132, %dma_start3A_154] : memref<125x80xi32, #tpu.memory_space<vmem>> -> memref<1x80xi32, #tpu.memory_space<vmem>>
      %dma_start3A_156 = tpu.memref_squeeze %dma_start3A_155 : memref<1x80xi32, #tpu.memory_space<vmem>> -> memref<80xi32, #tpu.memory_space<vmem>>
      %dma_start3A_157 = arith.constant 0 : i32
      %dma_start3A_158 = arith.constant 0 : i32
      %dma_start3A_159 = tpu.memref_slice %arg9[%dma_start3A_157, %dma_start3A_158] : memref<10112x64xf32, #tpu.memory_space<vmem_shared>> -> memref<10112x64xf32, #tpu.memory_space<vmem_shared>>
      %dma_start3A_160 = tpu.memref_slice %arg11[%dma_start3A_149] : memref<5x!tpu.dma_semaphore, #tpu.memory_space<semaphore_mem>> -> memref<1x!tpu.dma_semaphore, #tpu.memory_space<semaphore_mem>>
      %dma_start3A_161 = tpu.memref_squeeze %dma_start3A_160 : memref<1x!tpu.dma_semaphore, #tpu.memory_space<semaphore_mem>> -> memref<!tpu.dma_semaphore, #tpu.memory_space<semaphore_mem>>
      tpu.enqueue_indirect_dma source(%dma_start3A_153 : memref<80x64xf32, #tpu.memory_space<vmem>>) target(%dma_start3A_159 : memref<10112x64xf32, #tpu.memory_space<vmem_shared>>) offsets(%dma_start3A_156 : memref<80xi32, #tpu.memory_space<vmem>>) semaphore(%dma_start3A_161 : memref<!tpu.dma_semaphore, #tpu.memory_space<semaphore_mem>>) {add = true}
      %add3A_162 = arith.constant 5 : i32
      %add3A_163 = arith.addi %add3A_132, %add3A_162 : i32
      %sub3A = arith.constant 2 : i32
      %sub3A_164 = arith.subi %add3A_163, %sub3A : i32
      %ge3A = arith.constant 2 : i32
      %ge3A_165 = arith.cmpi sge, %add3A_132, %ge3A : i32
      %lt3A = arith.constant 125 : i32
      %lt3A_166 = arith.cmpi slt, %sub3A_164, %lt3A : i32
      %and3A = arith.andi %ge3A_165, %lt3A_166 : i1
      %convert_element_type3A = arith.extui %and3A : i1 to i32
      %cond3A = arith.constant 0 : i32
      %cond3A_167 = arith.cmpi ne, %convert_element_type3A, %cond3A : i32
      scf.if %cond3A_167 {
        %dma_wait3A_365 = arith.constant 3 : i32
        %dma_wait3A_366 = arith.constant 0 : i32
        %dma_wait3A_367 = arith.constant 3 : i32
        %dma_wait3A_368 = arith.constant 0 : i32
        %dma_wait3A_369 = arith.constant 0 : i32
        %dma_wait3A_370 = tpu.memref_slice %arg8[%dma_wait3A_365, %dma_wait3A_368, %dma_wait3A_369] : memref<5x80x64xf32, #tpu.memory_space<vmem>> -> memref<1x80x64xf32, #tpu.memory_space<vmem>>
        %dma_wait3A_371 = tpu.memref_squeeze %dma_wait3A_370 : memref<1x80x64xf32, #tpu.memory_space<vmem>> -> memref<80x64xf32, #tpu.memory_space<vmem>>
        %dma_wait3A_372 = arith.constant 0 : i32
        %dma_wait3A_373 = tpu.memref_slice %arg7[%dma_wait3A_366, %dma_wait3A_372] : memref<125x80xi32, #tpu.memory_space<vmem>> -> memref<1x80xi32, #tpu.memory_space<vmem>>
        %dma_wait3A_374 = tpu.memref_squeeze %dma_wait3A_373 : memref<1x80xi32, #tpu.memory_space<vmem>> -> memref<80xi32, #tpu.memory_space<vmem>>
        %dma_wait3A_375 = arith.constant 0 : i32
        %dma_wait3A_376 = arith.constant 0 : i32
        %dma_wait3A_377 = tpu.memref_slice %arg9[%dma_wait3A_375, %dma_wait3A_376] : memref<10112x64xf32, #tpu.memory_space<vmem_shared>> -> memref<10112x64xf32, #tpu.memory_space<vmem_shared>>
        %dma_wait3A_378 = tpu.memref_slice %arg11[%dma_wait3A_367] : memref<5x!tpu.dma_semaphore, #tpu.memory_space<semaphore_mem>> -> memref<1x!tpu.dma_semaphore, #tpu.memory_space<semaphore_mem>>
        %dma_wait3A_379 = tpu.memref_squeeze %dma_wait3A_378 : memref<1x!tpu.dma_semaphore, #tpu.memory_space<semaphore_mem>> -> memref<!tpu.dma_semaphore, #tpu.memory_space<semaphore_mem>>
        tpu.wait_indirect_dma semaphore(%dma_wait3A_379 : memref<!tpu.dma_semaphore, #tpu.memory_space<semaphore_mem>>) src(%dma_wait3A_371 : memref<80x64xf32, #tpu.memory_space<vmem>>) dst(%dma_wait3A_377 : memref<10112x64xf32, #tpu.memory_space<vmem_shared>>)
      } else {
      }
      %lt3A_168 = arith.constant 125 : i32
      %lt3A_169 = arith.cmpi slt, %sub3A_164, %lt3A_168 : i32
      %convert_element_type3A_170 = arith.extui %lt3A_169 : i1 to i32
      %cond3A_171 = arith.constant 0 : i32
      %cond3A_172 = arith.cmpi ne, %convert_element_type3A_170, %cond3A_171 : i32
      scf.if %cond3A_172 {
        %dma_start3A_365 = arith.constant 3 : i32
        %dma_start3A_366 = arith.constant 3 : i32
        %dma_start3A_367 = arith.constant 0 : i32
        %dma_start3A_368 = arith.constant 0 : i32
        %dma_start3A_369 = tpu.memref_slice %arg8[%dma_start3A_365, %dma_start3A_367, %dma_start3A_368] : memref<5x80x64xf32, #tpu.memory_space<vmem>> -> memref<1x80x64xf32, #tpu.memory_space<vmem>>
        %dma_start3A_370 = tpu.memref_squeeze %dma_start3A_369 : memref<1x80x64xf32, #tpu.memory_space<vmem>> -> memref<80x64xf32, #tpu.memory_space<vmem>>
        %dma_start3A_371 = arith.constant 0 : i32
        %dma_start3A_372 = tpu.memref_slice %arg6[%sub3A_164, %dma_start3A_371] : memref<125x80xi32, #tpu.memory_space<vmem>> -> memref<1x80xi32, #tpu.memory_space<vmem>>
        %dma_start3A_373 = tpu.memref_squeeze %dma_start3A_372 : memref<1x80xi32, #tpu.memory_space<vmem>> -> memref<80xi32, #tpu.memory_space<vmem>>
        %dma_start3A_374 = arith.constant 0 : i32
        %dma_start3A_375 = arith.constant 0 : i32
        %dma_start3A_376 = tpu.memref_slice %arg2[%dma_start3A_374, %dma_start3A_375] : memref<10000x64xf32, #tpu.memory_space<hbm>> -> memref<10000x64xf32, #tpu.memory_space<hbm>>
        %dma_start3A_377 = tpu.memref_slice %arg10[%dma_start3A_366] : memref<5x!tpu.dma_semaphore, #tpu.memory_space<semaphore_mem>> -> memref<1x!tpu.dma_semaphore, #tpu.memory_space<semaphore_mem>>
        %dma_start3A_378 = tpu.memref_squeeze %dma_start3A_377 : memref<1x!tpu.dma_semaphore, #tpu.memory_space<semaphore_mem>> -> memref<!tpu.dma_semaphore, #tpu.memory_space<semaphore_mem>>
        tpu.enqueue_indirect_dma source(%dma_start3A_376 : memref<10000x64xf32, #tpu.memory_space<hbm>>) target(%dma_start3A_370 : memref<80x64xf32, #tpu.memory_space<vmem>>) offsets(%dma_start3A_373 : memref<80xi32, #tpu.memory_space<vmem>>) semaphore(%dma_start3A_378 : memref<!tpu.dma_semaphore, #tpu.memory_space<semaphore_mem>>)
      } else {
      }
      %add3A_173 = arith.constant 1 : i32
      %add3A_174 = arith.addi %mul3A_130, %add3A_173 : i32
      %dma_wait3A_175 = arith.constant 0 : i32
      %dma_wait3A_176 = arith.constant 1 : i32
      %dma_wait3A_177 = arith.constant 1 : i32
      %dma_wait3A_178 = arith.constant 0 : i32
      %dma_wait3A_179 = arith.constant 0 : i32
      %dma_wait3A_180 = tpu.memref_slice %arg8[%dma_wait3A_176, %dma_wait3A_178, %dma_wait3A_179] : memref<5x80x64xf32, #tpu.memory_space<vmem>> -> memref<1x80x64xf32, #tpu.memory_space<vmem>>
      %dma_wait3A_181 = tpu.memref_squeeze %dma_wait3A_180 : memref<1x80x64xf32, #tpu.memory_space<vmem>> -> memref<80x64xf32, #tpu.memory_space<vmem>>
      %dma_wait3A_182 = arith.constant 0 : i32
      %dma_wait3A_183 = tpu.memref_slice %arg6[%dma_wait3A_175, %dma_wait3A_182] : memref<125x80xi32, #tpu.memory_space<vmem>> -> memref<1x80xi32, #tpu.memory_space<vmem>>
      %dma_wait3A_184 = tpu.memref_squeeze %dma_wait3A_183 : memref<1x80xi32, #tpu.memory_space<vmem>> -> memref<80xi32, #tpu.memory_space<vmem>>
      %dma_wait3A_185 = arith.constant 0 : i32
      %dma_wait3A_186 = arith.constant 0 : i32
      %dma_wait3A_187 = tpu.memref_slice %arg2[%dma_wait3A_185, %dma_wait3A_186] : memref<10000x64xf32, #tpu.memory_space<hbm>> -> memref<10000x64xf32, #tpu.memory_space<hbm>>
      %dma_wait3A_188 = tpu.memref_slice %arg10[%dma_wait3A_177] : memref<5x!tpu.dma_semaphore, #tpu.memory_space<semaphore_mem>> -> memref<1x!tpu.dma_semaphore, #tpu.memory_space<semaphore_mem>>
      %dma_wait3A_189 = tpu.memref_squeeze %dma_wait3A_188 : memref<1x!tpu.dma_semaphore, #tpu.memory_space<semaphore_mem>> -> memref<!tpu.dma_semaphore, #tpu.memory_space<semaphore_mem>>
      tpu.wait_indirect_dma semaphore(%dma_wait3A_189 : memref<!tpu.dma_semaphore, #tpu.memory_space<semaphore_mem>>) src(%dma_wait3A_187 : memref<10000x64xf32, #tpu.memory_space<hbm>>) dst(%dma_wait3A_181 : memref<80x64xf32, #tpu.memory_space<vmem>>)
      %dma_start3A_190 = arith.constant 1 : i32
      %dma_start3A_191 = arith.constant 1 : i32
      %dma_start3A_192 = arith.constant 0 : i32
      %dma_start3A_193 = arith.constant 0 : i32
      %dma_start3A_194 = tpu.memref_slice %arg8[%dma_start3A_190, %dma_start3A_192, %dma_start3A_193] : memref<5x80x64xf32, #tpu.memory_space<vmem>> -> memref<1x80x64xf32, #tpu.memory_space<vmem>>
      %dma_start3A_195 = tpu.memref_squeeze %dma_start3A_194 : memref<1x80x64xf32, #tpu.memory_space<vmem>> -> memref<80x64xf32, #tpu.memory_space<vmem>>
      %dma_start3A_196 = arith.constant 0 : i32
      %dma_start3A_197 = tpu.memref_slice %arg7[%add3A_174, %dma_start3A_196] : memref<125x80xi32, #tpu.memory_space<vmem>> -> memref<1x80xi32, #tpu.memory_space<vmem>>
      %dma_start3A_198 = tpu.memref_squeeze %dma_start3A_197 : memref<1x80xi32, #tpu.memory_space<vmem>> -> memref<80xi32, #tpu.memory_space<vmem>>
      %dma_start3A_199 = arith.constant 0 : i32
      %dma_start3A_200 = arith.constant 0 : i32
      %dma_start3A_201 = tpu.memref_slice %arg9[%dma_start3A_199, %dma_start3A_200] : memref<10112x64xf32, #tpu.memory_space<vmem_shared>> -> memref<10112x64xf32, #tpu.memory_space<vmem_shared>>
      %dma_start3A_202 = tpu.memref_slice %arg11[%dma_start3A_191] : memref<5x!tpu.dma_semaphore, #tpu.memory_space<semaphore_mem>> -> memref<1x!tpu.dma_semaphore, #tpu.memory_space<semaphore_mem>>
      %dma_start3A_203 = tpu.memref_squeeze %dma_start3A_202 : memref<1x!tpu.dma_semaphore, #tpu.memory_space<semaphore_mem>> -> memref<!tpu.dma_semaphore, #tpu.memory_space<semaphore_mem>>
      tpu.enqueue_indirect_dma source(%dma_start3A_195 : memref<80x64xf32, #tpu.memory_space<vmem>>) target(%dma_start3A_201 : memref<10112x64xf32, #tpu.memory_space<vmem_shared>>) offsets(%dma_start3A_198 : memref<80xi32, #tpu.memory_space<vmem>>) semaphore(%dma_start3A_203 : memref<!tpu.dma_semaphore, #tpu.memory_space<semaphore_mem>>) {add = true}
      %add3A_204 = arith.constant 5 : i32
      %add3A_205 = arith.addi %add3A_174, %add3A_204 : i32
      %sub3A_206 = arith.constant 2 : i32
      %sub3A_207 = arith.subi %add3A_205, %sub3A_206 : i32
      %ge3A_208 = arith.constant 2 : i32
      %ge3A_209 = arith.cmpi sge, %add3A_174, %ge3A_208 : i32
      %lt3A_210 = arith.constant 125 : i32
      %lt3A_211 = arith.cmpi slt, %sub3A_207, %lt3A_210 : i32
      %and3A_212 = arith.andi %ge3A_209, %lt3A_211 : i1
      %convert_element_type3A_213 = arith.extui %and3A_212 : i1 to i32
      %cond3A_214 = arith.constant 0 : i32
      %cond3A_215 = arith.cmpi ne, %convert_element_type3A_213, %cond3A_214 : i32
      scf.if %cond3A_215 {
        %dma_wait3A_365 = arith.constant 4 : i32
        %dma_wait3A_366 = arith.constant 0 : i32
        %dma_wait3A_367 = arith.constant 4 : i32
        %dma_wait3A_368 = arith.constant 0 : i32
        %dma_wait3A_369 = arith.constant 0 : i32
        %dma_wait3A_370 = tpu.memref_slice %arg8[%dma_wait3A_365, %dma_wait3A_368, %dma_wait3A_369] : memref<5x80x64xf32, #tpu.memory_space<vmem>> -> memref<1x80x64xf32, #tpu.memory_space<vmem>>
        %dma_wait3A_371 = tpu.memref_squeeze %dma_wait3A_370 : memref<1x80x64xf32, #tpu.memory_space<vmem>> -> memref<80x64xf32, #tpu.memory_space<vmem>>
        %dma_wait3A_372 = arith.constant 0 : i32
        %dma_wait3A_373 = tpu.memref_slice %arg7[%dma_wait3A_366, %dma_wait3A_372] : memref<125x80xi32, #tpu.memory_space<vmem>> -> memref<1x80xi32, #tpu.memory_space<vmem>>
        %dma_wait3A_374 = tpu.memref_squeeze %dma_wait3A_373 : memref<1x80xi32, #tpu.memory_space<vmem>> -> memref<80xi32, #tpu.memory_space<vmem>>
        %dma_wait3A_375 = arith.constant 0 : i32
        %dma_wait3A_376 = arith.constant 0 : i32
        %dma_wait3A_377 = tpu.memref_slice %arg9[%dma_wait3A_375, %dma_wait3A_376] : memref<10112x64xf32, #tpu.memory_space<vmem_shared>> -> memref<10112x64xf32, #tpu.memory_space<vmem_shared>>
        %dma_wait3A_378 = tpu.memref_slice %arg11[%dma_wait3A_367] : memref<5x!tpu.dma_semaphore, #tpu.memory_space<semaphore_mem>> -> memref<1x!tpu.dma_semaphore, #tpu.memory_space<semaphore_mem>>
        %dma_wait3A_379 = tpu.memref_squeeze %dma_wait3A_378 : memref<1x!tpu.dma_semaphore, #tpu.memory_space<semaphore_mem>> -> memref<!tpu.dma_semaphore, #tpu.memory_space<semaphore_mem>>
        tpu.wait_indirect_dma semaphore(%dma_wait3A_379 : memref<!tpu.dma_semaphore, #tpu.memory_space<semaphore_mem>>) src(%dma_wait3A_371 : memref<80x64xf32, #tpu.memory_space<vmem>>) dst(%dma_wait3A_377 : memref<10112x64xf32, #tpu.memory_space<vmem_shared>>)
      } else {
      }
      %lt3A_216 = arith.constant 125 : i32
      %lt3A_217 = arith.cmpi slt, %sub3A_207, %lt3A_216 : i32
      %convert_element_type3A_218 = arith.extui %lt3A_217 : i1 to i32
      %cond3A_219 = arith.constant 0 : i32
      %cond3A_220 = arith.cmpi ne, %convert_element_type3A_218, %cond3A_219 : i32
      scf.if %cond3A_220 {
        %dma_start3A_365 = arith.constant 4 : i32
        %dma_start3A_366 = arith.constant 4 : i32
        %dma_start3A_367 = arith.constant 0 : i32
        %dma_start3A_368 = arith.constant 0 : i32
        %dma_start3A_369 = tpu.memref_slice %arg8[%dma_start3A_365, %dma_start3A_367, %dma_start3A_368] : memref<5x80x64xf32, #tpu.memory_space<vmem>> -> memref<1x80x64xf32, #tpu.memory_space<vmem>>
        %dma_start3A_370 = tpu.memref_squeeze %dma_start3A_369 : memref<1x80x64xf32, #tpu.memory_space<vmem>> -> memref<80x64xf32, #tpu.memory_space<vmem>>
        %dma_start3A_371 = arith.constant 0 : i32
        %dma_start3A_372 = tpu.memref_slice %arg6[%sub3A_207, %dma_start3A_371] : memref<125x80xi32, #tpu.memory_space<vmem>> -> memref<1x80xi32, #tpu.memory_space<vmem>>
        %dma_start3A_373 = tpu.memref_squeeze %dma_start3A_372 : memref<1x80xi32, #tpu.memory_space<vmem>> -> memref<80xi32, #tpu.memory_space<vmem>>
        %dma_start3A_374 = arith.constant 0 : i32
        %dma_start3A_375 = arith.constant 0 : i32
        %dma_start3A_376 = tpu.memref_slice %arg2[%dma_start3A_374, %dma_start3A_375] : memref<10000x64xf32, #tpu.memory_space<hbm>> -> memref<10000x64xf32, #tpu.memory_space<hbm>>
        %dma_start3A_377 = tpu.memref_slice %arg10[%dma_start3A_366] : memref<5x!tpu.dma_semaphore, #tpu.memory_space<semaphore_mem>> -> memref<1x!tpu.dma_semaphore, #tpu.memory_space<semaphore_mem>>
        %dma_start3A_378 = tpu.memref_squeeze %dma_start3A_377 : memref<1x!tpu.dma_semaphore, #tpu.memory_space<semaphore_mem>> -> memref<!tpu.dma_semaphore, #tpu.memory_space<semaphore_mem>>
        tpu.enqueue_indirect_dma source(%dma_start3A_376 : memref<10000x64xf32, #tpu.memory_space<hbm>>) target(%dma_start3A_370 : memref<80x64xf32, #tpu.memory_space<vmem>>) offsets(%dma_start3A_373 : memref<80xi32, #tpu.memory_space<vmem>>) semaphore(%dma_start3A_378 : memref<!tpu.dma_semaphore, #tpu.memory_space<semaphore_mem>>)
      } else {
      }
      %add3A_221 = arith.constant 2 : i32
      %add3A_222 = arith.addi %mul3A_130, %add3A_221 : i32
      %dma_wait3A_223 = arith.constant 0 : i32
      %dma_wait3A_224 = arith.constant 2 : i32
      %dma_wait3A_225 = arith.constant 2 : i32
      %dma_wait3A_226 = arith.constant 0 : i32
      %dma_wait3A_227 = arith.constant 0 : i32
      %dma_wait3A_228 = tpu.memref_slice %arg8[%dma_wait3A_224, %dma_wait3A_226, %dma_wait3A_227] : memref<5x80x64xf32, #tpu.memory_space<vmem>> -> memref<1x80x64xf32, #tpu.memory_space<vmem>>
      %dma_wait3A_229 = tpu.memref_squeeze %dma_wait3A_228 : memref<1x80x64xf32, #tpu.memory_space<vmem>> -> memref<80x64xf32, #tpu.memory_space<vmem>>
      %dma_wait3A_230 = arith.constant 0 : i32
      %dma_wait3A_231 = tpu.memref_slice %arg6[%dma_wait3A_223, %dma_wait3A_230] : memref<125x80xi32, #tpu.memory_space<vmem>> -> memref<1x80xi32, #tpu.memory_space<vmem>>
      %dma_wait3A_232 = tpu.memref_squeeze %dma_wait3A_231 : memref<1x80xi32, #tpu.memory_space<vmem>> -> memref<80xi32, #tpu.memory_space<vmem>>
      %dma_wait3A_233 = arith.constant 0 : i32
      %dma_wait3A_234 = arith.constant 0 : i32
      %dma_wait3A_235 = tpu.memref_slice %arg2[%dma_wait3A_233, %dma_wait3A_234] : memref<10000x64xf32, #tpu.memory_space<hbm>> -> memref<10000x64xf32, #tpu.memory_space<hbm>>
      %dma_wait3A_236 = tpu.memref_slice %arg10[%dma_wait3A_225] : memref<5x!tpu.dma_semaphore, #tpu.memory_space<semaphore_mem>> -> memref<1x!tpu.dma_semaphore, #tpu.memory_space<semaphore_mem>>
      %dma_wait3A_237 = tpu.memref_squeeze %dma_wait3A_236 : memref<1x!tpu.dma_semaphore, #tpu.memory_space<semaphore_mem>> -> memref<!tpu.dma_semaphore, #tpu.memory_space<semaphore_mem>>
      tpu.wait_indirect_dma semaphore(%dma_wait3A_237 : memref<!tpu.dma_semaphore, #tpu.memory_space<semaphore_mem>>) src(%dma_wait3A_235 : memref<10000x64xf32, #tpu.memory_space<hbm>>) dst(%dma_wait3A_229 : memref<80x64xf32, #tpu.memory_space<vmem>>)
      %dma_start3A_238 = arith.constant 2 : i32
      %dma_start3A_239 = arith.constant 2 : i32
      %dma_start3A_240 = arith.constant 0 : i32
      %dma_start3A_241 = arith.constant 0 : i32
      %dma_start3A_242 = tpu.memref_slice %arg8[%dma_start3A_238, %dma_start3A_240, %dma_start3A_241] : memref<5x80x64xf32, #tpu.memory_space<vmem>> -> memref<1x80x64xf32, #tpu.memory_space<vmem>>
      %dma_start3A_243 = tpu.memref_squeeze %dma_start3A_242 : memref<1x80x64xf32, #tpu.memory_space<vmem>> -> memref<80x64xf32, #tpu.memory_space<vmem>>
      %dma_start3A_244 = arith.constant 0 : i32
      %dma_start3A_245 = tpu.memref_slice %arg7[%add3A_222, %dma_start3A_244] : memref<125x80xi32, #tpu.memory_space<vmem>> -> memref<1x80xi32, #tpu.memory_space<vmem>>
      %dma_start3A_246 = tpu.memref_squeeze %dma_start3A_245 : memref<1x80xi32, #tpu.memory_space<vmem>> -> memref<80xi32, #tpu.memory_space<vmem>>
      %dma_start3A_247 = arith.constant 0 : i32
      %dma_start3A_248 = arith.constant 0 : i32
      %dma_start3A_249 = tpu.memref_slice %arg9[%dma_start3A_247, %dma_start3A_248] : memref<10112x64xf32, #tpu.memory_space<vmem_shared>> -> memref<10112x64xf32, #tpu.memory_space<vmem_shared>>
      %dma_start3A_250 = tpu.memref_slice %arg11[%dma_start3A_239] : memref<5x!tpu.dma_semaphore, #tpu.memory_space<semaphore_mem>> -> memref<1x!tpu.dma_semaphore, #tpu.memory_space<semaphore_mem>>
      %dma_start3A_251 = tpu.memref_squeeze %dma_start3A_250 : memref<1x!tpu.dma_semaphore, #tpu.memory_space<semaphore_mem>> -> memref<!tpu.dma_semaphore, #tpu.memory_space<semaphore_mem>>
      tpu.enqueue_indirect_dma source(%dma_start3A_243 : memref<80x64xf32, #tpu.memory_space<vmem>>) target(%dma_start3A_249 : memref<10112x64xf32, #tpu.memory_space<vmem_shared>>) offsets(%dma_start3A_246 : memref<80xi32, #tpu.memory_space<vmem>>) semaphore(%dma_start3A_251 : memref<!tpu.dma_semaphore, #tpu.memory_space<semaphore_mem>>) {add = true}
      %add3A_252 = arith.constant 5 : i32
      %add3A_253 = arith.addi %add3A_222, %add3A_252 : i32
      %sub3A_254 = arith.constant 2 : i32
      %sub3A_255 = arith.subi %add3A_253, %sub3A_254 : i32
      %ge3A_256 = arith.constant 2 : i32
      %ge3A_257 = arith.cmpi sge, %add3A_222, %ge3A_256 : i32
      %lt3A_258 = arith.constant 125 : i32
      %lt3A_259 = arith.cmpi slt, %sub3A_255, %lt3A_258 : i32
      %and3A_260 = arith.andi %ge3A_257, %lt3A_259 : i1
      %convert_element_type3A_261 = arith.extui %and3A_260 : i1 to i32
      %cond3A_262 = arith.constant 0 : i32
      %cond3A_263 = arith.cmpi ne, %convert_element_type3A_261, %cond3A_262 : i32
      scf.if %cond3A_263 {
        %dma_wait3A_365 = arith.constant 0 : i32
        %dma_wait3A_366 = arith.constant 0 : i32
        %dma_wait3A_367 = arith.constant 0 : i32
        %dma_wait3A_368 = arith.constant 0 : i32
        %dma_wait3A_369 = arith.constant 0 : i32
        %dma_wait3A_370 = tpu.memref_slice %arg8[%dma_wait3A_365, %dma_wait3A_368, %dma_wait3A_369] : memref<5x80x64xf32, #tpu.memory_space<vmem>> -> memref<1x80x64xf32, #tpu.memory_space<vmem>>
        %dma_wait3A_371 = tpu.memref_squeeze %dma_wait3A_370 : memref<1x80x64xf32, #tpu.memory_space<vmem>> -> memref<80x64xf32, #tpu.memory_space<vmem>>
        %dma_wait3A_372 = arith.constant 0 : i32
        %dma_wait3A_373 = tpu.memref_slice %arg7[%dma_wait3A_366, %dma_wait3A_372] : memref<125x80xi32, #tpu.memory_space<vmem>> -> memref<1x80xi32, #tpu.memory_space<vmem>>
        %dma_wait3A_374 = tpu.memref_squeeze %dma_wait3A_373 : memref<1x80xi32, #tpu.memory_space<vmem>> -> memref<80xi32, #tpu.memory_space<vmem>>
        %dma_wait3A_375 = arith.constant 0 : i32
        %dma_wait3A_376 = arith.constant 0 : i32
        %dma_wait3A_377 = tpu.memref_slice %arg9[%dma_wait3A_375, %dma_wait3A_376] : memref<10112x64xf32, #tpu.memory_space<vmem_shared>> -> memref<10112x64xf32, #tpu.memory_space<vmem_shared>>
        %dma_wait3A_378 = tpu.memref_slice %arg11[%dma_wait3A_367] : memref<5x!tpu.dma_semaphore, #tpu.memory_space<semaphore_mem>> -> memref<1x!tpu.dma_semaphore, #tpu.memory_space<semaphore_mem>>
        %dma_wait3A_379 = tpu.memref_squeeze %dma_wait3A_378 : memref<1x!tpu.dma_semaphore, #tpu.memory_space<semaphore_mem>> -> memref<!tpu.dma_semaphore, #tpu.memory_space<semaphore_mem>>
        tpu.wait_indirect_dma semaphore(%dma_wait3A_379 : memref<!tpu.dma_semaphore, #tpu.memory_space<semaphore_mem>>) src(%dma_wait3A_371 : memref<80x64xf32, #tpu.memory_space<vmem>>) dst(%dma_wait3A_377 : memref<10112x64xf32, #tpu.memory_space<vmem_shared>>)
      } else {
      }
      %lt3A_264 = arith.constant 125 : i32
      %lt3A_265 = arith.cmpi slt, %sub3A_255, %lt3A_264 : i32
      %convert_element_type3A_266 = arith.extui %lt3A_265 : i1 to i32
      %cond3A_267 = arith.constant 0 : i32
      %cond3A_268 = arith.cmpi ne, %convert_element_type3A_266, %cond3A_267 : i32
      scf.if %cond3A_268 {
        %dma_start3A_365 = arith.constant 0 : i32
        %dma_start3A_366 = arith.constant 0 : i32
        %dma_start3A_367 = arith.constant 0 : i32
        %dma_start3A_368 = arith.constant 0 : i32
        %dma_start3A_369 = tpu.memref_slice %arg8[%dma_start3A_365, %dma_start3A_367, %dma_start3A_368] : memref<5x80x64xf32, #tpu.memory_space<vmem>> -> memref<1x80x64xf32, #tpu.memory_space<vmem>>
        %dma_start3A_370 = tpu.memref_squeeze %dma_start3A_369 : memref<1x80x64xf32, #tpu.memory_space<vmem>> -> memref<80x64xf32, #tpu.memory_space<vmem>>
        %dma_start3A_371 = arith.constant 0 : i32
        %dma_start3A_372 = tpu.memref_slice %arg6[%sub3A_255, %dma_start3A_371] : memref<125x80xi32, #tpu.memory_space<vmem>> -> memref<1x80xi32, #tpu.memory_space<vmem>>
        %dma_start3A_373 = tpu.memref_squeeze %dma_start3A_372 : memref<1x80xi32, #tpu.memory_space<vmem>> -> memref<80xi32, #tpu.memory_space<vmem>>
        %dma_start3A_374 = arith.constant 0 : i32
        %dma_start3A_375 = arith.constant 0 : i32
        %dma_start3A_376 = tpu.memref_slice %arg2[%dma_start3A_374, %dma_start3A_375] : memref<10000x64xf32, #tpu.memory_space<hbm>> -> memref<10000x64xf32, #tpu.memory_space<hbm>>
        %dma_start3A_377 = tpu.memref_slice %arg10[%dma_start3A_366] : memref<5x!tpu.dma_semaphore, #tpu.memory_space<semaphore_mem>> -> memref<1x!tpu.dma_semaphore, #tpu.memory_space<semaphore_mem>>
        %dma_start3A_378 = tpu.memref_squeeze %dma_start3A_377 : memref<1x!tpu.dma_semaphore, #tpu.memory_space<semaphore_mem>> -> memref<!tpu.dma_semaphore, #tpu.memory_space<semaphore_mem>>
        tpu.enqueue_indirect_dma source(%dma_start3A_376 : memref<10000x64xf32, #tpu.memory_space<hbm>>) target(%dma_start3A_370 : memref<80x64xf32, #tpu.memory_space<vmem>>) offsets(%dma_start3A_373 : memref<80xi32, #tpu.memory_space<vmem>>) semaphore(%dma_start3A_378 : memref<!tpu.dma_semaphore, #tpu.memory_space<semaphore_mem>>)
      } else {
      }
      %add3A_269 = arith.constant 3 : i32
      %add3A_270 = arith.addi %mul3A_130, %add3A_269 : i32
      %dma_wait3A_271 = arith.constant 0 : i32
      %dma_wait3A_272 = arith.constant 3 : i32
      %dma_wait3A_273 = arith.constant 3 : i32
      %dma_wait3A_274 = arith.constant 0 : i32
      %dma_wait3A_275 = arith.constant 0 : i32
      %dma_wait3A_276 = tpu.memref_slice %arg8[%dma_wait3A_272, %dma_wait3A_274, %dma_wait3A_275] : memref<5x80x64xf32, #tpu.memory_space<vmem>> -> memref<1x80x64xf32, #tpu.memory_space<vmem>>
      %dma_wait3A_277 = tpu.memref_squeeze %dma_wait3A_276 : memref<1x80x64xf32, #tpu.memory_space<vmem>> -> memref<80x64xf32, #tpu.memory_space<vmem>>
      %dma_wait3A_278 = arith.constant 0 : i32
      %dma_wait3A_279 = tpu.memref_slice %arg6[%dma_wait3A_271, %dma_wait3A_278] : memref<125x80xi32, #tpu.memory_space<vmem>> -> memref<1x80xi32, #tpu.memory_space<vmem>>
      %dma_wait3A_280 = tpu.memref_squeeze %dma_wait3A_279 : memref<1x80xi32, #tpu.memory_space<vmem>> -> memref<80xi32, #tpu.memory_space<vmem>>
      %dma_wait3A_281 = arith.constant 0 : i32
      %dma_wait3A_282 = arith.constant 0 : i32
      %dma_wait3A_283 = tpu.memref_slice %arg2[%dma_wait3A_281, %dma_wait3A_282] : memref<10000x64xf32, #tpu.memory_space<hbm>> -> memref<10000x64xf32, #tpu.memory_space<hbm>>
      %dma_wait3A_284 = tpu.memref_slice %arg10[%dma_wait3A_273] : memref<5x!tpu.dma_semaphore, #tpu.memory_space<semaphore_mem>> -> memref<1x!tpu.dma_semaphore, #tpu.memory_space<semaphore_mem>>
      %dma_wait3A_285 = tpu.memref_squeeze %dma_wait3A_284 : memref<1x!tpu.dma_semaphore, #tpu.memory_space<semaphore_mem>> -> memref<!tpu.dma_semaphore, #tpu.memory_space<semaphore_mem>>
      tpu.wait_indirect_dma semaphore(%dma_wait3A_285 : memref<!tpu.dma_semaphore, #tpu.memory_space<semaphore_mem>>) src(%dma_wait3A_283 : memref<10000x64xf32, #tpu.memory_space<hbm>>) dst(%dma_wait3A_277 : memref<80x64xf32, #tpu.memory_space<vmem>>)
      %dma_start3A_286 = arith.constant 3 : i32
      %dma_start3A_287 = arith.constant 3 : i32
      %dma_start3A_288 = arith.constant 0 : i32
      %dma_start3A_289 = arith.constant 0 : i32
      %dma_start3A_290 = tpu.memref_slice %arg8[%dma_start3A_286, %dma_start3A_288, %dma_start3A_289] : memref<5x80x64xf32, #tpu.memory_space<vmem>> -> memref<1x80x64xf32, #tpu.memory_space<vmem>>
      %dma_start3A_291 = tpu.memref_squeeze %dma_start3A_290 : memref<1x80x64xf32, #tpu.memory_space<vmem>> -> memref<80x64xf32, #tpu.memory_space<vmem>>
      %dma_start3A_292 = arith.constant 0 : i32
      %dma_start3A_293 = tpu.memref_slice %arg7[%add3A_270, %dma_start3A_292] : memref<125x80xi32, #tpu.memory_space<vmem>> -> memref<1x80xi32, #tpu.memory_space<vmem>>
      %dma_start3A_294 = tpu.memref_squeeze %dma_start3A_293 : memref<1x80xi32, #tpu.memory_space<vmem>> -> memref<80xi32, #tpu.memory_space<vmem>>
      %dma_start3A_295 = arith.constant 0 : i32
      %dma_start3A_296 = arith.constant 0 : i32
      %dma_start3A_297 = tpu.memref_slice %arg9[%dma_start3A_295, %dma_start3A_296] : memref<10112x64xf32, #tpu.memory_space<vmem_shared>> -> memref<10112x64xf32, #tpu.memory_space<vmem_shared>>
      %dma_start3A_298 = tpu.memref_slice %arg11[%dma_start3A_287] : memref<5x!tpu.dma_semaphore, #tpu.memory_space<semaphore_mem>> -> memref<1x!tpu.dma_semaphore, #tpu.memory_space<semaphore_mem>>
      %dma_start3A_299 = tpu.memref_squeeze %dma_start3A_298 : memref<1x!tpu.dma_semaphore, #tpu.memory_space<semaphore_mem>> -> memref<!tpu.dma_semaphore, #tpu.memory_space<semaphore_mem>>
      tpu.enqueue_indirect_dma source(%dma_start3A_291 : memref<80x64xf32, #tpu.memory_space<vmem>>) target(%dma_start3A_297 : memref<10112x64xf32, #tpu.memory_space<vmem_shared>>) offsets(%dma_start3A_294 : memref<80xi32, #tpu.memory_space<vmem>>) semaphore(%dma_start3A_299 : memref<!tpu.dma_semaphore, #tpu.memory_space<semaphore_mem>>) {add = true}
      %add3A_300 = arith.constant 5 : i32
      %add3A_301 = arith.addi %add3A_270, %add3A_300 : i32
      %sub3A_302 = arith.constant 2 : i32
      %sub3A_303 = arith.subi %add3A_301, %sub3A_302 : i32
      %ge3A_304 = arith.constant 2 : i32
      %ge3A_305 = arith.cmpi sge, %add3A_270, %ge3A_304 : i32
      %lt3A_306 = arith.constant 125 : i32
      %lt3A_307 = arith.cmpi slt, %sub3A_303, %lt3A_306 : i32
      %and3A_308 = arith.andi %ge3A_305, %lt3A_307 : i1
      %convert_element_type3A_309 = arith.extui %and3A_308 : i1 to i32
      %cond3A_310 = arith.constant 0 : i32
      %cond3A_311 = arith.cmpi ne, %convert_element_type3A_309, %cond3A_310 : i32
      scf.if %cond3A_311 {
        %dma_wait3A_365 = arith.constant 1 : i32
        %dma_wait3A_366 = arith.constant 0 : i32
        %dma_wait3A_367 = arith.constant 1 : i32
        %dma_wait3A_368 = arith.constant 0 : i32
        %dma_wait3A_369 = arith.constant 0 : i32
        %dma_wait3A_370 = tpu.memref_slice %arg8[%dma_wait3A_365, %dma_wait3A_368, %dma_wait3A_369] : memref<5x80x64xf32, #tpu.memory_space<vmem>> -> memref<1x80x64xf32, #tpu.memory_space<vmem>>
        %dma_wait3A_371 = tpu.memref_squeeze %dma_wait3A_370 : memref<1x80x64xf32, #tpu.memory_space<vmem>> -> memref<80x64xf32, #tpu.memory_space<vmem>>
        %dma_wait3A_372 = arith.constant 0 : i32
        %dma_wait3A_373 = tpu.memref_slice %arg7[%dma_wait3A_366, %dma_wait3A_372] : memref<125x80xi32, #tpu.memory_space<vmem>> -> memref<1x80xi32, #tpu.memory_space<vmem>>
        %dma_wait3A_374 = tpu.memref_squeeze %dma_wait3A_373 : memref<1x80xi32, #tpu.memory_space<vmem>> -> memref<80xi32, #tpu.memory_space<vmem>>
        %dma_wait3A_375 = arith.constant 0 : i32
        %dma_wait3A_376 = arith.constant 0 : i32
        %dma_wait3A_377 = tpu.memref_slice %arg9[%dma_wait3A_375, %dma_wait3A_376] : memref<10112x64xf32, #tpu.memory_space<vmem_shared>> -> memref<10112x64xf32, #tpu.memory_space<vmem_shared>>
        %dma_wait3A_378 = tpu.memref_slice %arg11[%dma_wait3A_367] : memref<5x!tpu.dma_semaphore, #tpu.memory_space<semaphore_mem>> -> memref<1x!tpu.dma_semaphore, #tpu.memory_space<semaphore_mem>>
        %dma_wait3A_379 = tpu.memref_squeeze %dma_wait3A_378 : memref<1x!tpu.dma_semaphore, #tpu.memory_space<semaphore_mem>> -> memref<!tpu.dma_semaphore, #tpu.memory_space<semaphore_mem>>
        tpu.wait_indirect_dma semaphore(%dma_wait3A_379 : memref<!tpu.dma_semaphore, #tpu.memory_space<semaphore_mem>>) src(%dma_wait3A_371 : memref<80x64xf32, #tpu.memory_space<vmem>>) dst(%dma_wait3A_377 : memref<10112x64xf32, #tpu.memory_space<vmem_shared>>)
      } else {
      }
      %lt3A_312 = arith.constant 125 : i32
      %lt3A_313 = arith.cmpi slt, %sub3A_303, %lt3A_312 : i32
      %convert_element_type3A_314 = arith.extui %lt3A_313 : i1 to i32
      %cond3A_315 = arith.constant 0 : i32
      %cond3A_316 = arith.cmpi ne, %convert_element_type3A_314, %cond3A_315 : i32
      scf.if %cond3A_316 {
        %dma_start3A_365 = arith.constant 1 : i32
        %dma_start3A_366 = arith.constant 1 : i32
        %dma_start3A_367 = arith.constant 0 : i32
        %dma_start3A_368 = arith.constant 0 : i32
        %dma_start3A_369 = tpu.memref_slice %arg8[%dma_start3A_365, %dma_start3A_367, %dma_start3A_368] : memref<5x80x64xf32, #tpu.memory_space<vmem>> -> memref<1x80x64xf32, #tpu.memory_space<vmem>>
        %dma_start3A_370 = tpu.memref_squeeze %dma_start3A_369 : memref<1x80x64xf32, #tpu.memory_space<vmem>> -> memref<80x64xf32, #tpu.memory_space<vmem>>
        %dma_start3A_371 = arith.constant 0 : i32
        %dma_start3A_372 = tpu.memref_slice %arg6[%sub3A_303, %dma_start3A_371] : memref<125x80xi32, #tpu.memory_space<vmem>> -> memref<1x80xi32, #tpu.memory_space<vmem>>
        %dma_start3A_373 = tpu.memref_squeeze %dma_start3A_372 : memref<1x80xi32, #tpu.memory_space<vmem>> -> memref<80xi32, #tpu.memory_space<vmem>>
        %dma_start3A_374 = arith.constant 0 : i32
        %dma_start3A_375 = arith.constant 0 : i32
        %dma_start3A_376 = tpu.memref_slice %arg2[%dma_start3A_374, %dma_start3A_375] : memref<10000x64xf32, #tpu.memory_space<hbm>> -> memref<10000x64xf32, #tpu.memory_space<hbm>>
        %dma_start3A_377 = tpu.memref_slice %arg10[%dma_start3A_366] : memref<5x!tpu.dma_semaphore, #tpu.memory_space<semaphore_mem>> -> memref<1x!tpu.dma_semaphore, #tpu.memory_space<semaphore_mem>>
        %dma_start3A_378 = tpu.memref_squeeze %dma_start3A_377 : memref<1x!tpu.dma_semaphore, #tpu.memory_space<semaphore_mem>> -> memref<!tpu.dma_semaphore, #tpu.memory_space<semaphore_mem>>
        tpu.enqueue_indirect_dma source(%dma_start3A_376 : memref<10000x64xf32, #tpu.memory_space<hbm>>) target(%dma_start3A_370 : memref<80x64xf32, #tpu.memory_space<vmem>>) offsets(%dma_start3A_373 : memref<80xi32, #tpu.memory_space<vmem>>) semaphore(%dma_start3A_378 : memref<!tpu.dma_semaphore, #tpu.memory_space<semaphore_mem>>)
      } else {
      }
      %add3A_317 = arith.constant 4 : i32
      %add3A_318 = arith.addi %mul3A_130, %add3A_317 : i32
      %dma_wait3A_319 = arith.constant 0 : i32
      %dma_wait3A_320 = arith.constant 4 : i32
      %dma_wait3A_321 = arith.constant 4 : i32
      %dma_wait3A_322 = arith.constant 0 : i32
      %dma_wait3A_323 = arith.constant 0 : i32
      %dma_wait3A_324 = tpu.memref_slice %arg8[%dma_wait3A_320, %dma_wait3A_322, %dma_wait3A_323] : memref<5x80x64xf32, #tpu.memory_space<vmem>> -> memref<1x80x64xf32, #tpu.memory_space<vmem>>
      %dma_wait3A_325 = tpu.memref_squeeze %dma_wait3A_324 : memref<1x80x64xf32, #tpu.memory_space<vmem>> -> memref<80x64xf32, #tpu.memory_space<vmem>>
      %dma_wait3A_326 = arith.constant 0 : i32
      %dma_wait3A_327 = tpu.memref_slice %arg6[%dma_wait3A_319, %dma_wait3A_326] : memref<125x80xi32, #tpu.memory_space<vmem>> -> memref<1x80xi32, #tpu.memory_space<vmem>>
      %dma_wait3A_328 = tpu.memref_squeeze %dma_wait3A_327 : memref<1x80xi32, #tpu.memory_space<vmem>> -> memref<80xi32, #tpu.memory_space<vmem>>
      %dma_wait3A_329 = arith.constant 0 : i32
      %dma_wait3A_330 = arith.constant 0 : i32
      %dma_wait3A_331 = tpu.memref_slice %arg2[%dma_wait3A_329, %dma_wait3A_330] : memref<10000x64xf32, #tpu.memory_space<hbm>> -> memref<10000x64xf32, #tpu.memory_space<hbm>>
      %dma_wait3A_332 = tpu.memref_slice %arg10[%dma_wait3A_321] : memref<5x!tpu.dma_semaphore, #tpu.memory_space<semaphore_mem>> -> memref<1x!tpu.dma_semaphore, #tpu.memory_space<semaphore_mem>>
      %dma_wait3A_333 = tpu.memref_squeeze %dma_wait3A_332 : memref<1x!tpu.dma_semaphore, #tpu.memory_space<semaphore_mem>> -> memref<!tpu.dma_semaphore, #tpu.memory_space<semaphore_mem>>
      tpu.wait_indirect_dma semaphore(%dma_wait3A_333 : memref<!tpu.dma_semaphore, #tpu.memory_space<semaphore_mem>>) src(%dma_wait3A_331 : memref<10000x64xf32, #tpu.memory_space<hbm>>) dst(%dma_wait3A_325 : memref<80x64xf32, #tpu.memory_space<vmem>>)
      %dma_start3A_334 = arith.constant 4 : i32
      %dma_start3A_335 = arith.constant 4 : i32
      %dma_start3A_336 = arith.constant 0 : i32
      %dma_start3A_337 = arith.constant 0 : i32
      %dma_start3A_338 = tpu.memref_slice %arg8[%dma_start3A_334, %dma_start3A_336, %dma_start3A_337] : memref<5x80x64xf32, #tpu.memory_space<vmem>> -> memref<1x80x64xf32, #tpu.memory_space<vmem>>
      %dma_start3A_339 = tpu.memref_squeeze %dma_start3A_338 : memref<1x80x64xf32, #tpu.memory_space<vmem>> -> memref<80x64xf32, #tpu.memory_space<vmem>>
      %dma_start3A_340 = arith.constant 0 : i32
      %dma_start3A_341 = tpu.memref_slice %arg7[%add3A_318, %dma_start3A_340] : memref<125x80xi32, #tpu.memory_space<vmem>> -> memref<1x80xi32, #tpu.memory_space<vmem>>
      %dma_start3A_342 = tpu.memref_squeeze %dma_start3A_341 : memref<1x80xi32, #tpu.memory_space<vmem>> -> memref<80xi32, #tpu.memory_space<vmem>>
      %dma_start3A_343 = arith.constant 0 : i32
      %dma_start3A_344 = arith.constant 0 : i32
      %dma_start3A_345 = tpu.memref_slice %arg9[%dma_start3A_343, %dma_start3A_344] : memref<10112x64xf32, #tpu.memory_space<vmem_shared>> -> memref<10112x64xf32, #tpu.memory_space<vmem_shared>>
      %dma_start3A_346 = tpu.memref_slice %arg11[%dma_start3A_335] : memref<5x!tpu.dma_semaphore, #tpu.memory_space<semaphore_mem>> -> memref<1x!tpu.dma_semaphore, #tpu.memory_space<semaphore_mem>>
      %dma_start3A_347 = tpu.memref_squeeze %dma_start3A_346 : memref<1x!tpu.dma_semaphore, #tpu.memory_space<semaphore_mem>> -> memref<!tpu.dma_semaphore, #tpu.memory_space<semaphore_mem>>
      tpu.enqueue_indirect_dma source(%dma_start3A_339 : memref<80x64xf32, #tpu.memory_space<vmem>>) target(%dma_start3A_345 : memref<10112x64xf32, #tpu.memory_space<vmem_shared>>) offsets(%dma_start3A_342 : memref<80xi32, #tpu.memory_space<vmem>>) semaphore(%dma_start3A_347 : memref<!tpu.dma_semaphore, #tpu.memory_space<semaphore_mem>>) {add = true}
      %add3A_348 = arith.constant 5 : i32
      %add3A_349 = arith.addi %add3A_318, %add3A_348 : i32
      %sub3A_350 = arith.constant 2 : i32
      %sub3A_351 = arith.subi %add3A_349, %sub3A_350 : i32
      %ge3A_352 = arith.constant 2 : i32
      %ge3A_353 = arith.cmpi sge, %add3A_318, %ge3A_352 : i32
      %lt3A_354 = arith.constant 125 : i32
      %lt3A_355 = arith.cmpi slt, %sub3A_351, %lt3A_354 : i32
      %and3A_356 = arith.andi %ge3A_353, %lt3A_355 : i1
      %convert_element_type3A_357 = arith.extui %and3A_356 : i1 to i32
      %cond3A_358 = arith.constant 0 : i32
      %cond3A_359 = arith.cmpi ne, %convert_element_type3A_357, %cond3A_358 : i32
      scf.if %cond3A_359 {
        %dma_wait3A_365 = arith.constant 2 : i32
        %dma_wait3A_366 = arith.constant 0 : i32
        %dma_wait3A_367 = arith.constant 2 : i32
        %dma_wait3A_368 = arith.constant 0 : i32
        %dma_wait3A_369 = arith.constant 0 : i32
        %dma_wait3A_370 = tpu.memref_slice %arg8[%dma_wait3A_365, %dma_wait3A_368, %dma_wait3A_369] : memref<5x80x64xf32, #tpu.memory_space<vmem>> -> memref<1x80x64xf32, #tpu.memory_space<vmem>>
        %dma_wait3A_371 = tpu.memref_squeeze %dma_wait3A_370 : memref<1x80x64xf32, #tpu.memory_space<vmem>> -> memref<80x64xf32, #tpu.memory_space<vmem>>
        %dma_wait3A_372 = arith.constant 0 : i32
        %dma_wait3A_373 = tpu.memref_slice %arg7[%dma_wait3A_366, %dma_wait3A_372] : memref<125x80xi32, #tpu.memory_space<vmem>> -> memref<1x80xi32, #tpu.memory_space<vmem>>
        %dma_wait3A_374 = tpu.memref_squeeze %dma_wait3A_373 : memref<1x80xi32, #tpu.memory_space<vmem>> -> memref<80xi32, #tpu.memory_space<vmem>>
        %dma_wait3A_375 = arith.constant 0 : i32
        %dma_wait3A_376 = arith.constant 0 : i32
        %dma_wait3A_377 = tpu.memref_slice %arg9[%dma_wait3A_375, %dma_wait3A_376] : memref<10112x64xf32, #tpu.memory_space<vmem_shared>> -> memref<10112x64xf32, #tpu.memory_space<vmem_shared>>
        %dma_wait3A_378 = tpu.memref_slice %arg11[%dma_wait3A_367] : memref<5x!tpu.dma_semaphore, #tpu.memory_space<semaphore_mem>> -> memref<1x!tpu.dma_semaphore, #tpu.memory_space<semaphore_mem>>
        %dma_wait3A_379 = tpu.memref_squeeze %dma_wait3A_378 : memref<1x!tpu.dma_semaphore, #tpu.memory_space<semaphore_mem>> -> memref<!tpu.dma_semaphore, #tpu.memory_space<semaphore_mem>>
        tpu.wait_indirect_dma semaphore(%dma_wait3A_379 : memref<!tpu.dma_semaphore, #tpu.memory_space<semaphore_mem>>) src(%dma_wait3A_371 : memref<80x64xf32, #tpu.memory_space<vmem>>) dst(%dma_wait3A_377 : memref<10112x64xf32, #tpu.memory_space<vmem_shared>>)
      } else {
      }
      %lt3A_360 = arith.constant 125 : i32
      %lt3A_361 = arith.cmpi slt, %sub3A_351, %lt3A_360 : i32
      %convert_element_type3A_362 = arith.extui %lt3A_361 : i1 to i32
      %cond3A_363 = arith.constant 0 : i32
      %cond3A_364 = arith.cmpi ne, %convert_element_type3A_362, %cond3A_363 : i32
      scf.if %cond3A_364 {
        %dma_start3A_365 = arith.constant 2 : i32
        %dma_start3A_366 = arith.constant 2 : i32
        %dma_start3A_367 = arith.constant 0 : i32
        %dma_start3A_368 = arith.constant 0 : i32
        %dma_start3A_369 = tpu.memref_slice %arg8[%dma_start3A_365, %dma_start3A_367, %dma_start3A_368] : memref<5x80x64xf32, #tpu.memory_space<vmem>> -> memref<1x80x64xf32, #tpu.memory_space<vmem>>
        %dma_start3A_370 = tpu.memref_squeeze %dma_start3A_369 : memref<1x80x64xf32, #tpu.memory_space<vmem>> -> memref<80x64xf32, #tpu.memory_space<vmem>>
        %dma_start3A_371 = arith.constant 0 : i32
        %dma_start3A_372 = tpu.memref_slice %arg6[%sub3A_351, %dma_start3A_371] : memref<125x80xi32, #tpu.memory_space<vmem>> -> memref<1x80xi32, #tpu.memory_space<vmem>>
        %dma_start3A_373 = tpu.memref_squeeze %dma_start3A_372 : memref<1x80xi32, #tpu.memory_space<vmem>> -> memref<80xi32, #tpu.memory_space<vmem>>
        %dma_start3A_374 = arith.constant 0 : i32
        %dma_start3A_375 = arith.constant 0 : i32
        %dma_start3A_376 = tpu.memref_slice %arg2[%dma_start3A_374, %dma_start3A_375] : memref<10000x64xf32, #tpu.memory_space<hbm>> -> memref<10000x64xf32, #tpu.memory_space<hbm>>
        %dma_start3A_377 = tpu.memref_slice %arg10[%dma_start3A_366] : memref<5x!tpu.dma_semaphore, #tpu.memory_space<semaphore_mem>> -> memref<1x!tpu.dma_semaphore, #tpu.memory_space<semaphore_mem>>
        %dma_start3A_378 = tpu.memref_squeeze %dma_start3A_377 : memref<1x!tpu.dma_semaphore, #tpu.memory_space<semaphore_mem>> -> memref<!tpu.dma_semaphore, #tpu.memory_space<semaphore_mem>>
        tpu.enqueue_indirect_dma source(%dma_start3A_376 : memref<10000x64xf32, #tpu.memory_space<hbm>>) target(%dma_start3A_370 : memref<80x64xf32, #tpu.memory_space<vmem>>) offsets(%dma_start3A_373 : memref<80xi32, #tpu.memory_space<vmem>>) semaphore(%dma_start3A_378 : memref<!tpu.dma_semaphore, #tpu.memory_space<semaphore_mem>>)
      } else {
      }
    }
    %scan3A_52 = arith.constant 25 : i32
    %dma_wait3A = arith.constant 0 : i32
    %dma_wait3A_53 = arith.constant 0 : i32
    %dma_wait3A_54 = arith.constant 0 : i32
    %dma_wait3A_55 = arith.constant 0 : i32
    %dma_wait3A_56 = arith.constant 0 : i32
    %dma_wait3A_57 = tpu.memref_slice %arg8[%dma_wait3A, %dma_wait3A_55, %dma_wait3A_56] : memref<5x80x64xf32, #tpu.memory_space<vmem>> -> memref<1x80x64xf32, #tpu.memory_space<vmem>>
    %dma_wait3A_58 = tpu.memref_squeeze %dma_wait3A_57 : memref<1x80x64xf32, #tpu.memory_space<vmem>> -> memref<80x64xf32, #tpu.memory_space<vmem>>
    %dma_wait3A_59 = arith.constant 0 : i32
    %dma_wait3A_60 = tpu.memref_slice %arg7[%dma_wait3A_53, %dma_wait3A_59] : memref<125x80xi32, #tpu.memory_space<vmem>> -> memref<1x80xi32, #tpu.memory_space<vmem>>
    %dma_wait3A_61 = tpu.memref_squeeze %dma_wait3A_60 : memref<1x80xi32, #tpu.memory_space<vmem>> -> memref<80xi32, #tpu.memory_space<vmem>>
    %dma_wait3A_62 = arith.constant 0 : i32
    %dma_wait3A_63 = arith.constant 0 : i32
    %dma_wait3A_64 = tpu.memref_slice %arg9[%dma_wait3A_62, %dma_wait3A_63] : memref<10112x64xf32, #tpu.memory_space<vmem_shared>> -> memref<10112x64xf32, #tpu.memory_space<vmem_shared>>
    %dma_wait3A_65 = tpu.memref_slice %arg11[%dma_wait3A_54] : memref<5x!tpu.dma_semaphore, #tpu.memory_space<semaphore_mem>> -> memref<1x!tpu.dma_semaphore, #tpu.memory_space<semaphore_mem>>
    %dma_wait3A_66 = tpu.memref_squeeze %dma_wait3A_65 : memref<1x!tpu.dma_semaphore, #tpu.memory_space<semaphore_mem>> -> memref<!tpu.dma_semaphore, #tpu.memory_space<semaphore_mem>>
    tpu.wait_indirect_dma semaphore(%dma_wait3A_66 : memref<!tpu.dma_semaphore, #tpu.memory_space<semaphore_mem>>) src(%dma_wait3A_58 : memref<80x64xf32, #tpu.memory_space<vmem>>) dst(%dma_wait3A_64 : memref<10112x64xf32, #tpu.memory_space<vmem_shared>>)
    %dma_wait3A_67 = arith.constant 1 : i32
    %dma_wait3A_68 = arith.constant 0 : i32
    %dma_wait3A_69 = arith.constant 1 : i32
    %dma_wait3A_70 = arith.constant 0 : i32
    %dma_wait3A_71 = arith.constant 0 : i32
    %dma_wait3A_72 = tpu.memref_slice %arg8[%dma_wait3A_67, %dma_wait3A_70, %dma_wait3A_71] : memref<5x80x64xf32, #tpu.memory_space<vmem>> -> memref<1x80x64xf32, #tpu.memory_space<vmem>>
    %dma_wait3A_73 = tpu.memref_squeeze %dma_wait3A_72 : memref<1x80x64xf32, #tpu.memory_space<vmem>> -> memref<80x64xf32, #tpu.memory_space<vmem>>
    %dma_wait3A_74 = arith.constant 0 : i32
    %dma_wait3A_75 = tpu.memref_slice %arg7[%dma_wait3A_68, %dma_wait3A_74] : memref<125x80xi32, #tpu.memory_space<vmem>> -> memref<1x80xi32, #tpu.memory_space<vmem>>
    %dma_wait3A_76 = tpu.memref_squeeze %dma_wait3A_75 : memref<1x80xi32, #tpu.memory_space<vmem>> -> memref<80xi32, #tpu.memory_space<vmem>>
    %dma_wait3A_77 = arith.constant 0 : i32
    %dma_wait3A_78 = arith.constant 0 : i32
    %dma_wait3A_79 = tpu.memref_slice %arg9[%dma_wait3A_77, %dma_wait3A_78] : memref<10112x64xf32, #tpu.memory_space<vmem_shared>> -> memref<10112x64xf32, #tpu.memory_space<vmem_shared>>
    %dma_wait3A_80 = tpu.memref_slice %arg11[%dma_wait3A_69] : memref<5x!tpu.dma_semaphore, #tpu.memory_space<semaphore_mem>> -> memref<1x!tpu.dma_semaphore, #tpu.memory_space<semaphore_mem>>
    %dma_wait3A_81 = tpu.memref_squeeze %dma_wait3A_80 : memref<1x!tpu.dma_semaphore, #tpu.memory_space<semaphore_mem>> -> memref<!tpu.dma_semaphore, #tpu.memory_space<semaphore_mem>>
    tpu.wait_indirect_dma semaphore(%dma_wait3A_81 : memref<!tpu.dma_semaphore, #tpu.memory_space<semaphore_mem>>) src(%dma_wait3A_73 : memref<80x64xf32, #tpu.memory_space<vmem>>) dst(%dma_wait3A_79 : memref<10112x64xf32, #tpu.memory_space<vmem_shared>>)
    %dma_wait3A_82 = arith.constant 2 : i32
    %dma_wait3A_83 = arith.constant 0 : i32
    %dma_wait3A_84 = arith.constant 2 : i32
    %dma_wait3A_85 = arith.constant 0 : i32
    %dma_wait3A_86 = arith.constant 0 : i32
    %dma_wait3A_87 = tpu.memref_slice %arg8[%dma_wait3A_82, %dma_wait3A_85, %dma_wait3A_86] : memref<5x80x64xf32, #tpu.memory_space<vmem>> -> memref<1x80x64xf32, #tpu.memory_space<vmem>>
    %dma_wait3A_88 = tpu.memref_squeeze %dma_wait3A_87 : memref<1x80x64xf32, #tpu.memory_space<vmem>> -> memref<80x64xf32, #tpu.memory_space<vmem>>
    %dma_wait3A_89 = arith.constant 0 : i32
    %dma_wait3A_90 = tpu.memref_slice %arg7[%dma_wait3A_83, %dma_wait3A_89] : memref<125x80xi32, #tpu.memory_space<vmem>> -> memref<1x80xi32, #tpu.memory_space<vmem>>
    %dma_wait3A_91 = tpu.memref_squeeze %dma_wait3A_90 : memref<1x80xi32, #tpu.memory_space<vmem>> -> memref<80xi32, #tpu.memory_space<vmem>>
    %dma_wait3A_92 = arith.constant 0 : i32
    %dma_wait3A_93 = arith.constant 0 : i32
    %dma_wait3A_94 = tpu.memref_slice %arg9[%dma_wait3A_92, %dma_wait3A_93] : memref<10112x64xf32, #tpu.memory_space<vmem_shared>> -> memref<10112x64xf32, #tpu.memory_space<vmem_shared>>
    %dma_wait3A_95 = tpu.memref_slice %arg11[%dma_wait3A_84] : memref<5x!tpu.dma_semaphore, #tpu.memory_space<semaphore_mem>> -> memref<1x!tpu.dma_semaphore, #tpu.memory_space<semaphore_mem>>
    %dma_wait3A_96 = tpu.memref_squeeze %dma_wait3A_95 : memref<1x!tpu.dma_semaphore, #tpu.memory_space<semaphore_mem>> -> memref<!tpu.dma_semaphore, #tpu.memory_space<semaphore_mem>>
    tpu.wait_indirect_dma semaphore(%dma_wait3A_96 : memref<!tpu.dma_semaphore, #tpu.memory_space<semaphore_mem>>) src(%dma_wait3A_88 : memref<80x64xf32, #tpu.memory_space<vmem>>) dst(%dma_wait3A_94 : memref<10112x64xf32, #tpu.memory_space<vmem_shared>>)
    %dma_wait3A_97 = arith.constant 3 : i32
    %dma_wait3A_98 = arith.constant 0 : i32
    %dma_wait3A_99 = arith.constant 3 : i32
    %dma_wait3A_100 = arith.constant 0 : i32
    %dma_wait3A_101 = arith.constant 0 : i32
    %dma_wait3A_102 = tpu.memref_slice %arg8[%dma_wait3A_97, %dma_wait3A_100, %dma_wait3A_101] : memref<5x80x64xf32, #tpu.memory_space<vmem>> -> memref<1x80x64xf32, #tpu.memory_space<vmem>>
    %dma_wait3A_103 = tpu.memref_squeeze %dma_wait3A_102 : memref<1x80x64xf32, #tpu.memory_space<vmem>> -> memref<80x64xf32, #tpu.memory_space<vmem>>
    %dma_wait3A_104 = arith.constant 0 : i32
    %dma_wait3A_105 = tpu.memref_slice %arg7[%dma_wait3A_98, %dma_wait3A_104] : memref<125x80xi32, #tpu.memory_space<vmem>> -> memref<1x80xi32, #tpu.memory_space<vmem>>
    %dma_wait3A_106 = tpu.memref_squeeze %dma_wait3A_105 : memref<1x80xi32, #tpu.memory_space<vmem>> -> memref<80xi32, #tpu.memory_space<vmem>>
    %dma_wait3A_107 = arith.constant 0 : i32
    %dma_wait3A_108 = arith.constant 0 : i32
    %dma_wait3A_109 = tpu.memref_slice %arg9[%dma_wait3A_107, %dma_wait3A_108] : memref<10112x64xf32, #tpu.memory_space<vmem_shared>> -> memref<10112x64xf32, #tpu.memory_space<vmem_shared>>
    %dma_wait3A_110 = tpu.memref_slice %arg11[%dma_wait3A_99] : memref<5x!tpu.dma_semaphore, #tpu.memory_space<semaphore_mem>> -> memref<1x!tpu.dma_semaphore, #tpu.memory_space<semaphore_mem>>
    %dma_wait3A_111 = tpu.memref_squeeze %dma_wait3A_110 : memref<1x!tpu.dma_semaphore, #tpu.memory_space<semaphore_mem>> -> memref<!tpu.dma_semaphore, #tpu.memory_space<semaphore_mem>>
    tpu.wait_indirect_dma semaphore(%dma_wait3A_111 : memref<!tpu.dma_semaphore, #tpu.memory_space<semaphore_mem>>) src(%dma_wait3A_103 : memref<80x64xf32, #tpu.memory_space<vmem>>) dst(%dma_wait3A_109 : memref<10112x64xf32, #tpu.memory_space<vmem_shared>>)
    %dma_wait3A_112 = arith.constant 4 : i32
    %dma_wait3A_113 = arith.constant 0 : i32
    %dma_wait3A_114 = arith.constant 4 : i32
    %dma_wait3A_115 = arith.constant 0 : i32
    %dma_wait3A_116 = arith.constant 0 : i32
    %dma_wait3A_117 = tpu.memref_slice %arg8[%dma_wait3A_112, %dma_wait3A_115, %dma_wait3A_116] : memref<5x80x64xf32, #tpu.memory_space<vmem>> -> memref<1x80x64xf32, #tpu.memory_space<vmem>>
    %dma_wait3A_118 = tpu.memref_squeeze %dma_wait3A_117 : memref<1x80x64xf32, #tpu.memory_space<vmem>> -> memref<80x64xf32, #tpu.memory_space<vmem>>
    %dma_wait3A_119 = arith.constant 0 : i32
    %dma_wait3A_120 = tpu.memref_slice %arg7[%dma_wait3A_113, %dma_wait3A_119] : memref<125x80xi32, #tpu.memory_space<vmem>> -> memref<1x80xi32, #tpu.memory_space<vmem>>
    %dma_wait3A_121 = tpu.memref_squeeze %dma_wait3A_120 : memref<1x80xi32, #tpu.memory_space<vmem>> -> memref<80xi32, #tpu.memory_space<vmem>>
    %dma_wait3A_122 = arith.constant 0 : i32
    %dma_wait3A_123 = arith.constant 0 : i32
    %dma_wait3A_124 = tpu.memref_slice %arg9[%dma_wait3A_122, %dma_wait3A_123] : memref<10112x64xf32, #tpu.memory_space<vmem_shared>> -> memref<10112x64xf32, #tpu.memory_space<vmem_shared>>
    %dma_wait3A_125 = tpu.memref_slice %arg11[%dma_wait3A_114] : memref<5x!tpu.dma_semaphore, #tpu.memory_space<semaphore_mem>> -> memref<1x!tpu.dma_semaphore, #tpu.memory_space<semaphore_mem>>
    %dma_wait3A_126 = tpu.memref_squeeze %dma_wait3A_125 : memref<1x!tpu.dma_semaphore, #tpu.memory_space<semaphore_mem>> -> memref<!tpu.dma_semaphore, #tpu.memory_space<semaphore_mem>>
    tpu.wait_indirect_dma semaphore(%dma_wait3A_126 : memref<!tpu.dma_semaphore, #tpu.memory_space<semaphore_mem>>) src(%dma_wait3A_118 : memref<80x64xf32, #tpu.memory_space<vmem>>) dst(%dma_wait3A_124 : memref<10112x64xf32, #tpu.memory_space<vmem_shared>>)
    %barrier3A_127 = arith.constant 0 : index
    tpu.barrier barrier_id(%barrier3A_127)
    "tpu.region"() ({
      %run_scoped3A_128 = tpu.sem_alloc : memref<!tpu.dma_semaphore, #tpu.memory_space<semaphore_mem>>
      %dma_start3A_129 = arith.constant 0 : i32
      %dma_start3A_130 = tpu.memref_slice %arg5[%arg0, %mul3A_2, %dma_start3A_129] : memref<2x10112x64xf32, #tpu.memory_space<hbm>> -> memref<1x632x64xf32, #tpu.memory_space<hbm>>
      %dma_start3A_131 = tpu.memref_squeeze %dma_start3A_130 : memref<1x632x64xf32, #tpu.memory_space<hbm>> -> memref<632x64xf32, #tpu.memory_space<hbm>>
      %dma_start3A_132 = arith.constant 0 : i32
      %dma_start3A_133 = tpu.memref_slice %arg9[%mul3A_2, %dma_start3A_132] : memref<10112x64xf32, #tpu.memory_space<vmem_shared>> -> memref<632x64xf32, #tpu.memory_space<vmem_shared>>
      tpu.enqueue_dma source(%dma_start3A_133 : memref<632x64xf32, #tpu.memory_space<vmem_shared>>) target(%dma_start3A_131 : memref<632x64xf32, #tpu.memory_space<hbm>>) target_semaphore(%run_scoped3A_128 : memref<!tpu.dma_semaphore, #tpu.memory_space<semaphore_mem>>)
      %dma_wait3A_134 = arith.constant 0 : i32
      %dma_wait3A_135 = tpu.memref_slice %arg5[%arg0, %mul3A_2, %dma_wait3A_134] : memref<2x10112x64xf32, #tpu.memory_space<hbm>> -> memref<1x632x64xf32, #tpu.memory_space<hbm>>
      %dma_wait3A_136 = tpu.memref_squeeze %dma_wait3A_135 : memref<1x632x64xf32, #tpu.memory_space<hbm>> -> memref<632x64xf32, #tpu.memory_space<hbm>>
      %dma_wait3A_137 = arith.constant 0 : i32
      %dma_wait3A_138 = tpu.memref_slice %arg9[%mul3A_2, %dma_wait3A_137] : memref<10112x64xf32, #tpu.memory_space<vmem_shared>> -> memref<632x64xf32, #tpu.memory_space<vmem_shared>>
      tpu.wait_dma2 semaphore(%run_scoped3A_128 : memref<!tpu.dma_semaphore, #tpu.memory_space<semaphore_mem>>) src(%dma_wait3A_138 : memref<632x64xf32, #tpu.memory_space<vmem_shared>>) dst(%dma_wait3A_136 : memref<632x64xf32, #tpu.memory_space<hbm>>)
      tpu.yield
    }) : () -> ()
    return
  }
}

#map = affine_map<(d0, d1) -> (0, 0)>
#map1 = affine_map<(d0, d1) -> (0, 0, 0, 0)>
#map2 = affine_map<(d0, d1) -> (0, 0, 0)>
module attributes {stable_mosaic.version = 14 : i64} {
  func.func @body(%arg0: i32, %arg1: i32, %arg2: memref<10000x64xf32, #tpu.memory_space<hbm>>, %arg3: memref<2x32x125x80xi32, #tpu.memory_space<hbm>>, %arg4: memref<10112x64xf32, #tpu.memory_space<hbm>>, %arg5: memref<10112x16xf32, #tpu.memory_space<hbm>>, %arg6: memref<80x16xf32, #tpu.memory_space<hbm>>, %arg7: memref<2x10112x64xf32, #tpu.memory_space<hbm>>, %arg8: memref<2x10112x16xf32, #tpu.memory_space<hbm>>, %arg9: memref<125x80xi32, #tpu.memory_space<vmem>>, %arg10: memref<125x80xi32, #tpu.memory_space<vmem>>, %arg11: memref<5x80x64xf32, #tpu.memory_space<vmem>>, %arg12: memref<80x16xf32, #tpu.memory_space<vmem>>, %arg13: memref<10112x64xf32, #tpu.memory_space<vmem_shared>>, %arg14: memref<10112x16xf32, #tpu.memory_space<vmem_shared>>, %arg15: memref<5x!tpu.dma_semaphore, #tpu.memory_space<semaphore_mem>>, %arg16: memref<5x!tpu.dma_semaphore, #tpu.memory_space<semaphore_mem>>, %arg17: memref<!tpu.dma_semaphore, #tpu.memory_space<semaphore_mem>>) attributes {dimension_semantics = [#tpu.dimension_semantics<core_parallel>, #tpu.dimension_semantics<subcore_parallel>], iteration_bounds = array<i64: 2, 16>, scalar_prefetch = 0 : i64, scratch_operands = 9 : i64, tpu.core_type = #tpu.core_type<sc_vector_subcore>, window_params = [{transform_indices = #map}, {transform_indices = #map1}, {transform_indices = #map}, {transform_indices = #map}, {transform_indices = #map}, {transform_indices = #map2}, {transform_indices = #map2}]} {
    %mul3A = arith.constant 16 : i32
    %mul3A_0 = arith.muli %arg0, %mul3A : i32
    %add3A = arith.addi %mul3A_0, %arg1 : i32
    %mul3A_1 = arith.constant 632 : i32
    %mul3A_2 = arith.muli %arg1, %mul3A_1 : i32
    "tpu.region"() ({
      %run_scoped3A_134 = tpu.sem_alloc : memref<!tpu.dma_semaphore, #tpu.memory_space<semaphore_mem>>
      %dma_start3A_135 = arith.constant 0 : i32
      %dma_start3A_136 = tpu.memref_slice %arg13[%mul3A_2, %dma_start3A_135] : memref<10112x64xf32, #tpu.memory_space<vmem_shared>> -> memref<632x64xf32, #tpu.memory_space<vmem_shared>>
      %dma_start3A_137 = arith.constant 0 : i32
      %dma_start3A_138 = tpu.memref_slice %arg4[%mul3A_2, %dma_start3A_137] : memref<10112x64xf32, #tpu.memory_space<hbm>> -> memref<632x64xf32, #tpu.memory_space<hbm>>
      tpu.enqueue_dma source(%dma_start3A_138 : memref<632x64xf32, #tpu.memory_space<hbm>>) target(%dma_start3A_136 : memref<632x64xf32, #tpu.memory_space<vmem_shared>>) target_semaphore(%run_scoped3A_134 : memref<!tpu.dma_semaphore, #tpu.memory_space<semaphore_mem>>)
      %dma_wait3A_139 = arith.constant 0 : i32
      %dma_wait3A_140 = tpu.memref_slice %arg13[%mul3A_2, %dma_wait3A_139] : memref<10112x64xf32, #tpu.memory_space<vmem_shared>> -> memref<632x64xf32, #tpu.memory_space<vmem_shared>>
      %dma_wait3A_141 = arith.constant 0 : i32
      %dma_wait3A_142 = tpu.memref_slice %arg4[%mul3A_2, %dma_wait3A_141] : memref<10112x64xf32, #tpu.memory_space<hbm>> -> memref<632x64xf32, #tpu.memory_space<hbm>>
      tpu.wait_dma2 semaphore(%run_scoped3A_134 : memref<!tpu.dma_semaphore, #tpu.memory_space<semaphore_mem>>) src(%dma_wait3A_142 : memref<632x64xf32, #tpu.memory_space<hbm>>) dst(%dma_wait3A_140 : memref<632x64xf32, #tpu.memory_space<vmem_shared>>)
      tpu.yield
    }) : () -> ()
    "tpu.region"() ({
      %run_scoped3A_134 = tpu.sem_alloc : memref<!tpu.dma_semaphore, #tpu.memory_space<semaphore_mem>>
      %dma_start3A_135 = arith.constant 0 : i32
      %dma_start3A_136 = tpu.memref_slice %arg14[%mul3A_2, %dma_start3A_135] : memref<10112x16xf32, #tpu.memory_space<vmem_shared>> -> memref<632x16xf32, #tpu.memory_space<vmem_shared>>
      %dma_start3A_137 = arith.constant 0 : i32
      %dma_start3A_138 = tpu.memref_slice %arg5[%mul3A_2, %dma_start3A_137] : memref<10112x16xf32, #tpu.memory_space<hbm>> -> memref<632x16xf32, #tpu.memory_space<hbm>>
      tpu.enqueue_dma source(%dma_start3A_138 : memref<632x16xf32, #tpu.memory_space<hbm>>) target(%dma_start3A_136 : memref<632x16xf32, #tpu.memory_space<vmem_shared>>) target_semaphore(%run_scoped3A_134 : memref<!tpu.dma_semaphore, #tpu.memory_space<semaphore_mem>>)
      %dma_wait3A_139 = arith.constant 0 : i32
      %dma_wait3A_140 = tpu.memref_slice %arg14[%mul3A_2, %dma_wait3A_139] : memref<10112x16xf32, #tpu.memory_space<vmem_shared>> -> memref<632x16xf32, #tpu.memory_space<vmem_shared>>
      %dma_wait3A_141 = arith.constant 0 : i32
      %dma_wait3A_142 = tpu.memref_slice %arg5[%mul3A_2, %dma_wait3A_141] : memref<10112x16xf32, #tpu.memory_space<hbm>> -> memref<632x16xf32, #tpu.memory_space<hbm>>
      tpu.wait_dma2 semaphore(%run_scoped3A_134 : memref<!tpu.dma_semaphore, #tpu.memory_space<semaphore_mem>>) src(%dma_wait3A_142 : memref<632x16xf32, #tpu.memory_space<hbm>>) dst(%dma_wait3A_140 : memref<632x16xf32, #tpu.memory_space<vmem_shared>>)
      tpu.yield
    }) : () -> ()
    "tpu.region"() ({
      %run_scoped3A_134 = tpu.sem_alloc : memref<!tpu.dma_semaphore, #tpu.memory_space<semaphore_mem>>
      tpu.enqueue_dma source(%arg6 : memref<80x16xf32, #tpu.memory_space<hbm>>) target(%arg12 : memref<80x16xf32, #tpu.memory_space<vmem>>) target_semaphore(%run_scoped3A_134 : memref<!tpu.dma_semaphore, #tpu.memory_space<semaphore_mem>>)
      tpu.wait_dma2 semaphore(%run_scoped3A_134 : memref<!tpu.dma_semaphore, #tpu.memory_space<semaphore_mem>>) src(%arg6 : memref<80x16xf32, #tpu.memory_space<hbm>>) dst(%arg12 : memref<80x16xf32, #tpu.memory_space<vmem>>)
      tpu.yield
    }) : () -> ()
    %run_scoped3A = arith.constant 0 : i32
    "tpu.region"() ({
      %run_scoped3A_134 = tpu.sem_alloc : memref<!tpu.dma_semaphore, #tpu.memory_space<semaphore_mem>>
      %dma_start3A_135 = arith.constant 0 : i32
      %dma_start3A_136 = arith.constant 0 : i32
      %dma_start3A_137 = tpu.memref_slice %arg3[%run_scoped3A, %add3A, %dma_start3A_135, %dma_start3A_136] : memref<2x32x125x80xi32, #tpu.memory_space<hbm>> -> memref<1x1x125x80xi32, #tpu.memory_space<hbm>>
      %dma_start3A_138 = tpu.memref_squeeze %dma_start3A_137 : memref<1x1x125x80xi32, #tpu.memory_space<hbm>> -> memref<125x80xi32, #tpu.memory_space<hbm>>
      %dma_start3A_139 = arith.constant 0 : i32
      %dma_start3A_140 = arith.constant 0 : i32
      %dma_start3A_141 = tpu.memref_slice %arg3[%run_scoped3A, %add3A, %dma_start3A_139, %dma_start3A_140] : memref<2x32x125x80xi32, #tpu.memory_space<hbm>> -> memref<1x1x125x80xi32, #tpu.memory_space<hbm>>
      %dma_start3A_142 = tpu.memref_squeeze %dma_start3A_141 : memref<1x1x125x80xi32, #tpu.memory_space<hbm>> -> memref<125x80xi32, #tpu.memory_space<hbm>>
      tpu.enqueue_dma source(%dma_start3A_142 : memref<125x80xi32, #tpu.memory_space<hbm>>) target(%arg9 : memref<125x80xi32, #tpu.memory_space<vmem>>) target_semaphore(%run_scoped3A_134 : memref<!tpu.dma_semaphore, #tpu.memory_space<semaphore_mem>>)
      %dma_wait3A_143 = arith.constant 0 : i32
      %dma_wait3A_144 = arith.constant 0 : i32
      %dma_wait3A_145 = tpu.memref_slice %arg3[%run_scoped3A, %add3A, %dma_wait3A_143, %dma_wait3A_144] : memref<2x32x125x80xi32, #tpu.memory_space<hbm>> -> memref<1x1x125x80xi32, #tpu.memory_space<hbm>>
      %dma_wait3A_146 = tpu.memref_squeeze %dma_wait3A_145 : memref<1x1x125x80xi32, #tpu.memory_space<hbm>> -> memref<125x80xi32, #tpu.memory_space<hbm>>
      %dma_wait3A_147 = arith.constant 0 : i32
      %dma_wait3A_148 = arith.constant 0 : i32
      %dma_wait3A_149 = tpu.memref_slice %arg3[%run_scoped3A, %add3A, %dma_wait3A_147, %dma_wait3A_148] : memref<2x32x125x80xi32, #tpu.memory_space<hbm>> -> memref<1x1x125x80xi32, #tpu.memory_space<hbm>>
      %dma_wait3A_150 = tpu.memref_squeeze %dma_wait3A_149 : memref<1x1x125x80xi32, #tpu.memory_space<hbm>> -> memref<125x80xi32, #tpu.memory_space<hbm>>
      tpu.wait_dma2 semaphore(%run_scoped3A_134 : memref<!tpu.dma_semaphore, #tpu.memory_space<semaphore_mem>>) src(%dma_wait3A_150 : memref<125x80xi32, #tpu.memory_space<hbm>>) dst(%arg9 : memref<125x80xi32, #tpu.memory_space<vmem>>)
      tpu.yield
    }) : () -> ()
    %run_scoped3A_3 = arith.constant 1 : i32
    "tpu.region"() ({
      %run_scoped3A_134 = tpu.sem_alloc : memref<!tpu.dma_semaphore, #tpu.memory_space<semaphore_mem>>
      %dma_start3A_135 = arith.constant 0 : i32
      %dma_start3A_136 = arith.constant 0 : i32
      %dma_start3A_137 = tpu.memref_slice %arg3[%run_scoped3A_3, %add3A, %dma_start3A_135, %dma_start3A_136] : memref<2x32x125x80xi32, #tpu.memory_space<hbm>> -> memref<1x1x125x80xi32, #tpu.memory_space<hbm>>
      %dma_start3A_138 = tpu.memref_squeeze %dma_start3A_137 : memref<1x1x125x80xi32, #tpu.memory_space<hbm>> -> memref<125x80xi32, #tpu.memory_space<hbm>>
      %dma_start3A_139 = arith.constant 0 : i32
      %dma_start3A_140 = arith.constant 0 : i32
      %dma_start3A_141 = tpu.memref_slice %arg3[%run_scoped3A_3, %add3A, %dma_start3A_139, %dma_start3A_140] : memref<2x32x125x80xi32, #tpu.memory_space<hbm>> -> memref<1x1x125x80xi32, #tpu.memory_space<hbm>>
      %dma_start3A_142 = tpu.memref_squeeze %dma_start3A_141 : memref<1x1x125x80xi32, #tpu.memory_space<hbm>> -> memref<125x80xi32, #tpu.memory_space<hbm>>
      tpu.enqueue_dma source(%dma_start3A_142 : memref<125x80xi32, #tpu.memory_space<hbm>>) target(%arg10 : memref<125x80xi32, #tpu.memory_space<vmem>>) target_semaphore(%run_scoped3A_134 : memref<!tpu.dma_semaphore, #tpu.memory_space<semaphore_mem>>)
      %dma_wait3A_143 = arith.constant 0 : i32
      %dma_wait3A_144 = arith.constant 0 : i32
      %dma_wait3A_145 = tpu.memref_slice %arg3[%run_scoped3A_3, %add3A, %dma_wait3A_143, %dma_wait3A_144] : memref<2x32x125x80xi32, #tpu.memory_space<hbm>> -> memref<1x1x125x80xi32, #tpu.memory_space<hbm>>
      %dma_wait3A_146 = tpu.memref_squeeze %dma_wait3A_145 : memref<1x1x125x80xi32, #tpu.memory_space<hbm>> -> memref<125x80xi32, #tpu.memory_space<hbm>>
      %dma_wait3A_147 = arith.constant 0 : i32
      %dma_wait3A_148 = arith.constant 0 : i32
      %dma_wait3A_149 = tpu.memref_slice %arg3[%run_scoped3A_3, %add3A, %dma_wait3A_147, %dma_wait3A_148] : memref<2x32x125x80xi32, #tpu.memory_space<hbm>> -> memref<1x1x125x80xi32, #tpu.memory_space<hbm>>
      %dma_wait3A_150 = tpu.memref_squeeze %dma_wait3A_149 : memref<1x1x125x80xi32, #tpu.memory_space<hbm>> -> memref<125x80xi32, #tpu.memory_space<hbm>>
      tpu.wait_dma2 semaphore(%run_scoped3A_134 : memref<!tpu.dma_semaphore, #tpu.memory_space<semaphore_mem>>) src(%dma_wait3A_150 : memref<125x80xi32, #tpu.memory_space<hbm>>) dst(%arg10 : memref<125x80xi32, #tpu.memory_space<vmem>>)
      tpu.yield
    }) : () -> ()
    %barrier3A = arith.constant 0 : index
    tpu.barrier barrier_id(%barrier3A)
    %dma_start3A = arith.constant 0 : i32
    %dma_start3A_4 = arith.constant 0 : i32
    %dma_start3A_5 = arith.constant 0 : i32
    %dma_start3A_6 = arith.constant 0 : i32
    %dma_start3A_7 = arith.constant 0 : i32
    %dma_start3A_8 = tpu.memref_slice %arg11[%dma_start3A_4, %dma_start3A_6, %dma_start3A_7] : memref<5x80x64xf32, #tpu.memory_space<vmem>> -> memref<1x80x64xf32, #tpu.memory_space<vmem>>
    %dma_start3A_9 = tpu.memref_squeeze %dma_start3A_8 : memref<1x80x64xf32, #tpu.memory_space<vmem>> -> memref<80x64xf32, #tpu.memory_space<vmem>>
    %dma_start3A_10 = arith.constant 0 : i32
    %dma_start3A_11 = tpu.memref_slice %arg9[%dma_start3A, %dma_start3A_10] : memref<125x80xi32, #tpu.memory_space<vmem>> -> memref<1x80xi32, #tpu.memory_space<vmem>>
    %dma_start3A_12 = tpu.memref_squeeze %dma_start3A_11 : memref<1x80xi32, #tpu.memory_space<vmem>> -> memref<80xi32, #tpu.memory_space<vmem>>
    %dma_start3A_13 = arith.constant 0 : i32
    %dma_start3A_14 = arith.constant 0 : i32
    %dma_start3A_15 = tpu.memref_slice %arg2[%dma_start3A_13, %dma_start3A_14] : memref<10000x64xf32, #tpu.memory_space<hbm>> -> memref<10000x64xf32, #tpu.memory_space<hbm>>
    %dma_start3A_16 = tpu.memref_slice %arg15[%dma_start3A_5] : memref<5x!tpu.dma_semaphore, #tpu.memory_space<semaphore_mem>> -> memref<1x!tpu.dma_semaphore, #tpu.memory_space<semaphore_mem>>
    %dma_start3A_17 = tpu.memref_squeeze %dma_start3A_16 : memref<1x!tpu.dma_semaphore, #tpu.memory_space<semaphore_mem>> -> memref<!tpu.dma_semaphore, #tpu.memory_space<semaphore_mem>>
    tpu.enqueue_indirect_dma source(%dma_start3A_15 : memref<10000x64xf32, #tpu.memory_space<hbm>>) target(%dma_start3A_9 : memref<80x64xf32, #tpu.memory_space<vmem>>) offsets(%dma_start3A_12 : memref<80xi32, #tpu.memory_space<vmem>>) semaphore(%dma_start3A_17 : memref<!tpu.dma_semaphore, #tpu.memory_space<semaphore_mem>>)
    %dma_start3A_18 = arith.constant 1 : i32
    %dma_start3A_19 = arith.constant 1 : i32
    %dma_start3A_20 = arith.constant 1 : i32
    %dma_start3A_21 = arith.constant 0 : i32
    %dma_start3A_22 = arith.constant 0 : i32
    %dma_start3A_23 = tpu.memref_slice %arg11[%dma_start3A_19, %dma_start3A_21, %dma_start3A_22] : memref<5x80x64xf32, #tpu.memory_space<vmem>> -> memref<1x80x64xf32, #tpu.memory_space<vmem>>
    %dma_start3A_24 = tpu.memref_squeeze %dma_start3A_23 : memref<1x80x64xf32, #tpu.memory_space<vmem>> -> memref<80x64xf32, #tpu.memory_space<vmem>>
    %dma_start3A_25 = arith.constant 0 : i32
    %dma_start3A_26 = tpu.memref_slice %arg9[%dma_start3A_18, %dma_start3A_25] : memref<125x80xi32, #tpu.memory_space<vmem>> -> memref<1x80xi32, #tpu.memory_space<vmem>>
    %dma_start3A_27 = tpu.memref_squeeze %dma_start3A_26 : memref<1x80xi32, #tpu.memory_space<vmem>> -> memref<80xi32, #tpu.memory_space<vmem>>
    %dma_start3A_28 = arith.constant 0 : i32
    %dma_start3A_29 = arith.constant 0 : i32
    %dma_start3A_30 = tpu.memref_slice %arg2[%dma_start3A_28, %dma_start3A_29] : memref<10000x64xf32, #tpu.memory_space<hbm>> -> memref<10000x64xf32, #tpu.memory_space<hbm>>
    %dma_start3A_31 = tpu.memref_slice %arg15[%dma_start3A_20] : memref<5x!tpu.dma_semaphore, #tpu.memory_space<semaphore_mem>> -> memref<1x!tpu.dma_semaphore, #tpu.memory_space<semaphore_mem>>
    %dma_start3A_32 = tpu.memref_squeeze %dma_start3A_31 : memref<1x!tpu.dma_semaphore, #tpu.memory_space<semaphore_mem>> -> memref<!tpu.dma_semaphore, #tpu.memory_space<semaphore_mem>>
    tpu.enqueue_indirect_dma source(%dma_start3A_30 : memref<10000x64xf32, #tpu.memory_space<hbm>>) target(%dma_start3A_24 : memref<80x64xf32, #tpu.memory_space<vmem>>) offsets(%dma_start3A_27 : memref<80xi32, #tpu.memory_space<vmem>>) semaphore(%dma_start3A_32 : memref<!tpu.dma_semaphore, #tpu.memory_space<semaphore_mem>>)
    %dma_start3A_33 = arith.constant 2 : i32
    %dma_start3A_34 = arith.constant 2 : i32
    %dma_start3A_35 = arith.constant 2 : i32
    %dma_start3A_36 = arith.constant 0 : i32
    %dma_start3A_37 = arith.constant 0 : i32
    %dma_start3A_38 = tpu.memref_slice %arg11[%dma_start3A_34, %dma_start3A_36, %dma_start3A_37] : memref<5x80x64xf32, #tpu.memory_space<vmem>> -> memref<1x80x64xf32, #tpu.memory_space<vmem>>
    %dma_start3A_39 = tpu.memref_squeeze %dma_start3A_38 : memref<1x80x64xf32, #tpu.memory_space<vmem>> -> memref<80x64xf32, #tpu.memory_space<vmem>>
    %dma_start3A_40 = arith.constant 0 : i32
    %dma_start3A_41 = tpu.memref_slice %arg9[%dma_start3A_33, %dma_start3A_40] : memref<125x80xi32, #tpu.memory_space<vmem>> -> memref<1x80xi32, #tpu.memory_space<vmem>>
    %dma_start3A_42 = tpu.memref_squeeze %dma_start3A_41 : memref<1x80xi32, #tpu.memory_space<vmem>> -> memref<80xi32, #tpu.memory_space<vmem>>
    %dma_start3A_43 = arith.constant 0 : i32
    %dma_start3A_44 = arith.constant 0 : i32
    %dma_start3A_45 = tpu.memref_slice %arg2[%dma_start3A_43, %dma_start3A_44] : memref<10000x64xf32, #tpu.memory_space<hbm>> -> memref<10000x64xf32, #tpu.memory_space<hbm>>
    %dma_start3A_46 = tpu.memref_slice %arg15[%dma_start3A_35] : memref<5x!tpu.dma_semaphore, #tpu.memory_space<semaphore_mem>> -> memref<1x!tpu.dma_semaphore, #tpu.memory_space<semaphore_mem>>
    %dma_start3A_47 = tpu.memref_squeeze %dma_start3A_46 : memref<1x!tpu.dma_semaphore, #tpu.memory_space<semaphore_mem>> -> memref<!tpu.dma_semaphore, #tpu.memory_space<semaphore_mem>>
    tpu.enqueue_indirect_dma source(%dma_start3A_45 : memref<10000x64xf32, #tpu.memory_space<hbm>>) target(%dma_start3A_39 : memref<80x64xf32, #tpu.memory_space<vmem>>) offsets(%dma_start3A_42 : memref<80xi32, #tpu.memory_space<vmem>>) semaphore(%dma_start3A_47 : memref<!tpu.dma_semaphore, #tpu.memory_space<semaphore_mem>>)
    %scan3A = arith.constant 0 : i32
    %scan3A_48 = arith.constant 0 : i32
    %scan3A_49 = arith.constant 25 : i32
    %scan3A_50 = arith.addi %scan3A_48, %scan3A_49 : i32
    %scan3A_51 = arith.constant 1 : i32
    scf.for %scan3A_134 = %scan3A_48 to %scan3A_50 step %scan3A_51  : i32 {
      %mul3A_135 = arith.constant 5 : i32
      %mul3A_136 = arith.muli %mul3A_135, %scan3A_134 : i32
      %add3A_137 = arith.constant 0 : i32
      %add3A_138 = arith.addi %mul3A_136, %add3A_137 : i32
      %dma_wait3A_139 = arith.constant 0 : i32
      %dma_wait3A_140 = arith.constant 0 : i32
      %dma_wait3A_141 = arith.constant 0 : i32
      %dma_wait3A_142 = arith.constant 0 : i32
      %dma_wait3A_143 = arith.constant 0 : i32
      %dma_wait3A_144 = tpu.memref_slice %arg11[%dma_wait3A_140, %dma_wait3A_142, %dma_wait3A_143] : memref<5x80x64xf32, #tpu.memory_space<vmem>> -> memref<1x80x64xf32, #tpu.memory_space<vmem>>
      %dma_wait3A_145 = tpu.memref_squeeze %dma_wait3A_144 : memref<1x80x64xf32, #tpu.memory_space<vmem>> -> memref<80x64xf32, #tpu.memory_space<vmem>>
      %dma_wait3A_146 = arith.constant 0 : i32
      %dma_wait3A_147 = tpu.memref_slice %arg9[%dma_wait3A_139, %dma_wait3A_146] : memref<125x80xi32, #tpu.memory_space<vmem>> -> memref<1x80xi32, #tpu.memory_space<vmem>>
      %dma_wait3A_148 = tpu.memref_squeeze %dma_wait3A_147 : memref<1x80xi32, #tpu.memory_space<vmem>> -> memref<80xi32, #tpu.memory_space<vmem>>
      %dma_wait3A_149 = arith.constant 0 : i32
      %dma_wait3A_150 = arith.constant 0 : i32
      %dma_wait3A_151 = tpu.memref_slice %arg2[%dma_wait3A_149, %dma_wait3A_150] : memref<10000x64xf32, #tpu.memory_space<hbm>> -> memref<10000x64xf32, #tpu.memory_space<hbm>>
      %dma_wait3A_152 = tpu.memref_slice %arg15[%dma_wait3A_141] : memref<5x!tpu.dma_semaphore, #tpu.memory_space<semaphore_mem>> -> memref<1x!tpu.dma_semaphore, #tpu.memory_space<semaphore_mem>>
      %dma_wait3A_153 = tpu.memref_squeeze %dma_wait3A_152 : memref<1x!tpu.dma_semaphore, #tpu.memory_space<semaphore_mem>> -> memref<!tpu.dma_semaphore, #tpu.memory_space<semaphore_mem>>
      tpu.wait_indirect_dma semaphore(%dma_wait3A_153 : memref<!tpu.dma_semaphore, #tpu.memory_space<semaphore_mem>>) src(%dma_wait3A_151 : memref<10000x64xf32, #tpu.memory_space<hbm>>) dst(%dma_wait3A_145 : memref<80x64xf32, #tpu.memory_space<vmem>>)
      %dma_start3A_154 = arith.constant 0 : i32
      %dma_start3A_155 = arith.constant 0 : i32
      %dma_start3A_156 = arith.constant 0 : i32
      %dma_start3A_157 = arith.constant 0 : i32
      %dma_start3A_158 = tpu.memref_slice %arg11[%dma_start3A_154, %dma_start3A_156, %dma_start3A_157] : memref<5x80x64xf32, #tpu.memory_space<vmem>> -> memref<1x80x64xf32, #tpu.memory_space<vmem>>
      %dma_start3A_159 = tpu.memref_squeeze %dma_start3A_158 : memref<1x80x64xf32, #tpu.memory_space<vmem>> -> memref<80x64xf32, #tpu.memory_space<vmem>>
      %dma_start3A_160 = arith.constant 0 : i32
      %dma_start3A_161 = tpu.memref_slice %arg10[%add3A_138, %dma_start3A_160] : memref<125x80xi32, #tpu.memory_space<vmem>> -> memref<1x80xi32, #tpu.memory_space<vmem>>
      %dma_start3A_162 = tpu.memref_squeeze %dma_start3A_161 : memref<1x80xi32, #tpu.memory_space<vmem>> -> memref<80xi32, #tpu.memory_space<vmem>>
      %dma_start3A_163 = arith.constant 0 : i32
      %dma_start3A_164 = arith.constant 0 : i32
      %dma_start3A_165 = tpu.memref_slice %arg13[%dma_start3A_163, %dma_start3A_164] : memref<10112x64xf32, #tpu.memory_space<vmem_shared>> -> memref<10112x64xf32, #tpu.memory_space<vmem_shared>>
      %dma_start3A_166 = tpu.memref_slice %arg16[%dma_start3A_155] : memref<5x!tpu.dma_semaphore, #tpu.memory_space<semaphore_mem>> -> memref<1x!tpu.dma_semaphore, #tpu.memory_space<semaphore_mem>>
      %dma_start3A_167 = tpu.memref_squeeze %dma_start3A_166 : memref<1x!tpu.dma_semaphore, #tpu.memory_space<semaphore_mem>> -> memref<!tpu.dma_semaphore, #tpu.memory_space<semaphore_mem>>
      tpu.enqueue_indirect_dma source(%dma_start3A_159 : memref<80x64xf32, #tpu.memory_space<vmem>>) target(%dma_start3A_165 : memref<10112x64xf32, #tpu.memory_space<vmem_shared>>) offsets(%dma_start3A_162 : memref<80xi32, #tpu.memory_space<vmem>>) semaphore(%dma_start3A_167 : memref<!tpu.dma_semaphore, #tpu.memory_space<semaphore_mem>>) {add = true}
      %dma_start3A_168 = arith.constant 0 : i32
      %dma_start3A_169 = tpu.memref_slice %arg10[%add3A_138, %dma_start3A_168] : memref<125x80xi32, #tpu.memory_space<vmem>> -> memref<1x80xi32, #tpu.memory_space<vmem>>
      %dma_start3A_170 = tpu.memref_squeeze %dma_start3A_169 : memref<1x80xi32, #tpu.memory_space<vmem>> -> memref<80xi32, #tpu.memory_space<vmem>>
      %dma_start3A_171 = arith.constant 0 : i32
      %dma_start3A_172 = arith.constant 0 : i32
      %dma_start3A_173 = tpu.memref_slice %arg14[%dma_start3A_171, %dma_start3A_172] : memref<10112x16xf32, #tpu.memory_space<vmem_shared>> -> memref<10112x16xf32, #tpu.memory_space<vmem_shared>>
      tpu.enqueue_indirect_dma source(%arg12 : memref<80x16xf32, #tpu.memory_space<vmem>>) target(%dma_start3A_173 : memref<10112x16xf32, #tpu.memory_space<vmem_shared>>) offsets(%dma_start3A_170 : memref<80xi32, #tpu.memory_space<vmem>>) semaphore(%arg17 : memref<!tpu.dma_semaphore, #tpu.memory_space<semaphore_mem>>) {add = true}
      %add3A_174 = arith.constant 5 : i32
      %add3A_175 = arith.addi %add3A_138, %add3A_174 : i32
      %sub3A = arith.constant 2 : i32
      %sub3A_176 = arith.subi %add3A_175, %sub3A : i32
      %ge3A = arith.constant 2 : i32
      %ge3A_177 = arith.cmpi sge, %add3A_138, %ge3A : i32
      %lt3A = arith.constant 125 : i32
      %lt3A_178 = arith.cmpi slt, %sub3A_176, %lt3A : i32
      %and3A = arith.andi %ge3A_177, %lt3A_178 : i1
      %convert_element_type3A = arith.extui %and3A : i1 to i32
      %cond3A = arith.constant 0 : i32
      %cond3A_179 = arith.cmpi ne, %convert_element_type3A, %cond3A : i32
      scf.if %cond3A_179 {
        %dma_wait3A_401 = arith.constant 3 : i32
        %dma_wait3A_402 = arith.constant 0 : i32
        %dma_wait3A_403 = arith.constant 3 : i32
        %dma_wait3A_404 = arith.constant 0 : i32
        %dma_wait3A_405 = arith.constant 0 : i32
        %dma_wait3A_406 = tpu.memref_slice %arg11[%dma_wait3A_401, %dma_wait3A_404, %dma_wait3A_405] : memref<5x80x64xf32, #tpu.memory_space<vmem>> -> memref<1x80x64xf32, #tpu.memory_space<vmem>>
        %dma_wait3A_407 = tpu.memref_squeeze %dma_wait3A_406 : memref<1x80x64xf32, #tpu.memory_space<vmem>> -> memref<80x64xf32, #tpu.memory_space<vmem>>
        %dma_wait3A_408 = arith.constant 0 : i32
        %dma_wait3A_409 = tpu.memref_slice %arg10[%dma_wait3A_402, %dma_wait3A_408] : memref<125x80xi32, #tpu.memory_space<vmem>> -> memref<1x80xi32, #tpu.memory_space<vmem>>
        %dma_wait3A_410 = tpu.memref_squeeze %dma_wait3A_409 : memref<1x80xi32, #tpu.memory_space<vmem>> -> memref<80xi32, #tpu.memory_space<vmem>>
        %dma_wait3A_411 = arith.constant 0 : i32
        %dma_wait3A_412 = arith.constant 0 : i32
        %dma_wait3A_413 = tpu.memref_slice %arg13[%dma_wait3A_411, %dma_wait3A_412] : memref<10112x64xf32, #tpu.memory_space<vmem_shared>> -> memref<10112x64xf32, #tpu.memory_space<vmem_shared>>
        %dma_wait3A_414 = tpu.memref_slice %arg16[%dma_wait3A_403] : memref<5x!tpu.dma_semaphore, #tpu.memory_space<semaphore_mem>> -> memref<1x!tpu.dma_semaphore, #tpu.memory_space<semaphore_mem>>
        %dma_wait3A_415 = tpu.memref_squeeze %dma_wait3A_414 : memref<1x!tpu.dma_semaphore, #tpu.memory_space<semaphore_mem>> -> memref<!tpu.dma_semaphore, #tpu.memory_space<semaphore_mem>>
        tpu.wait_indirect_dma semaphore(%dma_wait3A_415 : memref<!tpu.dma_semaphore, #tpu.memory_space<semaphore_mem>>) src(%dma_wait3A_407 : memref<80x64xf32, #tpu.memory_space<vmem>>) dst(%dma_wait3A_413 : memref<10112x64xf32, #tpu.memory_space<vmem_shared>>)
      } else {
      }
      %lt3A_180 = arith.constant 125 : i32
      %lt3A_181 = arith.cmpi slt, %sub3A_176, %lt3A_180 : i32
      %convert_element_type3A_182 = arith.extui %lt3A_181 : i1 to i32
      %cond3A_183 = arith.constant 0 : i32
      %cond3A_184 = arith.cmpi ne, %convert_element_type3A_182, %cond3A_183 : i32
      scf.if %cond3A_184 {
        %dma_start3A_401 = arith.constant 3 : i32
        %dma_start3A_402 = arith.constant 3 : i32
        %dma_start3A_403 = arith.constant 0 : i32
        %dma_start3A_404 = arith.constant 0 : i32
        %dma_start3A_405 = tpu.memref_slice %arg11[%dma_start3A_401, %dma_start3A_403, %dma_start3A_404] : memref<5x80x64xf32, #tpu.memory_space<vmem>> -> memref<1x80x64xf32, #tpu.memory_space<vmem>>
        %dma_start3A_406 = tpu.memref_squeeze %dma_start3A_405 : memref<1x80x64xf32, #tpu.memory_space<vmem>> -> memref<80x64xf32, #tpu.memory_space<vmem>>
        %dma_start3A_407 = arith.constant 0 : i32
        %dma_start3A_408 = tpu.memref_slice %arg9[%sub3A_176, %dma_start3A_407] : memref<125x80xi32, #tpu.memory_space<vmem>> -> memref<1x80xi32, #tpu.memory_space<vmem>>
        %dma_start3A_409 = tpu.memref_squeeze %dma_start3A_408 : memref<1x80xi32, #tpu.memory_space<vmem>> -> memref<80xi32, #tpu.memory_space<vmem>>
        %dma_start3A_410 = arith.constant 0 : i32
        %dma_start3A_411 = arith.constant 0 : i32
        %dma_start3A_412 = tpu.memref_slice %arg2[%dma_start3A_410, %dma_start3A_411] : memref<10000x64xf32, #tpu.memory_space<hbm>> -> memref<10000x64xf32, #tpu.memory_space<hbm>>
        %dma_start3A_413 = tpu.memref_slice %arg15[%dma_start3A_402] : memref<5x!tpu.dma_semaphore, #tpu.memory_space<semaphore_mem>> -> memref<1x!tpu.dma_semaphore, #tpu.memory_space<semaphore_mem>>
        %dma_start3A_414 = tpu.memref_squeeze %dma_start3A_413 : memref<1x!tpu.dma_semaphore, #tpu.memory_space<semaphore_mem>> -> memref<!tpu.dma_semaphore, #tpu.memory_space<semaphore_mem>>
        tpu.enqueue_indirect_dma source(%dma_start3A_412 : memref<10000x64xf32, #tpu.memory_space<hbm>>) target(%dma_start3A_406 : memref<80x64xf32, #tpu.memory_space<vmem>>) offsets(%dma_start3A_409 : memref<80xi32, #tpu.memory_space<vmem>>) semaphore(%dma_start3A_414 : memref<!tpu.dma_semaphore, #tpu.memory_space<semaphore_mem>>)
      } else {
      }
      %add3A_185 = arith.constant 1 : i32
      %add3A_186 = arith.addi %mul3A_136, %add3A_185 : i32
      %dma_wait3A_187 = arith.constant 0 : i32
      %dma_wait3A_188 = arith.constant 1 : i32
      %dma_wait3A_189 = arith.constant 1 : i32
      %dma_wait3A_190 = arith.constant 0 : i32
      %dma_wait3A_191 = arith.constant 0 : i32
      %dma_wait3A_192 = tpu.memref_slice %arg11[%dma_wait3A_188, %dma_wait3A_190, %dma_wait3A_191] : memref<5x80x64xf32, #tpu.memory_space<vmem>> -> memref<1x80x64xf32, #tpu.memory_space<vmem>>
      %dma_wait3A_193 = tpu.memref_squeeze %dma_wait3A_192 : memref<1x80x64xf32, #tpu.memory_space<vmem>> -> memref<80x64xf32, #tpu.memory_space<vmem>>
      %dma_wait3A_194 = arith.constant 0 : i32
      %dma_wait3A_195 = tpu.memref_slice %arg9[%dma_wait3A_187, %dma_wait3A_194] : memref<125x80xi32, #tpu.memory_space<vmem>> -> memref<1x80xi32, #tpu.memory_space<vmem>>
      %dma_wait3A_196 = tpu.memref_squeeze %dma_wait3A_195 : memref<1x80xi32, #tpu.memory_space<vmem>> -> memref<80xi32, #tpu.memory_space<vmem>>
      %dma_wait3A_197 = arith.constant 0 : i32
      %dma_wait3A_198 = arith.constant 0 : i32
      %dma_wait3A_199 = tpu.memref_slice %arg2[%dma_wait3A_197, %dma_wait3A_198] : memref<10000x64xf32, #tpu.memory_space<hbm>> -> memref<10000x64xf32, #tpu.memory_space<hbm>>
      %dma_wait3A_200 = tpu.memref_slice %arg15[%dma_wait3A_189] : memref<5x!tpu.dma_semaphore, #tpu.memory_space<semaphore_mem>> -> memref<1x!tpu.dma_semaphore, #tpu.memory_space<semaphore_mem>>
      %dma_wait3A_201 = tpu.memref_squeeze %dma_wait3A_200 : memref<1x!tpu.dma_semaphore, #tpu.memory_space<semaphore_mem>> -> memref<!tpu.dma_semaphore, #tpu.memory_space<semaphore_mem>>
      tpu.wait_indirect_dma semaphore(%dma_wait3A_201 : memref<!tpu.dma_semaphore, #tpu.memory_space<semaphore_mem>>) src(%dma_wait3A_199 : memref<10000x64xf32, #tpu.memory_space<hbm>>) dst(%dma_wait3A_193 : memref<80x64xf32, #tpu.memory_space<vmem>>)
      %dma_start3A_202 = arith.constant 1 : i32
      %dma_start3A_203 = arith.constant 1 : i32
      %dma_start3A_204 = arith.constant 0 : i32
      %dma_start3A_205 = arith.constant 0 : i32
      %dma_start3A_206 = tpu.memref_slice %arg11[%dma_start3A_202, %dma_start3A_204, %dma_start3A_205] : memref<5x80x64xf32, #tpu.memory_space<vmem>> -> memref<1x80x64xf32, #tpu.memory_space<vmem>>
      %dma_start3A_207 = tpu.memref_squeeze %dma_start3A_206 : memref<1x80x64xf32, #tpu.memory_space<vmem>> -> memref<80x64xf32, #tpu.memory_space<vmem>>
      %dma_start3A_208 = arith.constant 0 : i32
      %dma_start3A_209 = tpu.memref_slice %arg10[%add3A_186, %dma_start3A_208] : memref<125x80xi32, #tpu.memory_space<vmem>> -> memref<1x80xi32, #tpu.memory_space<vmem>>
      %dma_start3A_210 = tpu.memref_squeeze %dma_start3A_209 : memref<1x80xi32, #tpu.memory_space<vmem>> -> memref<80xi32, #tpu.memory_space<vmem>>
      %dma_start3A_211 = arith.constant 0 : i32
      %dma_start3A_212 = arith.constant 0 : i32
      %dma_start3A_213 = tpu.memref_slice %arg13[%dma_start3A_211, %dma_start3A_212] : memref<10112x64xf32, #tpu.memory_space<vmem_shared>> -> memref<10112x64xf32, #tpu.memory_space<vmem_shared>>
      %dma_start3A_214 = tpu.memref_slice %arg16[%dma_start3A_203] : memref<5x!tpu.dma_semaphore, #tpu.memory_space<semaphore_mem>> -> memref<1x!tpu.dma_semaphore, #tpu.memory_space<semaphore_mem>>
      %dma_start3A_215 = tpu.memref_squeeze %dma_start3A_214 : memref<1x!tpu.dma_semaphore, #tpu.memory_space<semaphore_mem>> -> memref<!tpu.dma_semaphore, #tpu.memory_space<semaphore_mem>>
      tpu.enqueue_indirect_dma source(%dma_start3A_207 : memref<80x64xf32, #tpu.memory_space<vmem>>) target(%dma_start3A_213 : memref<10112x64xf32, #tpu.memory_space<vmem_shared>>) offsets(%dma_start3A_210 : memref<80xi32, #tpu.memory_space<vmem>>) semaphore(%dma_start3A_215 : memref<!tpu.dma_semaphore, #tpu.memory_space<semaphore_mem>>) {add = true}
      %dma_start3A_216 = arith.constant 0 : i32
      %dma_start3A_217 = tpu.memref_slice %arg10[%add3A_186, %dma_start3A_216] : memref<125x80xi32, #tpu.memory_space<vmem>> -> memref<1x80xi32, #tpu.memory_space<vmem>>
      %dma_start3A_218 = tpu.memref_squeeze %dma_start3A_217 : memref<1x80xi32, #tpu.memory_space<vmem>> -> memref<80xi32, #tpu.memory_space<vmem>>
      %dma_start3A_219 = arith.constant 0 : i32
      %dma_start3A_220 = arith.constant 0 : i32
      %dma_start3A_221 = tpu.memref_slice %arg14[%dma_start3A_219, %dma_start3A_220] : memref<10112x16xf32, #tpu.memory_space<vmem_shared>> -> memref<10112x16xf32, #tpu.memory_space<vmem_shared>>
      tpu.enqueue_indirect_dma source(%arg12 : memref<80x16xf32, #tpu.memory_space<vmem>>) target(%dma_start3A_221 : memref<10112x16xf32, #tpu.memory_space<vmem_shared>>) offsets(%dma_start3A_218 : memref<80xi32, #tpu.memory_space<vmem>>) semaphore(%arg17 : memref<!tpu.dma_semaphore, #tpu.memory_space<semaphore_mem>>) {add = true}
      %add3A_222 = arith.constant 5 : i32
      %add3A_223 = arith.addi %add3A_186, %add3A_222 : i32
      %sub3A_224 = arith.constant 2 : i32
      %sub3A_225 = arith.subi %add3A_223, %sub3A_224 : i32
      %ge3A_226 = arith.constant 2 : i32
      %ge3A_227 = arith.cmpi sge, %add3A_186, %ge3A_226 : i32
      %lt3A_228 = arith.constant 125 : i32
      %lt3A_229 = arith.cmpi slt, %sub3A_225, %lt3A_228 : i32
      %and3A_230 = arith.andi %ge3A_227, %lt3A_229 : i1
      %convert_element_type3A_231 = arith.extui %and3A_230 : i1 to i32
      %cond3A_232 = arith.constant 0 : i32
      %cond3A_233 = arith.cmpi ne, %convert_element_type3A_231, %cond3A_232 : i32
      scf.if %cond3A_233 {
        %dma_wait3A_401 = arith.constant 4 : i32
        %dma_wait3A_402 = arith.constant 0 : i32
        %dma_wait3A_403 = arith.constant 4 : i32
        %dma_wait3A_404 = arith.constant 0 : i32
        %dma_wait3A_405 = arith.constant 0 : i32
        %dma_wait3A_406 = tpu.memref_slice %arg11[%dma_wait3A_401, %dma_wait3A_404, %dma_wait3A_405] : memref<5x80x64xf32, #tpu.memory_space<vmem>> -> memref<1x80x64xf32, #tpu.memory_space<vmem>>
        %dma_wait3A_407 = tpu.memref_squeeze %dma_wait3A_406 : memref<1x80x64xf32, #tpu.memory_space<vmem>> -> memref<80x64xf32, #tpu.memory_space<vmem>>
        %dma_wait3A_408 = arith.constant 0 : i32
        %dma_wait3A_409 = tpu.memref_slice %arg10[%dma_wait3A_402, %dma_wait3A_408] : memref<125x80xi32, #tpu.memory_space<vmem>> -> memref<1x80xi32, #tpu.memory_space<vmem>>
        %dma_wait3A_410 = tpu.memref_squeeze %dma_wait3A_409 : memref<1x80xi32, #tpu.memory_space<vmem>> -> memref<80xi32, #tpu.memory_space<vmem>>
        %dma_wait3A_411 = arith.constant 0 : i32
        %dma_wait3A_412 = arith.constant 0 : i32
        %dma_wait3A_413 = tpu.memref_slice %arg13[%dma_wait3A_411, %dma_wait3A_412] : memref<10112x64xf32, #tpu.memory_space<vmem_shared>> -> memref<10112x64xf32, #tpu.memory_space<vmem_shared>>
        %dma_wait3A_414 = tpu.memref_slice %arg16[%dma_wait3A_403] : memref<5x!tpu.dma_semaphore, #tpu.memory_space<semaphore_mem>> -> memref<1x!tpu.dma_semaphore, #tpu.memory_space<semaphore_mem>>
        %dma_wait3A_415 = tpu.memref_squeeze %dma_wait3A_414 : memref<1x!tpu.dma_semaphore, #tpu.memory_space<semaphore_mem>> -> memref<!tpu.dma_semaphore, #tpu.memory_space<semaphore_mem>>
        tpu.wait_indirect_dma semaphore(%dma_wait3A_415 : memref<!tpu.dma_semaphore, #tpu.memory_space<semaphore_mem>>) src(%dma_wait3A_407 : memref<80x64xf32, #tpu.memory_space<vmem>>) dst(%dma_wait3A_413 : memref<10112x64xf32, #tpu.memory_space<vmem_shared>>)
      } else {
      }
      %lt3A_234 = arith.constant 125 : i32
      %lt3A_235 = arith.cmpi slt, %sub3A_225, %lt3A_234 : i32
      %convert_element_type3A_236 = arith.extui %lt3A_235 : i1 to i32
      %cond3A_237 = arith.constant 0 : i32
      %cond3A_238 = arith.cmpi ne, %convert_element_type3A_236, %cond3A_237 : i32
      scf.if %cond3A_238 {
        %dma_start3A_401 = arith.constant 4 : i32
        %dma_start3A_402 = arith.constant 4 : i32
        %dma_start3A_403 = arith.constant 0 : i32
        %dma_start3A_404 = arith.constant 0 : i32
        %dma_start3A_405 = tpu.memref_slice %arg11[%dma_start3A_401, %dma_start3A_403, %dma_start3A_404] : memref<5x80x64xf32, #tpu.memory_space<vmem>> -> memref<1x80x64xf32, #tpu.memory_space<vmem>>
        %dma_start3A_406 = tpu.memref_squeeze %dma_start3A_405 : memref<1x80x64xf32, #tpu.memory_space<vmem>> -> memref<80x64xf32, #tpu.memory_space<vmem>>
        %dma_start3A_407 = arith.constant 0 : i32
        %dma_start3A_408 = tpu.memref_slice %arg9[%sub3A_225, %dma_start3A_407] : memref<125x80xi32, #tpu.memory_space<vmem>> -> memref<1x80xi32, #tpu.memory_space<vmem>>
        %dma_start3A_409 = tpu.memref_squeeze %dma_start3A_408 : memref<1x80xi32, #tpu.memory_space<vmem>> -> memref<80xi32, #tpu.memory_space<vmem>>
        %dma_start3A_410 = arith.constant 0 : i32
        %dma_start3A_411 = arith.constant 0 : i32
        %dma_start3A_412 = tpu.memref_slice %arg2[%dma_start3A_410, %dma_start3A_411] : memref<10000x64xf32, #tpu.memory_space<hbm>> -> memref<10000x64xf32, #tpu.memory_space<hbm>>
        %dma_start3A_413 = tpu.memref_slice %arg15[%dma_start3A_402] : memref<5x!tpu.dma_semaphore, #tpu.memory_space<semaphore_mem>> -> memref<1x!tpu.dma_semaphore, #tpu.memory_space<semaphore_mem>>
        %dma_start3A_414 = tpu.memref_squeeze %dma_start3A_413 : memref<1x!tpu.dma_semaphore, #tpu.memory_space<semaphore_mem>> -> memref<!tpu.dma_semaphore, #tpu.memory_space<semaphore_mem>>
        tpu.enqueue_indirect_dma source(%dma_start3A_412 : memref<10000x64xf32, #tpu.memory_space<hbm>>) target(%dma_start3A_406 : memref<80x64xf32, #tpu.memory_space<vmem>>) offsets(%dma_start3A_409 : memref<80xi32, #tpu.memory_space<vmem>>) semaphore(%dma_start3A_414 : memref<!tpu.dma_semaphore, #tpu.memory_space<semaphore_mem>>)
      } else {
      }
      %add3A_239 = arith.constant 2 : i32
      %add3A_240 = arith.addi %mul3A_136, %add3A_239 : i32
      %dma_wait3A_241 = arith.constant 0 : i32
      %dma_wait3A_242 = arith.constant 2 : i32
      %dma_wait3A_243 = arith.constant 2 : i32
      %dma_wait3A_244 = arith.constant 0 : i32
      %dma_wait3A_245 = arith.constant 0 : i32
      %dma_wait3A_246 = tpu.memref_slice %arg11[%dma_wait3A_242, %dma_wait3A_244, %dma_wait3A_245] : memref<5x80x64xf32, #tpu.memory_space<vmem>> -> memref<1x80x64xf32, #tpu.memory_space<vmem>>
      %dma_wait3A_247 = tpu.memref_squeeze %dma_wait3A_246 : memref<1x80x64xf32, #tpu.memory_space<vmem>> -> memref<80x64xf32, #tpu.memory_space<vmem>>
      %dma_wait3A_248 = arith.constant 0 : i32
      %dma_wait3A_249 = tpu.memref_slice %arg9[%dma_wait3A_241, %dma_wait3A_248] : memref<125x80xi32, #tpu.memory_space<vmem>> -> memref<1x80xi32, #tpu.memory_space<vmem>>
      %dma_wait3A_250 = tpu.memref_squeeze %dma_wait3A_249 : memref<1x80xi32, #tpu.memory_space<vmem>> -> memref<80xi32, #tpu.memory_space<vmem>>
      %dma_wait3A_251 = arith.constant 0 : i32
      %dma_wait3A_252 = arith.constant 0 : i32
      %dma_wait3A_253 = tpu.memref_slice %arg2[%dma_wait3A_251, %dma_wait3A_252] : memref<10000x64xf32, #tpu.memory_space<hbm>> -> memref<10000x64xf32, #tpu.memory_space<hbm>>
      %dma_wait3A_254 = tpu.memref_slice %arg15[%dma_wait3A_243] : memref<5x!tpu.dma_semaphore, #tpu.memory_space<semaphore_mem>> -> memref<1x!tpu.dma_semaphore, #tpu.memory_space<semaphore_mem>>
      %dma_wait3A_255 = tpu.memref_squeeze %dma_wait3A_254 : memref<1x!tpu.dma_semaphore, #tpu.memory_space<semaphore_mem>> -> memref<!tpu.dma_semaphore, #tpu.memory_space<semaphore_mem>>
      tpu.wait_indirect_dma semaphore(%dma_wait3A_255 : memref<!tpu.dma_semaphore, #tpu.memory_space<semaphore_mem>>) src(%dma_wait3A_253 : memref<10000x64xf32, #tpu.memory_space<hbm>>) dst(%dma_wait3A_247 : memref<80x64xf32, #tpu.memory_space<vmem>>)
      %dma_start3A_256 = arith.constant 2 : i32
      %dma_start3A_257 = arith.constant 2 : i32
      %dma_start3A_258 = arith.constant 0 : i32
      %dma_start3A_259 = arith.constant 0 : i32
      %dma_start3A_260 = tpu.memref_slice %arg11[%dma_start3A_256, %dma_start3A_258, %dma_start3A_259] : memref<5x80x64xf32, #tpu.memory_space<vmem>> -> memref<1x80x64xf32, #tpu.memory_space<vmem>>
      %dma_start3A_261 = tpu.memref_squeeze %dma_start3A_260 : memref<1x80x64xf32, #tpu.memory_space<vmem>> -> memref<80x64xf32, #tpu.memory_space<vmem>>
      %dma_start3A_262 = arith.constant 0 : i32
      %dma_start3A_263 = tpu.memref_slice %arg10[%add3A_240, %dma_start3A_262] : memref<125x80xi32, #tpu.memory_space<vmem>> -> memref<1x80xi32, #tpu.memory_space<vmem>>
      %dma_start3A_264 = tpu.memref_squeeze %dma_start3A_263 : memref<1x80xi32, #tpu.memory_space<vmem>> -> memref<80xi32, #tpu.memory_space<vmem>>
      %dma_start3A_265 = arith.constant 0 : i32
      %dma_start3A_266 = arith.constant 0 : i32
      %dma_start3A_267 = tpu.memref_slice %arg13[%dma_start3A_265, %dma_start3A_266] : memref<10112x64xf32, #tpu.memory_space<vmem_shared>> -> memref<10112x64xf32, #tpu.memory_space<vmem_shared>>
      %dma_start3A_268 = tpu.memref_slice %arg16[%dma_start3A_257] : memref<5x!tpu.dma_semaphore, #tpu.memory_space<semaphore_mem>> -> memref<1x!tpu.dma_semaphore, #tpu.memory_space<semaphore_mem>>
      %dma_start3A_269 = tpu.memref_squeeze %dma_start3A_268 : memref<1x!tpu.dma_semaphore, #tpu.memory_space<semaphore_mem>> -> memref<!tpu.dma_semaphore, #tpu.memory_space<semaphore_mem>>
      tpu.enqueue_indirect_dma source(%dma_start3A_261 : memref<80x64xf32, #tpu.memory_space<vmem>>) target(%dma_start3A_267 : memref<10112x64xf32, #tpu.memory_space<vmem_shared>>) offsets(%dma_start3A_264 : memref<80xi32, #tpu.memory_space<vmem>>) semaphore(%dma_start3A_269 : memref<!tpu.dma_semaphore, #tpu.memory_space<semaphore_mem>>) {add = true}
      %dma_start3A_270 = arith.constant 0 : i32
      %dma_start3A_271 = tpu.memref_slice %arg10[%add3A_240, %dma_start3A_270] : memref<125x80xi32, #tpu.memory_space<vmem>> -> memref<1x80xi32, #tpu.memory_space<vmem>>
      %dma_start3A_272 = tpu.memref_squeeze %dma_start3A_271 : memref<1x80xi32, #tpu.memory_space<vmem>> -> memref<80xi32, #tpu.memory_space<vmem>>
      %dma_start3A_273 = arith.constant 0 : i32
      %dma_start3A_274 = arith.constant 0 : i32
      %dma_start3A_275 = tpu.memref_slice %arg14[%dma_start3A_273, %dma_start3A_274] : memref<10112x16xf32, #tpu.memory_space<vmem_shared>> -> memref<10112x16xf32, #tpu.memory_space<vmem_shared>>
      tpu.enqueue_indirect_dma source(%arg12 : memref<80x16xf32, #tpu.memory_space<vmem>>) target(%dma_start3A_275 : memref<10112x16xf32, #tpu.memory_space<vmem_shared>>) offsets(%dma_start3A_272 : memref<80xi32, #tpu.memory_space<vmem>>) semaphore(%arg17 : memref<!tpu.dma_semaphore, #tpu.memory_space<semaphore_mem>>) {add = true}
      %add3A_276 = arith.constant 5 : i32
      %add3A_277 = arith.addi %add3A_240, %add3A_276 : i32
      %sub3A_278 = arith.constant 2 : i32
      %sub3A_279 = arith.subi %add3A_277, %sub3A_278 : i32
      %ge3A_280 = arith.constant 2 : i32
      %ge3A_281 = arith.cmpi sge, %add3A_240, %ge3A_280 : i32
      %lt3A_282 = arith.constant 125 : i32
      %lt3A_283 = arith.cmpi slt, %sub3A_279, %lt3A_282 : i32
      %and3A_284 = arith.andi %ge3A_281, %lt3A_283 : i1
      %convert_element_type3A_285 = arith.extui %and3A_284 : i1 to i32
      %cond3A_286 = arith.constant 0 : i32
      %cond3A_287 = arith.cmpi ne, %convert_element_type3A_285, %cond3A_286 : i32
      scf.if %cond3A_287 {
        %dma_wait3A_401 = arith.constant 0 : i32
        %dma_wait3A_402 = arith.constant 0 : i32
        %dma_wait3A_403 = arith.constant 0 : i32
        %dma_wait3A_404 = arith.constant 0 : i32
        %dma_wait3A_405 = arith.constant 0 : i32
        %dma_wait3A_406 = tpu.memref_slice %arg11[%dma_wait3A_401, %dma_wait3A_404, %dma_wait3A_405] : memref<5x80x64xf32, #tpu.memory_space<vmem>> -> memref<1x80x64xf32, #tpu.memory_space<vmem>>
        %dma_wait3A_407 = tpu.memref_squeeze %dma_wait3A_406 : memref<1x80x64xf32, #tpu.memory_space<vmem>> -> memref<80x64xf32, #tpu.memory_space<vmem>>
        %dma_wait3A_408 = arith.constant 0 : i32
        %dma_wait3A_409 = tpu.memref_slice %arg10[%dma_wait3A_402, %dma_wait3A_408] : memref<125x80xi32, #tpu.memory_space<vmem>> -> memref<1x80xi32, #tpu.memory_space<vmem>>
        %dma_wait3A_410 = tpu.memref_squeeze %dma_wait3A_409 : memref<1x80xi32, #tpu.memory_space<vmem>> -> memref<80xi32, #tpu.memory_space<vmem>>
        %dma_wait3A_411 = arith.constant 0 : i32
        %dma_wait3A_412 = arith.constant 0 : i32
        %dma_wait3A_413 = tpu.memref_slice %arg13[%dma_wait3A_411, %dma_wait3A_412] : memref<10112x64xf32, #tpu.memory_space<vmem_shared>> -> memref<10112x64xf32, #tpu.memory_space<vmem_shared>>
        %dma_wait3A_414 = tpu.memref_slice %arg16[%dma_wait3A_403] : memref<5x!tpu.dma_semaphore, #tpu.memory_space<semaphore_mem>> -> memref<1x!tpu.dma_semaphore, #tpu.memory_space<semaphore_mem>>
        %dma_wait3A_415 = tpu.memref_squeeze %dma_wait3A_414 : memref<1x!tpu.dma_semaphore, #tpu.memory_space<semaphore_mem>> -> memref<!tpu.dma_semaphore, #tpu.memory_space<semaphore_mem>>
        tpu.wait_indirect_dma semaphore(%dma_wait3A_415 : memref<!tpu.dma_semaphore, #tpu.memory_space<semaphore_mem>>) src(%dma_wait3A_407 : memref<80x64xf32, #tpu.memory_space<vmem>>) dst(%dma_wait3A_413 : memref<10112x64xf32, #tpu.memory_space<vmem_shared>>)
      } else {
      }
      %lt3A_288 = arith.constant 125 : i32
      %lt3A_289 = arith.cmpi slt, %sub3A_279, %lt3A_288 : i32
      %convert_element_type3A_290 = arith.extui %lt3A_289 : i1 to i32
      %cond3A_291 = arith.constant 0 : i32
      %cond3A_292 = arith.cmpi ne, %convert_element_type3A_290, %cond3A_291 : i32
      scf.if %cond3A_292 {
        %dma_start3A_401 = arith.constant 0 : i32
        %dma_start3A_402 = arith.constant 0 : i32
        %dma_start3A_403 = arith.constant 0 : i32
        %dma_start3A_404 = arith.constant 0 : i32
        %dma_start3A_405 = tpu.memref_slice %arg11[%dma_start3A_401, %dma_start3A_403, %dma_start3A_404] : memref<5x80x64xf32, #tpu.memory_space<vmem>> -> memref<1x80x64xf32, #tpu.memory_space<vmem>>
        %dma_start3A_406 = tpu.memref_squeeze %dma_start3A_405 : memref<1x80x64xf32, #tpu.memory_space<vmem>> -> memref<80x64xf32, #tpu.memory_space<vmem>>
        %dma_start3A_407 = arith.constant 0 : i32
        %dma_start3A_408 = tpu.memref_slice %arg9[%sub3A_279, %dma_start3A_407] : memref<125x80xi32, #tpu.memory_space<vmem>> -> memref<1x80xi32, #tpu.memory_space<vmem>>
        %dma_start3A_409 = tpu.memref_squeeze %dma_start3A_408 : memref<1x80xi32, #tpu.memory_space<vmem>> -> memref<80xi32, #tpu.memory_space<vmem>>
        %dma_start3A_410 = arith.constant 0 : i32
        %dma_start3A_411 = arith.constant 0 : i32
        %dma_start3A_412 = tpu.memref_slice %arg2[%dma_start3A_410, %dma_start3A_411] : memref<10000x64xf32, #tpu.memory_space<hbm>> -> memref<10000x64xf32, #tpu.memory_space<hbm>>
        %dma_start3A_413 = tpu.memref_slice %arg15[%dma_start3A_402] : memref<5x!tpu.dma_semaphore, #tpu.memory_space<semaphore_mem>> -> memref<1x!tpu.dma_semaphore, #tpu.memory_space<semaphore_mem>>
        %dma_start3A_414 = tpu.memref_squeeze %dma_start3A_413 : memref<1x!tpu.dma_semaphore, #tpu.memory_space<semaphore_mem>> -> memref<!tpu.dma_semaphore, #tpu.memory_space<semaphore_mem>>
        tpu.enqueue_indirect_dma source(%dma_start3A_412 : memref<10000x64xf32, #tpu.memory_space<hbm>>) target(%dma_start3A_406 : memref<80x64xf32, #tpu.memory_space<vmem>>) offsets(%dma_start3A_409 : memref<80xi32, #tpu.memory_space<vmem>>) semaphore(%dma_start3A_414 : memref<!tpu.dma_semaphore, #tpu.memory_space<semaphore_mem>>)
      } else {
      }
      %add3A_293 = arith.constant 3 : i32
      %add3A_294 = arith.addi %mul3A_136, %add3A_293 : i32
      %dma_wait3A_295 = arith.constant 0 : i32
      %dma_wait3A_296 = arith.constant 3 : i32
      %dma_wait3A_297 = arith.constant 3 : i32
      %dma_wait3A_298 = arith.constant 0 : i32
      %dma_wait3A_299 = arith.constant 0 : i32
      %dma_wait3A_300 = tpu.memref_slice %arg11[%dma_wait3A_296, %dma_wait3A_298, %dma_wait3A_299] : memref<5x80x64xf32, #tpu.memory_space<vmem>> -> memref<1x80x64xf32, #tpu.memory_space<vmem>>
      %dma_wait3A_301 = tpu.memref_squeeze %dma_wait3A_300 : memref<1x80x64xf32, #tpu.memory_space<vmem>> -> memref<80x64xf32, #tpu.memory_space<vmem>>
      %dma_wait3A_302 = arith.constant 0 : i32
      %dma_wait3A_303 = tpu.memref_slice %arg9[%dma_wait3A_295, %dma_wait3A_302] : memref<125x80xi32, #tpu.memory_space<vmem>> -> memref<1x80xi32, #tpu.memory_space<vmem>>
      %dma_wait3A_304 = tpu.memref_squeeze %dma_wait3A_303 : memref<1x80xi32, #tpu.memory_space<vmem>> -> memref<80xi32, #tpu.memory_space<vmem>>
      %dma_wait3A_305 = arith.constant 0 : i32
      %dma_wait3A_306 = arith.constant 0 : i32
      %dma_wait3A_307 = tpu.memref_slice %arg2[%dma_wait3A_305, %dma_wait3A_306] : memref<10000x64xf32, #tpu.memory_space<hbm>> -> memref<10000x64xf32, #tpu.memory_space<hbm>>
      %dma_wait3A_308 = tpu.memref_slice %arg15[%dma_wait3A_297] : memref<5x!tpu.dma_semaphore, #tpu.memory_space<semaphore_mem>> -> memref<1x!tpu.dma_semaphore, #tpu.memory_space<semaphore_mem>>
      %dma_wait3A_309 = tpu.memref_squeeze %dma_wait3A_308 : memref<1x!tpu.dma_semaphore, #tpu.memory_space<semaphore_mem>> -> memref<!tpu.dma_semaphore, #tpu.memory_space<semaphore_mem>>
      tpu.wait_indirect_dma semaphore(%dma_wait3A_309 : memref<!tpu.dma_semaphore, #tpu.memory_space<semaphore_mem>>) src(%dma_wait3A_307 : memref<10000x64xf32, #tpu.memory_space<hbm>>) dst(%dma_wait3A_301 : memref<80x64xf32, #tpu.memory_space<vmem>>)
      %dma_start3A_310 = arith.constant 3 : i32
      %dma_start3A_311 = arith.constant 3 : i32
      %dma_start3A_312 = arith.constant 0 : i32
      %dma_start3A_313 = arith.constant 0 : i32
      %dma_start3A_314 = tpu.memref_slice %arg11[%dma_start3A_310, %dma_start3A_312, %dma_start3A_313] : memref<5x80x64xf32, #tpu.memory_space<vmem>> -> memref<1x80x64xf32, #tpu.memory_space<vmem>>
      %dma_start3A_315 = tpu.memref_squeeze %dma_start3A_314 : memref<1x80x64xf32, #tpu.memory_space<vmem>> -> memref<80x64xf32, #tpu.memory_space<vmem>>
      %dma_start3A_316 = arith.constant 0 : i32
      %dma_start3A_317 = tpu.memref_slice %arg10[%add3A_294, %dma_start3A_316] : memref<125x80xi32, #tpu.memory_space<vmem>> -> memref<1x80xi32, #tpu.memory_space<vmem>>
      %dma_start3A_318 = tpu.memref_squeeze %dma_start3A_317 : memref<1x80xi32, #tpu.memory_space<vmem>> -> memref<80xi32, #tpu.memory_space<vmem>>
      %dma_start3A_319 = arith.constant 0 : i32
      %dma_start3A_320 = arith.constant 0 : i32
      %dma_start3A_321 = tpu.memref_slice %arg13[%dma_start3A_319, %dma_start3A_320] : memref<10112x64xf32, #tpu.memory_space<vmem_shared>> -> memref<10112x64xf32, #tpu.memory_space<vmem_shared>>
      %dma_start3A_322 = tpu.memref_slice %arg16[%dma_start3A_311] : memref<5x!tpu.dma_semaphore, #tpu.memory_space<semaphore_mem>> -> memref<1x!tpu.dma_semaphore, #tpu.memory_space<semaphore_mem>>
      %dma_start3A_323 = tpu.memref_squeeze %dma_start3A_322 : memref<1x!tpu.dma_semaphore, #tpu.memory_space<semaphore_mem>> -> memref<!tpu.dma_semaphore, #tpu.memory_space<semaphore_mem>>
      tpu.enqueue_indirect_dma source(%dma_start3A_315 : memref<80x64xf32, #tpu.memory_space<vmem>>) target(%dma_start3A_321 : memref<10112x64xf32, #tpu.memory_space<vmem_shared>>) offsets(%dma_start3A_318 : memref<80xi32, #tpu.memory_space<vmem>>) semaphore(%dma_start3A_323 : memref<!tpu.dma_semaphore, #tpu.memory_space<semaphore_mem>>) {add = true}
      %dma_start3A_324 = arith.constant 0 : i32
      %dma_start3A_325 = tpu.memref_slice %arg10[%add3A_294, %dma_start3A_324] : memref<125x80xi32, #tpu.memory_space<vmem>> -> memref<1x80xi32, #tpu.memory_space<vmem>>
      %dma_start3A_326 = tpu.memref_squeeze %dma_start3A_325 : memref<1x80xi32, #tpu.memory_space<vmem>> -> memref<80xi32, #tpu.memory_space<vmem>>
      %dma_start3A_327 = arith.constant 0 : i32
      %dma_start3A_328 = arith.constant 0 : i32
      %dma_start3A_329 = tpu.memref_slice %arg14[%dma_start3A_327, %dma_start3A_328] : memref<10112x16xf32, #tpu.memory_space<vmem_shared>> -> memref<10112x16xf32, #tpu.memory_space<vmem_shared>>
      tpu.enqueue_indirect_dma source(%arg12 : memref<80x16xf32, #tpu.memory_space<vmem>>) target(%dma_start3A_329 : memref<10112x16xf32, #tpu.memory_space<vmem_shared>>) offsets(%dma_start3A_326 : memref<80xi32, #tpu.memory_space<vmem>>) semaphore(%arg17 : memref<!tpu.dma_semaphore, #tpu.memory_space<semaphore_mem>>) {add = true}
      %add3A_330 = arith.constant 5 : i32
      %add3A_331 = arith.addi %add3A_294, %add3A_330 : i32
      %sub3A_332 = arith.constant 2 : i32
      %sub3A_333 = arith.subi %add3A_331, %sub3A_332 : i32
      %ge3A_334 = arith.constant 2 : i32
      %ge3A_335 = arith.cmpi sge, %add3A_294, %ge3A_334 : i32
      %lt3A_336 = arith.constant 125 : i32
      %lt3A_337 = arith.cmpi slt, %sub3A_333, %lt3A_336 : i32
      %and3A_338 = arith.andi %ge3A_335, %lt3A_337 : i1
      %convert_element_type3A_339 = arith.extui %and3A_338 : i1 to i32
      %cond3A_340 = arith.constant 0 : i32
      %cond3A_341 = arith.cmpi ne, %convert_element_type3A_339, %cond3A_340 : i32
      scf.if %cond3A_341 {
        %dma_wait3A_401 = arith.constant 1 : i32
        %dma_wait3A_402 = arith.constant 0 : i32
        %dma_wait3A_403 = arith.constant 1 : i32
        %dma_wait3A_404 = arith.constant 0 : i32
        %dma_wait3A_405 = arith.constant 0 : i32
        %dma_wait3A_406 = tpu.memref_slice %arg11[%dma_wait3A_401, %dma_wait3A_404, %dma_wait3A_405] : memref<5x80x64xf32, #tpu.memory_space<vmem>> -> memref<1x80x64xf32, #tpu.memory_space<vmem>>
        %dma_wait3A_407 = tpu.memref_squeeze %dma_wait3A_406 : memref<1x80x64xf32, #tpu.memory_space<vmem>> -> memref<80x64xf32, #tpu.memory_space<vmem>>
        %dma_wait3A_408 = arith.constant 0 : i32
        %dma_wait3A_409 = tpu.memref_slice %arg10[%dma_wait3A_402, %dma_wait3A_408] : memref<125x80xi32, #tpu.memory_space<vmem>> -> memref<1x80xi32, #tpu.memory_space<vmem>>
        %dma_wait3A_410 = tpu.memref_squeeze %dma_wait3A_409 : memref<1x80xi32, #tpu.memory_space<vmem>> -> memref<80xi32, #tpu.memory_space<vmem>>
        %dma_wait3A_411 = arith.constant 0 : i32
        %dma_wait3A_412 = arith.constant 0 : i32
        %dma_wait3A_413 = tpu.memref_slice %arg13[%dma_wait3A_411, %dma_wait3A_412] : memref<10112x64xf32, #tpu.memory_space<vmem_shared>> -> memref<10112x64xf32, #tpu.memory_space<vmem_shared>>
        %dma_wait3A_414 = tpu.memref_slice %arg16[%dma_wait3A_403] : memref<5x!tpu.dma_semaphore, #tpu.memory_space<semaphore_mem>> -> memref<1x!tpu.dma_semaphore, #tpu.memory_space<semaphore_mem>>
        %dma_wait3A_415 = tpu.memref_squeeze %dma_wait3A_414 : memref<1x!tpu.dma_semaphore, #tpu.memory_space<semaphore_mem>> -> memref<!tpu.dma_semaphore, #tpu.memory_space<semaphore_mem>>
        tpu.wait_indirect_dma semaphore(%dma_wait3A_415 : memref<!tpu.dma_semaphore, #tpu.memory_space<semaphore_mem>>) src(%dma_wait3A_407 : memref<80x64xf32, #tpu.memory_space<vmem>>) dst(%dma_wait3A_413 : memref<10112x64xf32, #tpu.memory_space<vmem_shared>>)
      } else {
      }
      %lt3A_342 = arith.constant 125 : i32
      %lt3A_343 = arith.cmpi slt, %sub3A_333, %lt3A_342 : i32
      %convert_element_type3A_344 = arith.extui %lt3A_343 : i1 to i32
      %cond3A_345 = arith.constant 0 : i32
      %cond3A_346 = arith.cmpi ne, %convert_element_type3A_344, %cond3A_345 : i32
      scf.if %cond3A_346 {
        %dma_start3A_401 = arith.constant 1 : i32
        %dma_start3A_402 = arith.constant 1 : i32
        %dma_start3A_403 = arith.constant 0 : i32
        %dma_start3A_404 = arith.constant 0 : i32
        %dma_start3A_405 = tpu.memref_slice %arg11[%dma_start3A_401, %dma_start3A_403, %dma_start3A_404] : memref<5x80x64xf32, #tpu.memory_space<vmem>> -> memref<1x80x64xf32, #tpu.memory_space<vmem>>
        %dma_start3A_406 = tpu.memref_squeeze %dma_start3A_405 : memref<1x80x64xf32, #tpu.memory_space<vmem>> -> memref<80x64xf32, #tpu.memory_space<vmem>>
        %dma_start3A_407 = arith.constant 0 : i32
        %dma_start3A_408 = tpu.memref_slice %arg9[%sub3A_333, %dma_start3A_407] : memref<125x80xi32, #tpu.memory_space<vmem>> -> memref<1x80xi32, #tpu.memory_space<vmem>>
        %dma_start3A_409 = tpu.memref_squeeze %dma_start3A_408 : memref<1x80xi32, #tpu.memory_space<vmem>> -> memref<80xi32, #tpu.memory_space<vmem>>
        %dma_start3A_410 = arith.constant 0 : i32
        %dma_start3A_411 = arith.constant 0 : i32
        %dma_start3A_412 = tpu.memref_slice %arg2[%dma_start3A_410, %dma_start3A_411] : memref<10000x64xf32, #tpu.memory_space<hbm>> -> memref<10000x64xf32, #tpu.memory_space<hbm>>
        %dma_start3A_413 = tpu.memref_slice %arg15[%dma_start3A_402] : memref<5x!tpu.dma_semaphore, #tpu.memory_space<semaphore_mem>> -> memref<1x!tpu.dma_semaphore, #tpu.memory_space<semaphore_mem>>
        %dma_start3A_414 = tpu.memref_squeeze %dma_start3A_413 : memref<1x!tpu.dma_semaphore, #tpu.memory_space<semaphore_mem>> -> memref<!tpu.dma_semaphore, #tpu.memory_space<semaphore_mem>>
        tpu.enqueue_indirect_dma source(%dma_start3A_412 : memref<10000x64xf32, #tpu.memory_space<hbm>>) target(%dma_start3A_406 : memref<80x64xf32, #tpu.memory_space<vmem>>) offsets(%dma_start3A_409 : memref<80xi32, #tpu.memory_space<vmem>>) semaphore(%dma_start3A_414 : memref<!tpu.dma_semaphore, #tpu.memory_space<semaphore_mem>>)
      } else {
      }
      %add3A_347 = arith.constant 4 : i32
      %add3A_348 = arith.addi %mul3A_136, %add3A_347 : i32
      %dma_wait3A_349 = arith.constant 0 : i32
      %dma_wait3A_350 = arith.constant 4 : i32
      %dma_wait3A_351 = arith.constant 4 : i32
      %dma_wait3A_352 = arith.constant 0 : i32
      %dma_wait3A_353 = arith.constant 0 : i32
      %dma_wait3A_354 = tpu.memref_slice %arg11[%dma_wait3A_350, %dma_wait3A_352, %dma_wait3A_353] : memref<5x80x64xf32, #tpu.memory_space<vmem>> -> memref<1x80x64xf32, #tpu.memory_space<vmem>>
      %dma_wait3A_355 = tpu.memref_squeeze %dma_wait3A_354 : memref<1x80x64xf32, #tpu.memory_space<vmem>> -> memref<80x64xf32, #tpu.memory_space<vmem>>
      %dma_wait3A_356 = arith.constant 0 : i32
      %dma_wait3A_357 = tpu.memref_slice %arg9[%dma_wait3A_349, %dma_wait3A_356] : memref<125x80xi32, #tpu.memory_space<vmem>> -> memref<1x80xi32, #tpu.memory_space<vmem>>
      %dma_wait3A_358 = tpu.memref_squeeze %dma_wait3A_357 : memref<1x80xi32, #tpu.memory_space<vmem>> -> memref<80xi32, #tpu.memory_space<vmem>>
      %dma_wait3A_359 = arith.constant 0 : i32
      %dma_wait3A_360 = arith.constant 0 : i32
      %dma_wait3A_361 = tpu.memref_slice %arg2[%dma_wait3A_359, %dma_wait3A_360] : memref<10000x64xf32, #tpu.memory_space<hbm>> -> memref<10000x64xf32, #tpu.memory_space<hbm>>
      %dma_wait3A_362 = tpu.memref_slice %arg15[%dma_wait3A_351] : memref<5x!tpu.dma_semaphore, #tpu.memory_space<semaphore_mem>> -> memref<1x!tpu.dma_semaphore, #tpu.memory_space<semaphore_mem>>
      %dma_wait3A_363 = tpu.memref_squeeze %dma_wait3A_362 : memref<1x!tpu.dma_semaphore, #tpu.memory_space<semaphore_mem>> -> memref<!tpu.dma_semaphore, #tpu.memory_space<semaphore_mem>>
      tpu.wait_indirect_dma semaphore(%dma_wait3A_363 : memref<!tpu.dma_semaphore, #tpu.memory_space<semaphore_mem>>) src(%dma_wait3A_361 : memref<10000x64xf32, #tpu.memory_space<hbm>>) dst(%dma_wait3A_355 : memref<80x64xf32, #tpu.memory_space<vmem>>)
      %dma_start3A_364 = arith.constant 4 : i32
      %dma_start3A_365 = arith.constant 4 : i32
      %dma_start3A_366 = arith.constant 0 : i32
      %dma_start3A_367 = arith.constant 0 : i32
      %dma_start3A_368 = tpu.memref_slice %arg11[%dma_start3A_364, %dma_start3A_366, %dma_start3A_367] : memref<5x80x64xf32, #tpu.memory_space<vmem>> -> memref<1x80x64xf32, #tpu.memory_space<vmem>>
      %dma_start3A_369 = tpu.memref_squeeze %dma_start3A_368 : memref<1x80x64xf32, #tpu.memory_space<vmem>> -> memref<80x64xf32, #tpu.memory_space<vmem>>
      %dma_start3A_370 = arith.constant 0 : i32
      %dma_start3A_371 = tpu.memref_slice %arg10[%add3A_348, %dma_start3A_370] : memref<125x80xi32, #tpu.memory_space<vmem>> -> memref<1x80xi32, #tpu.memory_space<vmem>>
      %dma_start3A_372 = tpu.memref_squeeze %dma_start3A_371 : memref<1x80xi32, #tpu.memory_space<vmem>> -> memref<80xi32, #tpu.memory_space<vmem>>
      %dma_start3A_373 = arith.constant 0 : i32
      %dma_start3A_374 = arith.constant 0 : i32
      %dma_start3A_375 = tpu.memref_slice %arg13[%dma_start3A_373, %dma_start3A_374] : memref<10112x64xf32, #tpu.memory_space<vmem_shared>> -> memref<10112x64xf32, #tpu.memory_space<vmem_shared>>
      %dma_start3A_376 = tpu.memref_slice %arg16[%dma_start3A_365] : memref<5x!tpu.dma_semaphore, #tpu.memory_space<semaphore_mem>> -> memref<1x!tpu.dma_semaphore, #tpu.memory_space<semaphore_mem>>
      %dma_start3A_377 = tpu.memref_squeeze %dma_start3A_376 : memref<1x!tpu.dma_semaphore, #tpu.memory_space<semaphore_mem>> -> memref<!tpu.dma_semaphore, #tpu.memory_space<semaphore_mem>>
      tpu.enqueue_indirect_dma source(%dma_start3A_369 : memref<80x64xf32, #tpu.memory_space<vmem>>) target(%dma_start3A_375 : memref<10112x64xf32, #tpu.memory_space<vmem_shared>>) offsets(%dma_start3A_372 : memref<80xi32, #tpu.memory_space<vmem>>) semaphore(%dma_start3A_377 : memref<!tpu.dma_semaphore, #tpu.memory_space<semaphore_mem>>) {add = true}
      %dma_start3A_378 = arith.constant 0 : i32
      %dma_start3A_379 = tpu.memref_slice %arg10[%add3A_348, %dma_start3A_378] : memref<125x80xi32, #tpu.memory_space<vmem>> -> memref<1x80xi32, #tpu.memory_space<vmem>>
      %dma_start3A_380 = tpu.memref_squeeze %dma_start3A_379 : memref<1x80xi32, #tpu.memory_space<vmem>> -> memref<80xi32, #tpu.memory_space<vmem>>
      %dma_start3A_381 = arith.constant 0 : i32
      %dma_start3A_382 = arith.constant 0 : i32
      %dma_start3A_383 = tpu.memref_slice %arg14[%dma_start3A_381, %dma_start3A_382] : memref<10112x16xf32, #tpu.memory_space<vmem_shared>> -> memref<10112x16xf32, #tpu.memory_space<vmem_shared>>
      tpu.enqueue_indirect_dma source(%arg12 : memref<80x16xf32, #tpu.memory_space<vmem>>) target(%dma_start3A_383 : memref<10112x16xf32, #tpu.memory_space<vmem_shared>>) offsets(%dma_start3A_380 : memref<80xi32, #tpu.memory_space<vmem>>) semaphore(%arg17 : memref<!tpu.dma_semaphore, #tpu.memory_space<semaphore_mem>>) {add = true}
      %add3A_384 = arith.constant 5 : i32
      %add3A_385 = arith.addi %add3A_348, %add3A_384 : i32
      %sub3A_386 = arith.constant 2 : i32
      %sub3A_387 = arith.subi %add3A_385, %sub3A_386 : i32
      %ge3A_388 = arith.constant 2 : i32
      %ge3A_389 = arith.cmpi sge, %add3A_348, %ge3A_388 : i32
      %lt3A_390 = arith.constant 125 : i32
      %lt3A_391 = arith.cmpi slt, %sub3A_387, %lt3A_390 : i32
      %and3A_392 = arith.andi %ge3A_389, %lt3A_391 : i1
      %convert_element_type3A_393 = arith.extui %and3A_392 : i1 to i32
      %cond3A_394 = arith.constant 0 : i32
      %cond3A_395 = arith.cmpi ne, %convert_element_type3A_393, %cond3A_394 : i32
      scf.if %cond3A_395 {
        %dma_wait3A_401 = arith.constant 2 : i32
        %dma_wait3A_402 = arith.constant 0 : i32
        %dma_wait3A_403 = arith.constant 2 : i32
        %dma_wait3A_404 = arith.constant 0 : i32
        %dma_wait3A_405 = arith.constant 0 : i32
        %dma_wait3A_406 = tpu.memref_slice %arg11[%dma_wait3A_401, %dma_wait3A_404, %dma_wait3A_405] : memref<5x80x64xf32, #tpu.memory_space<vmem>> -> memref<1x80x64xf32, #tpu.memory_space<vmem>>
        %dma_wait3A_407 = tpu.memref_squeeze %dma_wait3A_406 : memref<1x80x64xf32, #tpu.memory_space<vmem>> -> memref<80x64xf32, #tpu.memory_space<vmem>>
        %dma_wait3A_408 = arith.constant 0 : i32
        %dma_wait3A_409 = tpu.memref_slice %arg10[%dma_wait3A_402, %dma_wait3A_408] : memref<125x80xi32, #tpu.memory_space<vmem>> -> memref<1x80xi32, #tpu.memory_space<vmem>>
        %dma_wait3A_410 = tpu.memref_squeeze %dma_wait3A_409 : memref<1x80xi32, #tpu.memory_space<vmem>> -> memref<80xi32, #tpu.memory_space<vmem>>
        %dma_wait3A_411 = arith.constant 0 : i32
        %dma_wait3A_412 = arith.constant 0 : i32
        %dma_wait3A_413 = tpu.memref_slice %arg13[%dma_wait3A_411, %dma_wait3A_412] : memref<10112x64xf32, #tpu.memory_space<vmem_shared>> -> memref<10112x64xf32, #tpu.memory_space<vmem_shared>>
        %dma_wait3A_414 = tpu.memref_slice %arg16[%dma_wait3A_403] : memref<5x!tpu.dma_semaphore, #tpu.memory_space<semaphore_mem>> -> memref<1x!tpu.dma_semaphore, #tpu.memory_space<semaphore_mem>>
        %dma_wait3A_415 = tpu.memref_squeeze %dma_wait3A_414 : memref<1x!tpu.dma_semaphore, #tpu.memory_space<semaphore_mem>> -> memref<!tpu.dma_semaphore, #tpu.memory_space<semaphore_mem>>
        tpu.wait_indirect_dma semaphore(%dma_wait3A_415 : memref<!tpu.dma_semaphore, #tpu.memory_space<semaphore_mem>>) src(%dma_wait3A_407 : memref<80x64xf32, #tpu.memory_space<vmem>>) dst(%dma_wait3A_413 : memref<10112x64xf32, #tpu.memory_space<vmem_shared>>)
      } else {
      }
      %lt3A_396 = arith.constant 125 : i32
      %lt3A_397 = arith.cmpi slt, %sub3A_387, %lt3A_396 : i32
      %convert_element_type3A_398 = arith.extui %lt3A_397 : i1 to i32
      %cond3A_399 = arith.constant 0 : i32
      %cond3A_400 = arith.cmpi ne, %convert_element_type3A_398, %cond3A_399 : i32
      scf.if %cond3A_400 {
        %dma_start3A_401 = arith.constant 2 : i32
        %dma_start3A_402 = arith.constant 2 : i32
        %dma_start3A_403 = arith.constant 0 : i32
        %dma_start3A_404 = arith.constant 0 : i32
        %dma_start3A_405 = tpu.memref_slice %arg11[%dma_start3A_401, %dma_start3A_403, %dma_start3A_404] : memref<5x80x64xf32, #tpu.memory_space<vmem>> -> memref<1x80x64xf32, #tpu.memory_space<vmem>>
        %dma_start3A_406 = tpu.memref_squeeze %dma_start3A_405 : memref<1x80x64xf32, #tpu.memory_space<vmem>> -> memref<80x64xf32, #tpu.memory_space<vmem>>
        %dma_start3A_407 = arith.constant 0 : i32
        %dma_start3A_408 = tpu.memref_slice %arg9[%sub3A_387, %dma_start3A_407] : memref<125x80xi32, #tpu.memory_space<vmem>> -> memref<1x80xi32, #tpu.memory_space<vmem>>
        %dma_start3A_409 = tpu.memref_squeeze %dma_start3A_408 : memref<1x80xi32, #tpu.memory_space<vmem>> -> memref<80xi32, #tpu.memory_space<vmem>>
        %dma_start3A_410 = arith.constant 0 : i32
        %dma_start3A_411 = arith.constant 0 : i32
        %dma_start3A_412 = tpu.memref_slice %arg2[%dma_start3A_410, %dma_start3A_411] : memref<10000x64xf32, #tpu.memory_space<hbm>> -> memref<10000x64xf32, #tpu.memory_space<hbm>>
        %dma_start3A_413 = tpu.memref_slice %arg15[%dma_start3A_402] : memref<5x!tpu.dma_semaphore, #tpu.memory_space<semaphore_mem>> -> memref<1x!tpu.dma_semaphore, #tpu.memory_space<semaphore_mem>>
        %dma_start3A_414 = tpu.memref_squeeze %dma_start3A_413 : memref<1x!tpu.dma_semaphore, #tpu.memory_space<semaphore_mem>> -> memref<!tpu.dma_semaphore, #tpu.memory_space<semaphore_mem>>
        tpu.enqueue_indirect_dma source(%dma_start3A_412 : memref<10000x64xf32, #tpu.memory_space<hbm>>) target(%dma_start3A_406 : memref<80x64xf32, #tpu.memory_space<vmem>>) offsets(%dma_start3A_409 : memref<80xi32, #tpu.memory_space<vmem>>) semaphore(%dma_start3A_414 : memref<!tpu.dma_semaphore, #tpu.memory_space<semaphore_mem>>)
      } else {
      }
    }
    %scan3A_52 = arith.constant 25 : i32
    %dma_wait3A = arith.constant 0 : i32
    %dma_wait3A_53 = arith.constant 0 : i32
    %dma_wait3A_54 = arith.constant 0 : i32
    %dma_wait3A_55 = arith.constant 0 : i32
    %dma_wait3A_56 = arith.constant 0 : i32
    %dma_wait3A_57 = tpu.memref_slice %arg11[%dma_wait3A, %dma_wait3A_55, %dma_wait3A_56] : memref<5x80x64xf32, #tpu.memory_space<vmem>> -> memref<1x80x64xf32, #tpu.memory_space<vmem>>
    %dma_wait3A_58 = tpu.memref_squeeze %dma_wait3A_57 : memref<1x80x64xf32, #tpu.memory_space<vmem>> -> memref<80x64xf32, #tpu.memory_space<vmem>>
    %dma_wait3A_59 = arith.constant 0 : i32
    %dma_wait3A_60 = tpu.memref_slice %arg10[%dma_wait3A_53, %dma_wait3A_59] : memref<125x80xi32, #tpu.memory_space<vmem>> -> memref<1x80xi32, #tpu.memory_space<vmem>>
    %dma_wait3A_61 = tpu.memref_squeeze %dma_wait3A_60 : memref<1x80xi32, #tpu.memory_space<vmem>> -> memref<80xi32, #tpu.memory_space<vmem>>
    %dma_wait3A_62 = arith.constant 0 : i32
    %dma_wait3A_63 = arith.constant 0 : i32
    %dma_wait3A_64 = tpu.memref_slice %arg13[%dma_wait3A_62, %dma_wait3A_63] : memref<10112x64xf32, #tpu.memory_space<vmem_shared>> -> memref<10112x64xf32, #tpu.memory_space<vmem_shared>>
    %dma_wait3A_65 = tpu.memref_slice %arg16[%dma_wait3A_54] : memref<5x!tpu.dma_semaphore, #tpu.memory_space<semaphore_mem>> -> memref<1x!tpu.dma_semaphore, #tpu.memory_space<semaphore_mem>>
    %dma_wait3A_66 = tpu.memref_squeeze %dma_wait3A_65 : memref<1x!tpu.dma_semaphore, #tpu.memory_space<semaphore_mem>> -> memref<!tpu.dma_semaphore, #tpu.memory_space<semaphore_mem>>
    tpu.wait_indirect_dma semaphore(%dma_wait3A_66 : memref<!tpu.dma_semaphore, #tpu.memory_space<semaphore_mem>>) src(%dma_wait3A_58 : memref<80x64xf32, #tpu.memory_space<vmem>>) dst(%dma_wait3A_64 : memref<10112x64xf32, #tpu.memory_space<vmem_shared>>)
    %dma_wait3A_67 = arith.constant 1 : i32
    %dma_wait3A_68 = arith.constant 0 : i32
    %dma_wait3A_69 = arith.constant 1 : i32
    %dma_wait3A_70 = arith.constant 0 : i32
    %dma_wait3A_71 = arith.constant 0 : i32
    %dma_wait3A_72 = tpu.memref_slice %arg11[%dma_wait3A_67, %dma_wait3A_70, %dma_wait3A_71] : memref<5x80x64xf32, #tpu.memory_space<vmem>> -> memref<1x80x64xf32, #tpu.memory_space<vmem>>
    %dma_wait3A_73 = tpu.memref_squeeze %dma_wait3A_72 : memref<1x80x64xf32, #tpu.memory_space<vmem>> -> memref<80x64xf32, #tpu.memory_space<vmem>>
    %dma_wait3A_74 = arith.constant 0 : i32
    %dma_wait3A_75 = tpu.memref_slice %arg10[%dma_wait3A_68, %dma_wait3A_74] : memref<125x80xi32, #tpu.memory_space<vmem>> -> memref<1x80xi32, #tpu.memory_space<vmem>>
    %dma_wait3A_76 = tpu.memref_squeeze %dma_wait3A_75 : memref<1x80xi32, #tpu.memory_space<vmem>> -> memref<80xi32, #tpu.memory_space<vmem>>
    %dma_wait3A_77 = arith.constant 0 : i32
    %dma_wait3A_78 = arith.constant 0 : i32
    %dma_wait3A_79 = tpu.memref_slice %arg13[%dma_wait3A_77, %dma_wait3A_78] : memref<10112x64xf32, #tpu.memory_space<vmem_shared>> -> memref<10112x64xf32, #tpu.memory_space<vmem_shared>>
    %dma_wait3A_80 = tpu.memref_slice %arg16[%dma_wait3A_69] : memref<5x!tpu.dma_semaphore, #tpu.memory_space<semaphore_mem>> -> memref<1x!tpu.dma_semaphore, #tpu.memory_space<semaphore_mem>>
    %dma_wait3A_81 = tpu.memref_squeeze %dma_wait3A_80 : memref<1x!tpu.dma_semaphore, #tpu.memory_space<semaphore_mem>> -> memref<!tpu.dma_semaphore, #tpu.memory_space<semaphore_mem>>
    tpu.wait_indirect_dma semaphore(%dma_wait3A_81 : memref<!tpu.dma_semaphore, #tpu.memory_space<semaphore_mem>>) src(%dma_wait3A_73 : memref<80x64xf32, #tpu.memory_space<vmem>>) dst(%dma_wait3A_79 : memref<10112x64xf32, #tpu.memory_space<vmem_shared>>)
    %dma_wait3A_82 = arith.constant 2 : i32
    %dma_wait3A_83 = arith.constant 0 : i32
    %dma_wait3A_84 = arith.constant 2 : i32
    %dma_wait3A_85 = arith.constant 0 : i32
    %dma_wait3A_86 = arith.constant 0 : i32
    %dma_wait3A_87 = tpu.memref_slice %arg11[%dma_wait3A_82, %dma_wait3A_85, %dma_wait3A_86] : memref<5x80x64xf32, #tpu.memory_space<vmem>> -> memref<1x80x64xf32, #tpu.memory_space<vmem>>
    %dma_wait3A_88 = tpu.memref_squeeze %dma_wait3A_87 : memref<1x80x64xf32, #tpu.memory_space<vmem>> -> memref<80x64xf32, #tpu.memory_space<vmem>>
    %dma_wait3A_89 = arith.constant 0 : i32
    %dma_wait3A_90 = tpu.memref_slice %arg10[%dma_wait3A_83, %dma_wait3A_89] : memref<125x80xi32, #tpu.memory_space<vmem>> -> memref<1x80xi32, #tpu.memory_space<vmem>>
    %dma_wait3A_91 = tpu.memref_squeeze %dma_wait3A_90 : memref<1x80xi32, #tpu.memory_space<vmem>> -> memref<80xi32, #tpu.memory_space<vmem>>
    %dma_wait3A_92 = arith.constant 0 : i32
    %dma_wait3A_93 = arith.constant 0 : i32
    %dma_wait3A_94 = tpu.memref_slice %arg13[%dma_wait3A_92, %dma_wait3A_93] : memref<10112x64xf32, #tpu.memory_space<vmem_shared>> -> memref<10112x64xf32, #tpu.memory_space<vmem_shared>>
    %dma_wait3A_95 = tpu.memref_slice %arg16[%dma_wait3A_84] : memref<5x!tpu.dma_semaphore, #tpu.memory_space<semaphore_mem>> -> memref<1x!tpu.dma_semaphore, #tpu.memory_space<semaphore_mem>>
    %dma_wait3A_96 = tpu.memref_squeeze %dma_wait3A_95 : memref<1x!tpu.dma_semaphore, #tpu.memory_space<semaphore_mem>> -> memref<!tpu.dma_semaphore, #tpu.memory_space<semaphore_mem>>
    tpu.wait_indirect_dma semaphore(%dma_wait3A_96 : memref<!tpu.dma_semaphore, #tpu.memory_space<semaphore_mem>>) src(%dma_wait3A_88 : memref<80x64xf32, #tpu.memory_space<vmem>>) dst(%dma_wait3A_94 : memref<10112x64xf32, #tpu.memory_space<vmem_shared>>)
    %dma_wait3A_97 = arith.constant 3 : i32
    %dma_wait3A_98 = arith.constant 0 : i32
    %dma_wait3A_99 = arith.constant 3 : i32
    %dma_wait3A_100 = arith.constant 0 : i32
    %dma_wait3A_101 = arith.constant 0 : i32
    %dma_wait3A_102 = tpu.memref_slice %arg11[%dma_wait3A_97, %dma_wait3A_100, %dma_wait3A_101] : memref<5x80x64xf32, #tpu.memory_space<vmem>> -> memref<1x80x64xf32, #tpu.memory_space<vmem>>
    %dma_wait3A_103 = tpu.memref_squeeze %dma_wait3A_102 : memref<1x80x64xf32, #tpu.memory_space<vmem>> -> memref<80x64xf32, #tpu.memory_space<vmem>>
    %dma_wait3A_104 = arith.constant 0 : i32
    %dma_wait3A_105 = tpu.memref_slice %arg10[%dma_wait3A_98, %dma_wait3A_104] : memref<125x80xi32, #tpu.memory_space<vmem>> -> memref<1x80xi32, #tpu.memory_space<vmem>>
    %dma_wait3A_106 = tpu.memref_squeeze %dma_wait3A_105 : memref<1x80xi32, #tpu.memory_space<vmem>> -> memref<80xi32, #tpu.memory_space<vmem>>
    %dma_wait3A_107 = arith.constant 0 : i32
    %dma_wait3A_108 = arith.constant 0 : i32
    %dma_wait3A_109 = tpu.memref_slice %arg13[%dma_wait3A_107, %dma_wait3A_108] : memref<10112x64xf32, #tpu.memory_space<vmem_shared>> -> memref<10112x64xf32, #tpu.memory_space<vmem_shared>>
    %dma_wait3A_110 = tpu.memref_slice %arg16[%dma_wait3A_99] : memref<5x!tpu.dma_semaphore, #tpu.memory_space<semaphore_mem>> -> memref<1x!tpu.dma_semaphore, #tpu.memory_space<semaphore_mem>>
    %dma_wait3A_111 = tpu.memref_squeeze %dma_wait3A_110 : memref<1x!tpu.dma_semaphore, #tpu.memory_space<semaphore_mem>> -> memref<!tpu.dma_semaphore, #tpu.memory_space<semaphore_mem>>
    tpu.wait_indirect_dma semaphore(%dma_wait3A_111 : memref<!tpu.dma_semaphore, #tpu.memory_space<semaphore_mem>>) src(%dma_wait3A_103 : memref<80x64xf32, #tpu.memory_space<vmem>>) dst(%dma_wait3A_109 : memref<10112x64xf32, #tpu.memory_space<vmem_shared>>)
    %dma_wait3A_112 = arith.constant 4 : i32
    %dma_wait3A_113 = arith.constant 0 : i32
    %dma_wait3A_114 = arith.constant 4 : i32
    %dma_wait3A_115 = arith.constant 0 : i32
    %dma_wait3A_116 = arith.constant 0 : i32
    %dma_wait3A_117 = tpu.memref_slice %arg11[%dma_wait3A_112, %dma_wait3A_115, %dma_wait3A_116] : memref<5x80x64xf32, #tpu.memory_space<vmem>> -> memref<1x80x64xf32, #tpu.memory_space<vmem>>
    %dma_wait3A_118 = tpu.memref_squeeze %dma_wait3A_117 : memref<1x80x64xf32, #tpu.memory_space<vmem>> -> memref<80x64xf32, #tpu.memory_space<vmem>>
    %dma_wait3A_119 = arith.constant 0 : i32
    %dma_wait3A_120 = tpu.memref_slice %arg10[%dma_wait3A_113, %dma_wait3A_119] : memref<125x80xi32, #tpu.memory_space<vmem>> -> memref<1x80xi32, #tpu.memory_space<vmem>>
    %dma_wait3A_121 = tpu.memref_squeeze %dma_wait3A_120 : memref<1x80xi32, #tpu.memory_space<vmem>> -> memref<80xi32, #tpu.memory_space<vmem>>
    %dma_wait3A_122 = arith.constant 0 : i32
    %dma_wait3A_123 = arith.constant 0 : i32
    %dma_wait3A_124 = tpu.memref_slice %arg13[%dma_wait3A_122, %dma_wait3A_123] : memref<10112x64xf32, #tpu.memory_space<vmem_shared>> -> memref<10112x64xf32, #tpu.memory_space<vmem_shared>>
    %dma_wait3A_125 = tpu.memref_slice %arg16[%dma_wait3A_114] : memref<5x!tpu.dma_semaphore, #tpu.memory_space<semaphore_mem>> -> memref<1x!tpu.dma_semaphore, #tpu.memory_space<semaphore_mem>>
    %dma_wait3A_126 = tpu.memref_squeeze %dma_wait3A_125 : memref<1x!tpu.dma_semaphore, #tpu.memory_space<semaphore_mem>> -> memref<!tpu.dma_semaphore, #tpu.memory_space<semaphore_mem>>
    tpu.wait_indirect_dma semaphore(%dma_wait3A_126 : memref<!tpu.dma_semaphore, #tpu.memory_space<semaphore_mem>>) src(%dma_wait3A_118 : memref<80x64xf32, #tpu.memory_space<vmem>>) dst(%dma_wait3A_124 : memref<10112x64xf32, #tpu.memory_space<vmem_shared>>)
    %scan3A_127 = arith.constant 0 : i32
    %scan3A_128 = arith.constant 0 : i32
    %scan3A_129 = arith.constant 125 : i32
    %scan3A_130 = arith.addi %scan3A_128, %scan3A_129 : i32
    %scan3A_131 = arith.constant 1 : i32
    scf.for %scan3A_134 = %scan3A_128 to %scan3A_130 step %scan3A_131  : i32 {
      %dma_wait3A_135 = arith.constant 0 : i32
      %dma_wait3A_136 = arith.constant 0 : i32
      %dma_wait3A_137 = tpu.memref_slice %arg10[%dma_wait3A_135, %dma_wait3A_136] : memref<125x80xi32, #tpu.memory_space<vmem>> -> memref<1x80xi32, #tpu.memory_space<vmem>>
      %dma_wait3A_138 = tpu.memref_squeeze %dma_wait3A_137 : memref<1x80xi32, #tpu.memory_space<vmem>> -> memref<80xi32, #tpu.memory_space<vmem>>
      %dma_wait3A_139 = arith.constant 0 : i32
      %dma_wait3A_140 = arith.constant 0 : i32
      %dma_wait3A_141 = tpu.memref_slice %arg14[%dma_wait3A_139, %dma_wait3A_140] : memref<10112x16xf32, #tpu.memory_space<vmem_shared>> -> memref<10112x16xf32, #tpu.memory_space<vmem_shared>>
      tpu.wait_indirect_dma semaphore(%arg17 : memref<!tpu.dma_semaphore, #tpu.memory_space<semaphore_mem>>) src(%arg12 : memref<80x16xf32, #tpu.memory_space<vmem>>) dst(%dma_wait3A_141 : memref<10112x16xf32, #tpu.memory_space<vmem_shared>>)
    }
    %scan3A_132 = arith.constant 125 : i32
    %barrier3A_133 = arith.constant 0 : index
    tpu.barrier barrier_id(%barrier3A_133)
    "tpu.region"() ({
      %run_scoped3A_134 = tpu.sem_alloc : memref<!tpu.dma_semaphore, #tpu.memory_space<semaphore_mem>>
      %dma_start3A_135 = arith.constant 0 : i32
      %dma_start3A_136 = tpu.memref_slice %arg7[%arg0, %mul3A_2, %dma_start3A_135] : memref<2x10112x64xf32, #tpu.memory_space<hbm>> -> memref<1x632x64xf32, #tpu.memory_space<hbm>>
      %dma_start3A_137 = tpu.memref_squeeze %dma_start3A_136 : memref<1x632x64xf32, #tpu.memory_space<hbm>> -> memref<632x64xf32, #tpu.memory_space<hbm>>
      %dma_start3A_138 = arith.constant 0 : i32
      %dma_start3A_139 = tpu.memref_slice %arg13[%mul3A_2, %dma_start3A_138] : memref<10112x64xf32, #tpu.memory_space<vmem_shared>> -> memref<632x64xf32, #tpu.memory_space<vmem_shared>>
      tpu.enqueue_dma source(%dma_start3A_139 : memref<632x64xf32, #tpu.memory_space<vmem_shared>>) target(%dma_start3A_137 : memref<632x64xf32, #tpu.memory_space<hbm>>) target_semaphore(%run_scoped3A_134 : memref<!tpu.dma_semaphore, #tpu.memory_space<semaphore_mem>>)
      %dma_wait3A_140 = arith.constant 0 : i32
      %dma_wait3A_141 = tpu.memref_slice %arg7[%arg0, %mul3A_2, %dma_wait3A_140] : memref<2x10112x64xf32, #tpu.memory_space<hbm>> -> memref<1x632x64xf32, #tpu.memory_space<hbm>>
      %dma_wait3A_142 = tpu.memref_squeeze %dma_wait3A_141 : memref<1x632x64xf32, #tpu.memory_space<hbm>> -> memref<632x64xf32, #tpu.memory_space<hbm>>
      %dma_wait3A_143 = arith.constant 0 : i32
      %dma_wait3A_144 = tpu.memref_slice %arg13[%mul3A_2, %dma_wait3A_143] : memref<10112x64xf32, #tpu.memory_space<vmem_shared>> -> memref<632x64xf32, #tpu.memory_space<vmem_shared>>
      tpu.wait_dma2 semaphore(%run_scoped3A_134 : memref<!tpu.dma_semaphore, #tpu.memory_space<semaphore_mem>>) src(%dma_wait3A_144 : memref<632x64xf32, #tpu.memory_space<vmem_shared>>) dst(%dma_wait3A_142 : memref<632x64xf32, #tpu.memory_space<hbm>>)
      tpu.yield
    }) : () -> ()
    "tpu.region"() ({
      %run_scoped3A_134 = tpu.sem_alloc : memref<!tpu.dma_semaphore, #tpu.memory_space<semaphore_mem>>
      %dma_start3A_135 = arith.constant 0 : i32
      %dma_start3A_136 = tpu.memref_slice %arg8[%arg0, %mul3A_2, %dma_start3A_135] : memref<2x10112x16xf32, #tpu.memory_space<hbm>> -> memref<1x632x16xf32, #tpu.memory_space<hbm>>
      %dma_start3A_137 = tpu.memref_squeeze %dma_start3A_136 : memref<1x632x16xf32, #tpu.memory_space<hbm>> -> memref<632x16xf32, #tpu.memory_space<hbm>>
      %dma_start3A_138 = arith.constant 0 : i32
      %dma_start3A_139 = tpu.memref_slice %arg14[%mul3A_2, %dma_start3A_138] : memref<10112x16xf32, #tpu.memory_space<vmem_shared>> -> memref<632x16xf32, #tpu.memory_space<vmem_shared>>
      tpu.enqueue_dma source(%dma_start3A_139 : memref<632x16xf32, #tpu.memory_space<vmem_shared>>) target(%dma_start3A_137 : memref<632x16xf32, #tpu.memory_space<hbm>>) target_semaphore(%run_scoped3A_134 : memref<!tpu.dma_semaphore, #tpu.memory_space<semaphore_mem>>)
      %dma_wait3A_140 = arith.constant 0 : i32
      %dma_wait3A_141 = tpu.memref_slice %arg8[%arg0, %mul3A_2, %dma_wait3A_140] : memref<2x10112x16xf32, #tpu.memory_space<hbm>> -> memref<1x632x16xf32, #tpu.memory_space<hbm>>
      %dma_wait3A_142 = tpu.memref_squeeze %dma_wait3A_141 : memref<1x632x16xf32, #tpu.memory_space<hbm>> -> memref<632x16xf32, #tpu.memory_space<hbm>>
      %dma_wait3A_143 = arith.constant 0 : i32
      %dma_wait3A_144 = tpu.memref_slice %arg14[%mul3A_2, %dma_wait3A_143] : memref<10112x16xf32, #tpu.memory_space<vmem_shared>> -> memref<632x16xf32, #tpu.memory_space<vmem_shared>>
      tpu.wait_dma2 semaphore(%run_scoped3A_134 : memref<!tpu.dma_semaphore, #tpu.memory_space<semaphore_mem>>) src(%dma_wait3A_144 : memref<632x16xf32, #tpu.memory_space<vmem_shared>>) dst(%dma_wait3A_142 : memref<632x16xf32, #tpu.memory_space<hbm>>)
      tpu.yield
    }) : () -> ()
    return
  }
}

module attributes {stable_mosaic.version = 14 : i64} {
  func.func @_tc_head_body(%arg0: i32, %arg1: memref<2000x128xf32, #tpu.memory_space<vmem>>, %arg2: memref<64x128xf32, #tpu.memory_space<vmem>>, %arg3: memref<2000x64xf32, #tpu.memory_space<vmem>>) attributes {dimension_semantics = [#tpu.dimension_semantics<arbitrary>], iteration_bounds = array<i64: 5>, scalar_prefetch = 0 : i64, scratch_operands = 0 : i64, tpu.core_type = #tpu.core_type<tc>, window_params = [{transform_indices = @transform_0, window_bounds = array<i64: 2000, 128>}, {pipeline_mode = #tpu.pipeline_mode<synchronous>, transform_indices = @transform_1, window_bounds = array<i64: 64, 128>}, {transform_indices = @transform_2, window_bounds = array<i64: 2000, 64>}]} {
    %get3A = arith.constant 0 : index
    %get3A_0 = arith.constant 0 : index
    %get3A_1 = vector.load %arg1[%get3A, %get3A_0] : memref<2000x128xf32, #tpu.memory_space<vmem>>, vector<2000x128xf32>
    %get3A_2 = arith.constant 0 : index
    %get3A_3 = arith.constant 0 : index
    %get3A_4 = vector.load %arg2[%get3A_2, %get3A_3] : memref<64x128xf32, #tpu.memory_space<vmem>>, vector<64x128xf32>
    %mul3A = arith.mulf %get3A_1, %get3A_1 : vector<2000x128xf32>
    %reduce_sum3A = arith.constant dense<0.000000e+00> : vector<2000xf32>
    %reduce_sum3A_5 = vector.multi_reduction <add>, %mul3A, %reduce_sum3A [1] : vector<2000x128xf32> to vector<2000xf32>
    %broadcast_in_dim3A = vector.shape_cast %reduce_sum3A_5 : vector<2000xf32> to vector<2000x1xf32>
    %sqrt3A = math.sqrt %broadcast_in_dim3A : vector<2000x1xf32>
    %max3A = arith.constant 9.99999997E-7 : f32
    %max3A_6 = vector.broadcast %max3A : f32 to vector<2000x1xf32>
    %max3A_7 = arith.maximumf %sqrt3A, %max3A_6 : vector<2000x1xf32>
    %div3A = vector.broadcast %max3A_7 : vector<2000x1xf32> to vector<2000x128xf32>
    %div3A_8 = arith.divf %get3A_1, %div3A : vector<2000x128xf32>
    %mul3A_9 = arith.mulf %get3A_4, %get3A_4 : vector<64x128xf32>
    %reduce_sum3A_10 = arith.constant dense<0.000000e+00> : vector<64xf32>
    %reduce_sum3A_11 = vector.multi_reduction <add>, %mul3A_9, %reduce_sum3A_10 [1] : vector<64x128xf32> to vector<64xf32>
    %broadcast_in_dim3A_12 = vector.shape_cast %reduce_sum3A_11 : vector<64xf32> to vector<64x1xf32>
    %sqrt3A_13 = math.sqrt %broadcast_in_dim3A_12 : vector<64x1xf32>
    %max3A_14 = arith.constant 9.99999997E-7 : f32
    %max3A_15 = vector.broadcast %max3A_14 : f32 to vector<64x1xf32>
    %max3A_16 = arith.maximumf %sqrt3A_13, %max3A_15 : vector<64x1xf32>
    %div3A_17 = vector.broadcast %max3A_16 : vector<64x1xf32> to vector<64x128xf32>
    %div3A_18 = arith.divf %get3A_4, %div3A_17 : vector<64x128xf32>
    %dot_general3A = arith.constant dense<0.000000e+00> : vector<2000x64xf32>
    %dot_general3A_19 = tpu.matmul %div3A_8, %div3A_18, %dot_general3A {dimension_numbers = #tpu.dot_dimension_numbers<[1], [1], [0], [0], [0, 0, 1, 0], [], []>, transpose_lhs_hint = false} : vector<2000x128xf32>, vector<64x128xf32>, vector<2000x64xf32> -> vector<2000x64xf32>
    %sub3A = arith.constant 1.000000e+00 : f32
    %sub3A_20 = vector.broadcast %sub3A : f32 to vector<2000x64xf32>
    %sub3A_21 = arith.subf %dot_general3A_19, %sub3A_20 : vector<2000x64xf32>
    %exp3A = math.exp %sub3A_21 : vector<2000x64xf32>
    %mul3A_22 = vector.broadcast %sqrt3A : vector<2000x1xf32> to vector<2000x64xf32>
    %mul3A_23 = arith.mulf %mul3A_22, %exp3A : vector<2000x64xf32>
    %swap3A = arith.constant 0 : index
    %swap3A_24 = arith.constant 0 : index
    %swap3A_25 = vector.load %arg3[%swap3A, %swap3A_24] : memref<2000x64xf32, #tpu.memory_space<vmem>>, vector<2000x64xf32>
    tpu.vector_store %arg3[%swap3A, %swap3A_24], %mul3A_23 {strides = array<i32>} : memref<2000x64xf32, #tpu.memory_space<vmem>>, vector<2000x64xf32>,
    return
  }
  func.func @transform_0(%arg0: i32) -> (i32, i32) {
    %c0_i32 = arith.constant 0 : i32
    %c0_i32_0 = arith.constant 0 : i32
    return %arg0, %c0_i32 : i32, i32
  }
  func.func @transform_1(%arg0: i32) -> (i32, i32) {
    %c0_i32 = arith.constant 0 : i32
    %c0_i32_0 = arith.constant 0 : i32
    %c0_i32_1 = arith.constant 0 : i32
    return %c0_i32, %c0_i32_0 : i32, i32
  }
  func.func @transform_2(%arg0: i32) -> (i32, i32) {
    %c0_i32 = arith.constant 0 : i32
    %c0_i32_0 = arith.constant 0 : i32
    return %arg0, %c0_i32 : i32, i32
  }
}

module attributes {stable_mosaic.version = 14 : i64} {
  func.func @_tc_mid_body(%arg0: i32, %arg1: memref<1x2000x64xf32, #tpu.memory_space<vmem>>, %arg2: memref<1x2000x64xf32, #tpu.memory_space<vmem>>, %arg3: memref<1x2000x16xf32, #tpu.memory_space<vmem>>, %arg4: memref<1x2000x16xf32, #tpu.memory_space<vmem>>, %arg5: memref<2000x64xf32, #tpu.memory_space<vmem>>, %arg6: memref<1x64xf32, #tpu.memory_space<vmem>>, %arg7: memref<64x64xf32, #tpu.memory_space<vmem>>, %arg8: memref<2000x64xf32, #tpu.memory_space<vmem>>) attributes {dimension_semantics = [#tpu.dimension_semantics<arbitrary>], iteration_bounds = array<i64: 5>, scalar_prefetch = 0 : i64, scratch_operands = 0 : i64, tpu.core_type = #tpu.core_type<tc>, window_params = [{transform_indices = @transform_0, window_bounds = array<i64: 1, 2000, 64>}, {transform_indices = @transform_1, window_bounds = array<i64: 1, 2000, 64>}, {transform_indices = @transform_2, window_bounds = array<i64: 1, 2000, 16>}, {transform_indices = @transform_3, window_bounds = array<i64: 1, 2000, 16>}, {transform_indices = @transform_4, window_bounds = array<i64: 2000, 64>}, {pipeline_mode = #tpu.pipeline_mode<synchronous>, transform_indices = @transform_5, window_bounds = array<i64: 1, 64>}, {pipeline_mode = #tpu.pipeline_mode<synchronous>, transform_indices = @transform_6, window_bounds = array<i64: 64, 64>}, {transform_indices = @transform_7, window_bounds = array<i64: 2000, 64>}]} {
    %get3A = arith.constant 0 : index
    %get3A_0 = arith.constant 0 : index
    %get3A_1 = arith.constant 0 : index
    %get3A_2 = vector.load %arg1[%get3A, %get3A_0, %get3A_1] : memref<1x2000x64xf32, #tpu.memory_space<vmem>>, vector<1x2000x64xf32>
    %get3A_3 = vector.shape_cast %get3A_2 : vector<1x2000x64xf32> to vector<2000x64xf32>
    %get3A_4 = arith.constant 0 : index
    %get3A_5 = arith.constant 0 : index
    %get3A_6 = arith.constant 0 : index
    %get3A_7 = vector.load %arg2[%get3A_4, %get3A_5, %get3A_6] : memref<1x2000x64xf32, #tpu.memory_space<vmem>>, vector<1x2000x64xf32>
    %get3A_8 = vector.shape_cast %get3A_7 : vector<1x2000x64xf32> to vector<2000x64xf32>
    %get3A_9 = arith.constant 0 : index
    %get3A_10 = arith.constant 0 : index
    %get3A_11 = arith.constant 0 : index
    %get3A_12 = vector.load %arg3[%get3A_9, %get3A_10, %get3A_11] : memref<1x2000x16xf32, #tpu.memory_space<vmem>>, vector<1x2000x16xf32>
    %get3A_13 = vector.shape_cast %get3A_12 : vector<1x2000x16xf32> to vector<2000x16xf32>
    %get3A_14 = arith.constant 0 : index
    %get3A_15 = arith.constant 0 : index
    %get3A_16 = arith.constant 0 : index
    %get3A_17 = vector.load %arg4[%get3A_14, %get3A_15, %get3A_16] : memref<1x2000x16xf32, #tpu.memory_space<vmem>>, vector<1x2000x16xf32>
    %get3A_18 = vector.shape_cast %get3A_17 : vector<1x2000x16xf32> to vector<2000x16xf32>
    %get3A_19 = arith.constant 0 : index
    %get3A_20 = arith.constant 0 : index
    %get3A_21 = vector.load %arg5[%get3A_19, %get3A_20] : memref<2000x64xf32, #tpu.memory_space<vmem>>, vector<2000x64xf32>
    %get3A_22 = arith.constant 0 : index
    %get3A_23 = arith.constant 0 : index
    %get3A_24 = vector.load %arg6[%get3A_22, %get3A_23] : memref<1x64xf32, #tpu.memory_space<vmem>>, vector<1x64xf32>
    %add3A = arith.addf %get3A_13, %get3A_18 : vector<2000x16xf32>
    %slice3A = vector.extract_strided_slice %add3A {offsets = [0, 0], sizes = [2000, 1], strides = [1, 1]} : vector<2000x16xf32> to vector<2000x1xf32>
    %add3A_25 = arith.addf %get3A_3, %get3A_8 : vector<2000x64xf32>
    %mul3A = vector.broadcast %slice3A : vector<2000x1xf32> to vector<2000x64xf32>
    %mul3A_26 = vector.broadcast %get3A_24 : vector<1x64xf32> to vector<2000x64xf32>
    %mul3A_27 = arith.mulf %mul3A, %mul3A_26 : vector<2000x64xf32>
    %sub3A = arith.subf %add3A_25, %mul3A_27 : vector<2000x64xf32>
    %max3A = arith.constant 1.000000e+00 : f32
    %max3A_28 = vector.broadcast %max3A : f32 to vector<2000x1xf32>
    %max3A_29 = arith.maximumf %slice3A, %max3A_28 : vector<2000x1xf32>
    %div3A = vector.broadcast %max3A_29 : vector<2000x1xf32> to vector<2000x64xf32>
    %div3A_30 = arith.divf %sub3A, %div3A : vector<2000x64xf32>
    %add3A_31 = arith.addf %div3A_30, %get3A_21 : vector<2000x64xf32>
    %get3A_32 = arith.constant 0 : index
    %get3A_33 = arith.constant 0 : index
    %get3A_34 = vector.load %arg7[%get3A_32, %get3A_33] : memref<64x64xf32, #tpu.memory_space<vmem>>, vector<64x64xf32>
    %mul3A_35 = arith.mulf %add3A_31, %add3A_31 : vector<2000x64xf32>
    %reduce_sum3A = arith.constant dense<0.000000e+00> : vector<2000xf32>
    %reduce_sum3A_36 = vector.multi_reduction <add>, %mul3A_35, %reduce_sum3A [1] : vector<2000x64xf32> to vector<2000xf32>
    %broadcast_in_dim3A = vector.shape_cast %reduce_sum3A_36 : vector<2000xf32> to vector<2000x1xf32>
    %sqrt3A = math.sqrt %broadcast_in_dim3A : vector<2000x1xf32>
    %max3A_37 = arith.constant 9.99999997E-7 : f32
    %max3A_38 = vector.broadcast %max3A_37 : f32 to vector<2000x1xf32>
    %max3A_39 = arith.maximumf %sqrt3A, %max3A_38 : vector<2000x1xf32>
    %div3A_40 = vector.broadcast %max3A_39 : vector<2000x1xf32> to vector<2000x64xf32>
    %div3A_41 = arith.divf %add3A_31, %div3A_40 : vector<2000x64xf32>
    %mul3A_42 = arith.mulf %get3A_34, %get3A_34 : vector<64x64xf32>
    %reduce_sum3A_43 = arith.constant dense<0.000000e+00> : vector<64xf32>
    %reduce_sum3A_44 = vector.multi_reduction <add>, %mul3A_42, %reduce_sum3A_43 [1] : vector<64x64xf32> to vector<64xf32>
    %broadcast_in_dim3A_45 = vector.shape_cast %reduce_sum3A_44 : vector<64xf32> to vector<64x1xf32>
    %sqrt3A_46 = math.sqrt %broadcast_in_dim3A_45 : vector<64x1xf32>
    %max3A_47 = arith.constant 9.99999997E-7 : f32
    %max3A_48 = vector.broadcast %max3A_47 : f32 to vector<64x1xf32>
    %max3A_49 = arith.maximumf %sqrt3A_46, %max3A_48 : vector<64x1xf32>
    %div3A_50 = vector.broadcast %max3A_49 : vector<64x1xf32> to vector<64x64xf32>
    %div3A_51 = arith.divf %get3A_34, %div3A_50 : vector<64x64xf32>
    %dot_general3A = arith.constant dense<0.000000e+00> : vector<2000x64xf32>
    %dot_general3A_52 = tpu.matmul %div3A_41, %div3A_51, %dot_general3A {dimension_numbers = #tpu.dot_dimension_numbers<[1], [1], [0], [0], [0, 0, 1, 0], [], []>, transpose_lhs_hint = false} : vector<2000x64xf32>, vector<64x64xf32>, vector<2000x64xf32> -> vector<2000x64xf32>
    %sub3A_53 = arith.constant 1.000000e+00 : f32
    %sub3A_54 = vector.broadcast %sub3A_53 : f32 to vector<2000x64xf32>
    %sub3A_55 = arith.subf %dot_general3A_52, %sub3A_54 : vector<2000x64xf32>
    %exp3A = math.exp %sub3A_55 : vector<2000x64xf32>
    %mul3A_56 = vector.broadcast %sqrt3A : vector<2000x1xf32> to vector<2000x64xf32>
    %mul3A_57 = arith.mulf %mul3A_56, %exp3A : vector<2000x64xf32>
    %swap3A = arith.constant 0 : index
    %swap3A_58 = arith.constant 0 : index
    %swap3A_59 = vector.load %arg8[%swap3A, %swap3A_58] : memref<2000x64xf32, #tpu.memory_space<vmem>>, vector<2000x64xf32>
    tpu.vector_store %arg8[%swap3A, %swap3A_58], %mul3A_57 {strides = array<i32>} : memref<2000x64xf32, #tpu.memory_space<vmem>>, vector<2000x64xf32>,
    return
  }
  func.func @transform_0(%arg0: i32) -> (i32, i32, i32) {
    %c0_i32 = arith.constant 0 : i32
    %c0_i32_0 = arith.constant 0 : i32
    %c0_i32_1 = arith.constant 0 : i32
    return %c0_i32, %arg0, %c0_i32_0 : i32, i32, i32
  }
  func.func @transform_1(%arg0: i32) -> (i32, i32, i32) {
    %c1_i32 = arith.constant 1 : i32
    %c0_i32 = arith.constant 0 : i32
    %c0_i32_0 = arith.constant 0 : i32
    return %c1_i32, %arg0, %c0_i32 : i32, i32, i32
  }
  func.func @transform_2(%arg0: i32) -> (i32, i32, i32) {
    %c0_i32 = arith.constant 0 : i32
    %c0_i32_0 = arith.constant 0 : i32
    %c0_i32_1 = arith.constant 0 : i32
    return %c0_i32, %arg0, %c0_i32_0 : i32, i32, i32
  }
  func.func @transform_3(%arg0: i32) -> (i32, i32, i32) {
    %c1_i32 = arith.constant 1 : i32
    %c0_i32 = arith.constant 0 : i32
    %c0_i32_0 = arith.constant 0 : i32
    return %c1_i32, %arg0, %c0_i32 : i32, i32, i32
  }
  func.func @transform_4(%arg0: i32) -> (i32, i32) {
    %c0_i32 = arith.constant 0 : i32
    %c0_i32_0 = arith.constant 0 : i32
    return %arg0, %c0_i32 : i32, i32
  }
  func.func @transform_5(%arg0: i32) -> (i32, i32) {
    %c0_i32 = arith.constant 0 : i32
    %c0_i32_0 = arith.constant 0 : i32
    %c0_i32_1 = arith.constant 0 : i32
    return %c0_i32, %c0_i32_0 : i32, i32
  }
  func.func @transform_6(%arg0: i32) -> (i32, i32) {
    %c0_i32 = arith.constant 0 : i32
    %c0_i32_0 = arith.constant 0 : i32
    %c0_i32_1 = arith.constant 0 : i32
    return %c0_i32, %c0_i32_0 : i32, i32
  }
  func.func @transform_7(%arg0: i32) -> (i32, i32) {
    %c0_i32 = arith.constant 0 : i32
    %c0_i32_0 = arith.constant 0 : i32
    return %arg0, %c0_i32 : i32, i32
  }
}

module attributes {stable_mosaic.version = 14 : i64} {
  func.func @_tc_pool_body(%arg0: i32, %arg1: memref<1x2000x64xf32, #tpu.memory_space<vmem>>, %arg2: memref<1x2000x64xf32, #tpu.memory_space<vmem>>, %arg3: memref<1x2000x16xf32, #tpu.memory_space<vmem>>, %arg4: memref<1x2000x16xf32, #tpu.memory_space<vmem>>, %arg5: memref<2000x64xf32, #tpu.memory_space<vmem>>, %arg6: memref<1x64xf32, #tpu.memory_space<vmem>>, %arg7: memref<2000x1xf32, #tpu.memory_space<vmem>>, %arg8: memref<64x64xf32, #tpu.memory_space<vmem>>, %arg9: memref<64x128xf32, #tpu.memory_space<vmem>>) attributes {dimension_semantics = [#tpu.dimension_semantics<arbitrary>], iteration_bounds = array<i64: 5>, scalar_prefetch = 0 : i64, scratch_operands = 1 : i64, tpu.core_type = #tpu.core_type<tc>, window_params = [{transform_indices = @transform_0, window_bounds = array<i64: 1, 2000, 64>}, {transform_indices = @transform_1, window_bounds = array<i64: 1, 2000, 64>}, {transform_indices = @transform_2, window_bounds = array<i64: 1, 2000, 16>}, {transform_indices = @transform_3, window_bounds = array<i64: 1, 2000, 16>}, {transform_indices = @transform_4, window_bounds = array<i64: 2000, 64>}, {pipeline_mode = #tpu.pipeline_mode<synchronous>, transform_indices = @transform_5, window_bounds = array<i64: 1, 64>}, {transform_indices = @transform_6, window_bounds = array<i64: 2000, 1>}, {pipeline_mode = #tpu.pipeline_mode<synchronous>, transform_indices = @transform_7, window_bounds = array<i64: 64, 64>}]} {
    %get3A = arith.constant 0 : index
    %get3A_0 = arith.constant 0 : index
    %get3A_1 = arith.constant 0 : index
    %get3A_2 = vector.load %arg1[%get3A, %get3A_0, %get3A_1] : memref<1x2000x64xf32, #tpu.memory_space<vmem>>, vector<1x2000x64xf32>
    %get3A_3 = vector.shape_cast %get3A_2 : vector<1x2000x64xf32> to vector<2000x64xf32>
    %get3A_4 = arith.constant 0 : index
    %get3A_5 = arith.constant 0 : index
    %get3A_6 = arith.constant 0 : index
    %get3A_7 = vector.load %arg2[%get3A_4, %get3A_5, %get3A_6] : memref<1x2000x64xf32, #tpu.memory_space<vmem>>, vector<1x2000x64xf32>
    %get3A_8 = vector.shape_cast %get3A_7 : vector<1x2000x64xf32> to vector<2000x64xf32>
    %get3A_9 = arith.constant 0 : index
    %get3A_10 = arith.constant 0 : index
    %get3A_11 = arith.constant 0 : index
    %get3A_12 = vector.load %arg3[%get3A_9, %get3A_10, %get3A_11] : memref<1x2000x16xf32, #tpu.memory_space<vmem>>, vector<1x2000x16xf32>
    %get3A_13 = vector.shape_cast %get3A_12 : vector<1x2000x16xf32> to vector<2000x16xf32>
    %get3A_14 = arith.constant 0 : index
    %get3A_15 = arith.constant 0 : index
    %get3A_16 = arith.constant 0 : index
    %get3A_17 = vector.load %arg4[%get3A_14, %get3A_15, %get3A_16] : memref<1x2000x16xf32, #tpu.memory_space<vmem>>, vector<1x2000x16xf32>
    %get3A_18 = vector.shape_cast %get3A_17 : vector<1x2000x16xf32> to vector<2000x16xf32>
    %get3A_19 = arith.constant 0 : index
    %get3A_20 = arith.constant 0 : index
    %get3A_21 = vector.load %arg5[%get3A_19, %get3A_20] : memref<2000x64xf32, #tpu.memory_space<vmem>>, vector<2000x64xf32>
    %get3A_22 = arith.constant 0 : index
    %get3A_23 = arith.constant 0 : index
    %get3A_24 = vector.load %arg6[%get3A_22, %get3A_23] : memref<1x64xf32, #tpu.memory_space<vmem>>, vector<1x64xf32>
    %add3A = arith.addf %get3A_13, %get3A_18 : vector<2000x16xf32>
    %slice3A = vector.extract_strided_slice %add3A {offsets = [0, 0], sizes = [2000, 1], strides = [1, 1]} : vector<2000x16xf32> to vector<2000x1xf32>
    %add3A_25 = arith.addf %get3A_3, %get3A_8 : vector<2000x64xf32>
    %mul3A = vector.broadcast %slice3A : vector<2000x1xf32> to vector<2000x64xf32>
    %mul3A_26 = vector.broadcast %get3A_24 : vector<1x64xf32> to vector<2000x64xf32>
    %mul3A_27 = arith.mulf %mul3A, %mul3A_26 : vector<2000x64xf32>
    %sub3A = arith.subf %add3A_25, %mul3A_27 : vector<2000x64xf32>
    %max3A = arith.constant 1.000000e+00 : f32
    %max3A_28 = vector.broadcast %max3A : f32 to vector<2000x1xf32>
    %max3A_29 = arith.maximumf %slice3A, %max3A_28 : vector<2000x1xf32>
    %div3A = vector.broadcast %max3A_29 : vector<2000x1xf32> to vector<2000x64xf32>
    %div3A_30 = arith.divf %sub3A, %div3A : vector<2000x64xf32>
    %add3A_31 = arith.addf %div3A_30, %get3A_21 : vector<2000x64xf32>
    %get3A_32 = arith.constant 0 : index
    %get3A_33 = arith.constant 0 : index
    %get3A_34 = vector.load %arg7[%get3A_32, %get3A_33] : memref<2000x1xf32, #tpu.memory_space<vmem>>, vector<2000x1xf32>
    %iota3A = tpu.iota {dimensions = array<i32: 1>} : vector<2000x64xi32>
    %convert_element_type3A = arith.sitofp %iota3A : vector<2000x64xi32> to vector<2000x64xf32>
    %eq3A = vector.broadcast %get3A_34 : vector<2000x1xf32> to vector<2000x64xf32>
    %eq3A_35 = arith.cmpf oeq, %eq3A, %convert_element_type3A : vector<2000x64xf32>
    %convert_element_type3A_36 = arith.extui %eq3A_35 : vector<2000x64xi1> to vector<2000x64xi32>
    %convert_element_type3A_37 = arith.sitofp %convert_element_type3A_36 : vector<2000x64xi32> to vector<2000x64xf32>
    %broadcast_in_dim3A = arith.constant 1.000000e+00 : f32
    %broadcast_in_dim3A_38 = vector.broadcast %broadcast_in_dim3A : f32 to vector<2000x64xf32>
    %concatenate3A = tpu.concatenate %add3A_31, %broadcast_in_dim3A_38 in 1 : vector<2000x64xf32>, vector<2000x64xf32> -> vector<2000x128xf32>
    %dot_general3A = arith.constant dense<0.000000e+00> : vector<64x128xf32>
    %dot_general3A_39 = tpu.matmul %convert_element_type3A_37, %concatenate3A, %dot_general3A {dimension_numbers = #tpu.dot_dimension_numbers<[0], [0], [1], [1], [0, 1, 1, 1], [], []>, transpose_lhs_hint = false} : vector<2000x64xf32>, vector<2000x128xf32>, vector<64x128xf32> -> vector<64x128xf32>
    %eq3A_40 = arith.constant 0 : i32
    %eq3A_41 = arith.cmpi eq, %arg0, %eq3A_40 : i32
    %convert_element_type3A_42 = arith.extui %eq3A_41 : i1 to i32
    %cond3A = arith.constant 0 : i32
    %cond3A_43 = arith.cmpi ne, %convert_element_type3A_42, %cond3A : i32
    scf.if %cond3A_43 {
      %swap3A = arith.constant 0 : index
      %swap3A_53 = arith.constant 0 : index
      %swap3A_54 = vector.load %arg9[%swap3A, %swap3A_53] : memref<64x128xf32, #tpu.memory_space<vmem>>, vector<64x128xf32>
      tpu.vector_store %arg9[%swap3A, %swap3A_53], %dot_general3A_39 {strides = array<i32>} : memref<64x128xf32, #tpu.memory_space<vmem>>, vector<64x128xf32>,
    } else {
    }
    %gt3A = arith.constant 0 : i32
    %gt3A_44 = arith.cmpi sgt, %arg0, %gt3A : i32
    %convert_element_type3A_45 = arith.extui %gt3A_44 : i1 to i32
    %cond3A_46 = arith.constant 0 : i32
    %cond3A_47 = arith.cmpi ne, %convert_element_type3A_45, %cond3A_46 : i32
    scf.if %cond3A_47 {
      %get3A_53 = arith.constant 0 : index
      %get3A_54 = arith.constant 0 : index
      %get3A_55 = vector.load %arg9[%get3A_53, %get3A_54] : memref<64x128xf32, #tpu.memory_space<vmem>>, vector<64x128xf32>
      %add3A_56 = arith.addf %get3A_55, %dot_general3A_39 : vector<64x128xf32>
      %swap3A = arith.constant 0 : index
      %swap3A_57 = arith.constant 0 : index
      %swap3A_58 = vector.load %arg9[%swap3A, %swap3A_57] : memref<64x128xf32, #tpu.memory_space<vmem>>, vector<64x128xf32>
      tpu.vector_store %arg9[%swap3A, %swap3A_57], %add3A_56 {strides = array<i32>} : memref<64x128xf32, #tpu.memory_space<vmem>>, vector<64x128xf32>,
    } else {
    }
    %eq3A_48 = arith.constant 4 : i32
    %eq3A_49 = arith.cmpi eq, %arg0, %eq3A_48 : i32
    %convert_element_type3A_50 = arith.extui %eq3A_49 : i1 to i32
    %cond3A_51 = arith.constant 0 : i32
    %cond3A_52 = arith.cmpi ne, %convert_element_type3A_50, %cond3A_51 : i32
    scf.if %cond3A_52 {
      %get3A_53 = arith.constant 0 : index
      %get3A_54 = arith.constant 0 : index
      %get3A_55 = vector.load %arg9[%get3A_53, %get3A_54] : memref<64x128xf32, #tpu.memory_space<vmem>>, vector<64x128xf32>
      %slice3A_56 = vector.extract_strided_slice %get3A_55 {offsets = [0, 0], sizes = [64, 64], strides = [1, 1]} : vector<64x128xf32> to vector<64x64xf32>
      %slice3A_57 = vector.extract_strided_slice %get3A_55 {offsets = [0, 64], sizes = [64, 1], strides = [1, 1]} : vector<64x128xf32> to vector<64x1xf32>
      %max3A_58 = arith.constant 1.000000e+00 : f32
      %max3A_59 = vector.broadcast %max3A_58 : f32 to vector<64x1xf32>
      %max3A_60 = arith.maximumf %slice3A_57, %max3A_59 : vector<64x1xf32>
      %div3A_61 = vector.broadcast %max3A_60 : vector<64x1xf32> to vector<64x64xf32>
      %div3A_62 = arith.divf %slice3A_56, %div3A_61 : vector<64x64xf32>
      %swap3A = arith.constant 0 : index
      %swap3A_63 = arith.constant 0 : index
      %swap3A_64 = vector.load %arg8[%swap3A, %swap3A_63] : memref<64x64xf32, #tpu.memory_space<vmem>>, vector<64x64xf32>
      tpu.vector_store %arg8[%swap3A, %swap3A_63], %div3A_62 {strides = array<i32>} : memref<64x64xf32, #tpu.memory_space<vmem>>, vector<64x64xf32>,
    } else {
    }
    return
  }
  func.func @transform_0(%arg0: i32) -> (i32, i32, i32) {
    %c0_i32 = arith.constant 0 : i32
    %c0_i32_0 = arith.constant 0 : i32
    %c0_i32_1 = arith.constant 0 : i32
    return %c0_i32, %arg0, %c0_i32_0 : i32, i32, i32
  }
  func.func @transform_1(%arg0: i32) -> (i32, i32, i32) {
    %c1_i32 = arith.constant 1 : i32
    %c0_i32 = arith.constant 0 : i32
    %c0_i32_0 = arith.constant 0 : i32
    return %c1_i32, %arg0, %c0_i32 : i32, i32, i32
  }
  func.func @transform_2(%arg0: i32) -> (i32, i32, i32) {
    %c0_i32 = arith.constant 0 : i32
    %c0_i32_0 = arith.constant 0 : i32
    %c0_i32_1 = arith.constant 0 : i32
    return %c0_i32, %arg0, %c0_i32_0 : i32, i32, i32
  }
  func.func @transform_3(%arg0: i32) -> (i32, i32, i32) {
    %c1_i32 = arith.constant 1 : i32
    %c0_i32 = arith.constant 0 : i32
    %c0_i32_0 = arith.constant 0 : i32
    return %c1_i32, %arg0, %c0_i32 : i32, i32, i32
  }
  func.func @transform_4(%arg0: i32) -> (i32, i32) {
    %c0_i32 = arith.constant 0 : i32
    %c0_i32_0 = arith.constant 0 : i32
    return %arg0, %c0_i32 : i32, i32
  }
  func.func @transform_5(%arg0: i32) -> (i32, i32) {
    %c0_i32 = arith.constant 0 : i32
    %c0_i32_0 = arith.constant 0 : i32
    %c0_i32_1 = arith.constant 0 : i32
    return %c0_i32, %c0_i32_0 : i32, i32
  }
  func.func @transform_6(%arg0: i32) -> (i32, i32) {
    %c0_i32 = arith.constant 0 : i32
    %c0_i32_0 = arith.constant 0 : i32
    return %arg0, %c0_i32 : i32, i32
  }
  func.func @transform_7(%arg0: i32) -> (i32, i32) {
    %c0_i32 = arith.constant 0 : i32
    %c0_i32_0 = arith.constant 0 : i32
    %c0_i32_1 = arith.constant 0 : i32
    return %c0_i32, %c0_i32_0 : i32, i32
  }
}

</mosaic_0001>

<sc_bundles>
// kernel: kernel.10.cloned.1.call-start
scs
__scs_entry_jumppad:
0x0: {  	(pc) =	sbr.rel $0x88, $3  }
0x1: {  	(tag) =	ssettag $0x0;
	lr =	simm.s32 $0x1  }
0x2: {  	[smem:$0x3F9A] =	sst lr;
	_ =	strace $0xD0000000  }
0x3: {  	_ = 	snop  }
0x4: {  	_ = 	snop  }
0x5: {  	_ = 	snop  }
0x6: {  	_ = 	snop  }
0x7: {  	_ = 	snop  }
__scs_overlays_trampoline_lowered:
0x8: {  	[smem:$0x3FA9] =	sst s0  }
0x9: {  	[smem:$0x3FAA] =	sst s1  }
0xa: {  	[smem:$0x3FAB] =	sst s2  }
0xb: {  	[smem:$0x3FAC] =	sst s3  }
0xc: {  	[smem:$0x3FAD] =	sst s4  }
0xd: {  	[smem:$0x3FAE] =	sst s5  }
0xe: {  	[smem:$0x3FAF] =	sst s6  }
0xf: {  	[smem:$0x3FB0] =	sst s7  }
0x10: {  	[smem:$0x3FB1] =	sst s8  }
0x11: {  	[smem:$0x3FB2] =	sst s9;
	s0 =	simm.s32 @!p0 $0x0  }
0x12: {  	s1 =	sld [smem:$0x3F98];
	s0 =	simm.s32 @p0 $0x1  }
0x13: {  	[smem:$0x3FB3] =	sst s0;
	s0 =	simm.s32 @!p1 $0x0  }
0x14: {  	s2 =	sld [smem:$0x3F97];
	s0 =	simm.s32 @p1 $0x1  }
0x15: {  	[smem:$0x3FB4] =	sst s0;
	s0 =	simm.s32 @!p2 $0x0  }
0x16: {  	s3 =	sld [smem:$0x3FDB];
	s0 =	simm.s32 @p2 $0x1  }
0x17: {  	s4 =	simm.s32 $0x1BF5;
	[smem:$0x3FB6] =	sst s0  }
0x18: {  	s0 =	sld [smem:$0x3F99];
	_ =	swait.ge [sflag:s4], $0x0  }
0x19: {  	s7 =	sld [smem:$0x3F9A]  }
0x1a: {  	s8 =	sadd.s32 $0xFFFFE003, lr  }
0x1b: {  	s9 =	sadd.s32 $0xFFFFFEF7, lr;
	s5 =	simm.s32 $0xFFFFFFFF;
	p2 =	slt.u32 s8, $0xFFFFF086  }
0x1c: {  	p1 =	slt.u32 s9, $0xF7A;
	s5 =	simm.s32 @!p2 $0x0  }
0x1d: {  	s5 =	simm.s32 @p1 $0x1;
	p0 =	seq.s32 s7, s2  }
0x1e: {  	s7 =	smul.u32 @!p0 $0xF7A, s2;
	p2 =	seq.s32 @!p0 s5, $0x0  }
0x1f: {  	s9 =	smul.u32 $0xF7A, s1;
	s8 =	simm.s32 @!p0 $0x1BF5;
	p2 =	por !p2, p0  }
0x20: {  	[sflag:s8] =	ssyncset.s32 @!p0 $0xFFFFF086;
	s6 =	sadd.s32 @!p0 s3, s7;
	s7 =	simm.s32 @!p0 $0x108  }
0x21: {  	s3 =	sadd.s32 s3, s9;
	s6 =	sadd.s32 @!p0 $0x88, s6;
	s7 =	simm.s32 @p2 $0x1082  }
0x22: {  	[simem:s7], [sflag:s8] =	dma.local @!p0 [hbm:s6], $0xF7A  }
0x23: {  	s9 =	sor.u32 $0xD0000000, s2;
	s6 =	simm.s32 $0x108;
	_ =	swait.ge @!p0 [sflag:s8], $0x0  }
0x24: {  	s3 =	sadd.s32 $0x88, s3;
	s6 =	simm.s32 @!p1 $0x1082;
	[sflag:s4] =	ssyncset.s32 $0xFFFFF086  }
0x25: {  	[simem:s6], [sflag:s4] =	dma.local [hbm:s3], $0xF7A  }
0x26: {  	[smem:$0x3F9A] =	sst s1;
	(tag) =	ssettag s2;
	_ =	strace s9  }
0x27: {  	s1 =	sld [smem:$0x3FAA]  }
0x28: {  	s2 =	sld [smem:$0x3FAB]  }
0x29: {  	s4 =	sld [smem:$0x3FAD]  }
0x2a: {  	p0 =	seq.s32 s5, $0x0;
	s5 =	sld [smem:$0x3FAE]  }
0x2b: {  	s6 =	sld [smem:$0x3FAF]  }
0x2c: {  	s7 =	sld [smem:$0x3FB0]  }
0x2d: {  	s3 =	simm.s32 $0x108;
	s8 =	sld [smem:$0x3FB1]  }
0x2e: {  	s3 =	simm.s32 @!p0 $0x1082;
	s9 =	sld [smem:$0x3FB2]  }
0x2f: {  	lr =	sadd.s32 s0, s3;
	s0 =	sld [smem:$0x3FA9]  }
0x30: {  	s3 =	sld [smem:$0x3FAC]  }
0x31: {  	[smem:$0x3FB5] =	sst s10  }
0x32: {  	s10 =	sld [smem:$0x3FB3];
	_ =	sdelay $0x3  }
0x33: {  	p0 =	seq.s32 s10, $0x1;
	s10 =	sld [smem:$0x3FB5];
	_ =	sdelay $0x3  }
0x34: {  	[smem:$0x3FB5] =	sst s10  }
0x35: {  	s10 =	sld [smem:$0x3FB4];
	_ =	sdelay $0x3  }
0x36: {  	p1 =	seq.s32 s10, $0x1;
	s10 =	sld [smem:$0x3FB5];
	_ =	sdelay $0x3  }
0x37: {  	[smem:$0x3FB5] =	sst s10  }
0x38: {  	s10 =	sld [smem:$0x3FB6]  }
0x39: {  	_ = 	snop;
	(pc) =	sbr.ind lr, $3  }
0x3a: {  	_ = 	snop  }
0x3b: {  	_ = 	snop  }
0x3c: {  	p2 =	seq.s32 s10, $0x1;
	s10 =	sld [smem:$0x3FB5]  }
0x3d: {  	_ =	shalt  }
0x3e: {  	_ =	shalt  }
0x3f: {  	_ =	shalt  }
0x40: {  	_ =	shalt  }
0x41: {  	_ =	shalt  }
0x42: {  	_ =	shalt  }
0x43: {  	_ =	shalt  }
0x44: {  	_ =	shalt  }
0x45: {  	_ =	shalt  }
0x46: {  	_ =	shalt  }
0x47: {  	_ =	shalt  }
0x48: {  	_ =	shalt  }
0x49: {  	_ =	shalt  }
0x4a: {  	_ =	shalt  }
0x4b: {  	_ =	shalt  }
0x4c: {  	_ =	shalt  }
0x4d: {  	_ =	shalt  }
0x4e: {  	_ =	shalt  }
0x4f: {  	_ =	shalt  }
0x50: {  	_ =	shalt  }
0x51: {  	_ =	shalt  }
0x52: {  	_ =	shalt  }
0x53: {  	_ =	shalt  }
0x54: {  	_ =	shalt  }
0x55: {  	_ =	shalt  }
0x56: {  	_ =	shalt  }
0x57: {  	_ =	shalt  }
0x58: {  	_ =	shalt  }
0x59: {  	_ =	shalt  }
0x5a: {  	_ =	shalt  }
0x5b: {  	_ =	shalt  }
0x5c: {  	_ =	shalt  }
0x5d: {  	_ =	shalt  }
0x5e: {  	_ =	shalt  }
0x5f: {  	_ =	shalt  }
0x60: {  	_ =	shalt  }
0x61: {  	_ =	shalt  }
0x62: {  	_ =	shalt  }
0x63: {  	_ =	shalt  }
0x64: {  	_ =	shalt  }
0x65: {  	_ =	shalt  }
0x66: {  	_ =	shalt  }
0x67: {  	_ =	shalt  }
0x68: {  	_ =	shalt  }
0x69: {  	_ =	shalt  }
0x6a: {  	_ =	shalt  }
0x6b: {  	_ =	shalt  }
0x6c: {  	_ =	shalt  }
0x6d: {  	_ =	shalt  }
0x6e: {  	_ =	shalt  }
0x6f: {  	_ =	shalt  }
0x70: {  	_ =	shalt  }
0x71: {  	_ =	shalt  }
0x72: {  	_ =	shalt  }
0x73: {  	_ =	shalt  }
0x74: {  	_ =	shalt  }
0x75: {  	_ =	shalt  }
0x76: {  	_ =	shalt  }
0x77: {  	_ =	shalt  }
0x78: {  	_ =	shalt  }
0x79: {  	_ =	shalt  }
0x7a: {  	_ =	shalt  }
0x7b: {  	_ =	shalt  }
0x7c: {  	_ =	shalt  }
0x7d: {  	_ =	shalt  }
0x7e: {  	_ =	shalt  }
0x7f: {  	_ =	shalt  }
0x80: {  	_ =	shalt  }
0x81: {  	_ =	shalt  }
0x82: {  	_ =	shalt  }
0x83: {  	_ =	shalt  }
0x84: {  	_ =	shalt  }
0x85: {  	_ =	shalt  }
0x86: {  	_ =	shalt  }
0x87: {  	_ =	shalt  }
.Lfunc_end0:
.L_simem_size_0:
called_computation.1_lowered:
.L_overlay_start_0:
0x88: {  	s2 =	sld [smem:$0x3FD9]  }
0x89: {  	s3 =	sld [smem:$0x3FFE];
	_ =	sdelay $0x1  }
0x8a: {  	s1 =	srdreg.scid  }
0x8b: {  	s0 =	sand.u32 $0x1, s1  }
0x8c: {  	s16 =	sshll.u32 s0, $0xA;
	s2 =	sadd.s32 s3, s2  }
0x8d: {  	s2 =	sadd.s32 s2, s16  }
0x8e: {  	[smem:$0x3FC1] =	sst s2  }
0x8f: {  	_ = 	snop  }
0x90: {  	(tm) =	ssettm $0x1  }
0x91: {  	s17 =	sld [smem:$0x3FFB];
	_ =	sdelay $0x3  }
0x92: {  	_ =	strace s17  }
0x93: {  	s2 =	sld [smem:$0x3FFC];
	_ =	sdelay $0x3  }
0x94: {  	_ =	strace s2  }
0x95: {  	s2 =	sld [smem:$0x3FFD];
	_ =	sdelay $0x3  }
0x96: {  	_ =	strace s2  }
0x97: {  	_ =	strace $0x8FFFFFFF  }
0x98: {  	s18 =	sld [smem:$0x3FDB];
	_ =	sdelay $0x1  }
0x99: {  	s19 =	simm.s32 $_scs_section_size  }
0x9a: {  	s4 =	simm.s32 $_size__tile_overlayer_lowered;
	s5 =	simm.s32 $_tile_overlayer_lowered  }
0x9b: {  	s22 =	simm.s32 $0x1BFF;
	s21 =	sshll.u32 s5, $0x1;
	s2 =	sadd.s32 s19, s18  }
0x9c: {  	s6 =	simm.s32 $0x0;
	s20 =	sshll.u32 s4, $0x1;
	s4 =	sadd.s32 s21, s2  }
0x9d: {  	[timem:s6], [sflag:s22] =	dma.local [hbm:s4], s20  }
0x9e: {  	_ =	swait.ge [sflag:s22], s20  }
0x9f: {  	s3 =	ssub.s32 $0x0, s20;
	[sflag:s22] =	ssyncset.done $0x0  }
0xa0: {  	[sflag:s22] =	ssyncadd.s32 s3;
	_ =	sdelay $0x1  }
0xa1: {  	s23 =	simm.s32 $0x1B8B  }
0xa2: {  	_ =	swait.ge [sflag:s23], $0x1  }
0xa3: {  	[sflag:s23] =	ssyncset.done $0x0  }
0xa4: {  	s25 =	simm.s32 $0x1B8E;
	s24 =	sld [smem:$0x3FFE];
	[sflag:s23] =	ssyncadd.s32 $0xFFFFFFFF  }
0xa5: {  	s26 =	simm.s32 $execute0_lowered;
	[smem:$0x3FD2] =	sst s25  }
0xa6: {  	s4 =	sshll.u32 s26, $0x1;
	_ =	strace $0x80000049;
	[dreg:$0x1] =	wrdreg $0xFFFFFFFF  }
0xa7: {  	s28 =	simm.s32 $_size_execute0_lowered;
	s2 =	sadd.s32 s2, s4;
	[dreg:$0x0] =	wrdreg $0x0  }
0xa8: {  	s4 =	sshll.u32 s28, $0x1;
	[dreg:$0x2] =	wrdreg s2  }
0xa9: {  	[dreg:$0x3] =	wrdreg s4  }
0xaa: {  	[dreg:$0x4] =	wrdreg $0xC0  }
0xab: {  	_ =	task [dreg:s6], $0x5FFFF  }
0xac: {  	[dreg:$0x1] =	wrdreg $0xFFFFFFFF  }
0xad: {  	[dreg:$0x0] =	wrdreg $0x60  }
0xae: {  	[dreg:$0x2] =	wrdreg s24  }
0xaf: {  	[dreg:$0x3] =	wrdreg $0xB2200  }
0xb0: {  	[dreg:$0x4] =	wrdreg $0x9  }
0xb1: {  	_ =	task.clear_ibuf [dreg:s6], $0x5FFFF;
	_ =	strace $0x90000049  }
0xb2: {  	s29 =	simm.s32 $0x9;
	_ =	strace $0x8000004B  }
0xb3: {  	_ =	swait.ge [sflag:s29], $0x1  }
0xb4: {  	[sflag:s29] =	ssyncadd.s32 $0xFFFFFFFF  }
0xb5: {  	_ =	strace $0x9000004B  }
0xb6: {  	_ =	sfence  }
0xb7: {  	s30 =	sld [smem:$0x0];
	_ =	sdelay $0x2  }
0xb8: {  	s31 =	sshll.u32 s1, $0xD;
	s1 =	sshrl.u32 s1, $0x2  }
0xb9: {  	s3 =	sand.u32 $0x4000, s31;
	s1 =	sadd.s32 s1, s30  }
0xba: {  	s0 =	sor.u32 s3, s0;
	s1 =	sshll.u32 s1, $0x11  }
0xbb: {  	s0 =	sor.u32 s1, s0  }
0xbc: {  	s0 =	sadd.s32 $0x8F2B, s0  }
0xbd: {  	[sflag:s0] =	ssyncadd.remote.s32 $0x1  }
0xbe: {  	_ =	sfence.sel $0xFFFF  }
0xbf: {  	[dreg:$0x0] =	wrdreg $0xFFFFFFFF;
	(pc) =	sbr.abs _section_cstart, $3  }
0xc0: {  	[dreg:$0x1] =	wrdreg $0xFFFFFFFF  }
0xc1: {  	_ =	task.clear_ibuf [dreg:s6], $0x2FFFF;
	_ =	strace $0x9FFFFFFF  }
0xc2: {  	(tm) =	ssettm $0x7FFFFFFF  }
0xc3: {  	_ =	shalt  }
tec
execute0_lowered:
.L_overlay_start_1:
0x0: {  	(tag) =	ssettag $0x1  }
0x1: {  	s0 =	srdreg.scid  }
0x2: {  	s10 =	stileid.u32;
	s5 =	rddreg [dreg:$0x0]  }
0x3: {  	s2 =	rddreg [dreg:$0x1];
	s3 =	simm.s32 $0x0;
	s12 =	simm.s32 $0xB  }
0x4: {  	s13 =	simm.s32 $0x2710;
	s14 =	simm.s32 $0x50;
	s15 =	simm.s32 $0x4E20  }
0x5: {  	s16 =	simm.s32 $0x6220;
	s18 =	simm.s32 $0x7620;
	s19 =	simm.s32 $0x1  }
0x6: {  	s21 =	simm.s32 $0x8A20;
	s22 =	simm.s32 $0x2;
	s29 =	simm.s32 $0x6  }
0x7: {  	s31 =	simm.s32 $0x4;
	s20 =	simm.s32 $0x5;
	s30 =	simm.s32 $0x9  }
0x8: {  	s17 =	simm.s32 $0x0;
	s0 =	sand.u32 $0x1, s0;
	s6 =	smul.u32 $0x9E00, s10  }
0x9: {  	[smem:$0x7FF] =	sst s3;
	s4 =	sadd.s32 $0x1C00, s5;
	s24 =	sshll.u32 s10, $0x6  }
0xa: {  	s1 =	sshll.u32 s0, $0x4;
	s7 =	smul.u32 $0x9E000, s0;
	_ =	strace $0x8000004A  }
0xb: {  	s0 =	ssub.s32 $0x2, s0;
	s1 =	sor.u32 s10, s1;
	s8 =	sshrl.u32 s6, $0x3  }
0xc: {  	s23 =	sshrl.u32 s0, $0x1;
	s11 =	sadd.s32 s6, s2;
	s1 =	smul.u32 $0x2710, s1  }
0xd: {  	s7 =	sadd.s32 s6, s7;
	s8 =	sadd.s32 s8, s5;
	s0 =	ssub.s32 s0, s23  }
0xe: {  	s6 =	sor.u32 $0x1C0B, s24;
	s11 =	sshrl.u32 s11, $0x3;
	s24 =	simm.s32 $0x8  }
0xf: {  	s7 =	sshrl.u32 s7, $0x3;
	s25 =	sadd.s32 $0x29000, s8;
	s10 =	smax.u32 s0, $0x1  }
.Ltmp0:
0x10: {  	s1 =	sshrl.u32 s1, $0x3;
	s9 =	sadd.s32 s7, s5;
	(pc) =	sbr.rel .LBB2_1-.Ltmp0, $4  }
0x11: {  	[dreg:$0x3] =	wrdreg s25;
	s1 =	sadd.s32 s1, s5;
	s28 =	sadd.s32 $0x8BC00, s9  }
0x12: {  	s0 =	simm.s32 $0x7;
	s26 =	sadd.s32 $0x15600, s1;
	[dreg:$0x6] =	wrdreg s28  }
0x13: {  	s25 =	simm.s32 $0x9E20;
	s1 =	sadd.s32 $0x1F240, s1;
	[dreg:$0x4] =	wrdreg s26  }
0x14: {  	[dreg:$0x5] =	wrdreg s1;
	s26 =	simm.s32 $0x3;
	s1 =	simm.s32 $0xA  }
.LBB2_4:
0x15: {  	_ =	swait.ge [sflag:s29], $0x1400  }
0x16: {  	[sflag:s29] =	ssyncset.done $0x0  }
0x17: {  	[sflag:s29] =	ssyncadd.s32 $0xFFFFEC00  }
0x18: {  	_ =	swait.ge [sflag:s0], $0x1400  }
0x19: {  	[sflag:s0] =	ssyncset.done $0x0  }
0x1a: {  	[sflag:s0] =	ssyncadd.s32 $0xFFFFEC00  }
0x1b: {  	_ =	swait.ge [sflag:s24], $0x1400  }
0x1c: {  	[sflag:s24] =	ssyncset.done $0x0  }
0x1d: {  	[sflag:s24] =	ssyncadd.s32 $0xFFFFEC00  }
0x1e: {  	_ =	swait.ge [sflag:s30], $0x1400  }
0x1f: {  	[sflag:s30] =	ssyncset.done $0x0  }
0x20: {  	[sflag:s30] =	ssyncadd.s32 $0xFFFFEC00  }
0x21: {  	_ =	swait.ge [sflag:s1], $0x1400  }
0x22: {  	[sflag:s1] =	ssyncset.done $0x0  }
0x23: {  	s17 =	sadd.s32 $0x1, s17;
	[sflag:s1] =	ssyncadd.s32 $0xFFFFEC00  }
0x24: {  	p0 =	sne.s32 s17, s10;
	[bflag:$0x0] =	sbarrier.arrive $0xFFFF  }
.Ltmp1:
0x25: {  	s5 =	rddreg [dreg:$0x6];
	(pc) =	sbr.rel @!p0 .LBB2_5-.Ltmp1, $4  }
0x26: {  	[hbm:s5], [sflag:s6] =	dma.local [spmem:s11], $0x13C0  }
0x27: {  	_ =	swait.ge [sflag:s12], $0x13C0  }
0x28: {  	[sflag:s12] =	ssyncset.done $0x0  }
0x29: {  	[sflag:s12] =	ssyncadd.s32 $0xFFFFEC40  }
.LBB2_1:
0x2a: {  	s5 =	rddreg [dreg:$0x3]  }
0x2b: {  	[spmem:s11], [sflag:s6] =	dma.local [hbm:s5], $0x13C0  }
0x2c: {  	_ =	swait.ge [sflag:s12], $0x13C0  }
0x2d: {  	[sflag:s12] =	ssyncset.done $0x0  }
0x2e: {  	s23 =	rddreg [dreg:$0x4];
	[sflag:s12] =	ssyncadd.s32 $0xFFFFEC40  }
0x2f: {  	[tilespmem:s3], [sflag:$0xB] =	stream.linear.gather [hbm4b:s23+s3], $0x2710, $0x38;
	[tilespmem:$0x15020] =	vst v63  }
0x30: {  	_ =	swait.ge [sflag:s12], $0x2710  }
0x31: {  	[sflag:s12] =	ssyncset.done $0x0  }
0x32: {  	s28 =	rddreg [dreg:$0x5];
	[sflag:s12] =	ssyncadd.s32 $0xFFFFD8F0  }
0x33: {  	[tilespmem:s13], [sflag:$0xB] =	stream.linear.gather [hbm4b:s28+s3], $0x2710, $0x38;
	[tilespmem:$0x15020] =	vst v63  }
0x34: {  	_ =	swait.ge [sflag:s12], $0x2710  }
0x35: {  	[sflag:s12] =	ssyncset.done $0x0  }
0x36: {  	[sflag:s12] =	ssyncadd.s32 $0xFFFFD8F0  }
0x37: {  	[bflag:$0x0] =	sbarrier.arrive $0xFFFF  }
0x38: {  	[tilespmem:s15], [sflag:$0x1] =	stream.indirect.gather [hbm4b:s4+s14], $0x40, s3, s14, $0xb8;
	[tilespmem:$0x15020] =	vst v63  }
0x39: {  	_ = 	snop  }
0x3a: {  	[tilespmem:s16], [sflag:$0x2] =	stream.indirect.gather [hbm4b:s4+s14], $0x40, s14, s14, $0xb8;
	[tilespmem:$0x15020] =	vst v63  }
0x3b: {  	s7 =	simm.s32 $0xA0  }
0x3c: {  	[tilespmem:s18], [sflag:$0x3] =	stream.indirect.gather [hbm4b:s4+s14], $0x40, s7, s14, $0xb8;
	[tilespmem:$0x15020] =	vst v63  }
0x3d: {  	_ =	swait.ge [sflag:s19], $0x1400  }
0x3e: {  	[sflag:s19] =	ssyncset.done $0x0  }
0x3f: {  	[sflag:s19] =	ssyncadd.s32 $0xFFFFEC00  }
0x40: {  	[spmem:s2] =	stream.indirect.scatter.add.f32 [tilespmem:s15], [sflag:$0x6], $0x40, s13, s14, $0xb8;
	[tilespmem:$0x15020] =	vst v63  }
0x41: {  	s8 =	simm.s32 $0xF0  }
0x42: {  	[tilespmem:s21], [sflag:$0x4] =	stream.indirect.gather [hbm4b:s4+s14], $0x40, s8, s14, $0xb8;
	[tilespmem:$0x15020] =	vst v63  }
0x43: {  	_ =	swait.ge [sflag:s22], $0x1400  }
0x44: {  	[sflag:s22] =	ssyncset.done $0x0  }
0x45: {  	s9 =	simm.s32 $0x2760;
	[sflag:s22] =	ssyncadd.s32 $0xFFFFEC00  }
0x46: {  	[spmem:s2] =	stream.indirect.scatter.add.f32 [tilespmem:s16], [sflag:$0x7], $0x40, s9, s14, $0xb8;
	[tilespmem:$0x15020] =	vst v63  }
0x47: {  	s23 =	simm.s32 $0x140  }
0x48: {  	[tilespmem:s25], [sflag:$0x5] =	stream.indirect.gather [hbm4b:s4+s14], $0x40, s23, s14, $0xb8;
	[tilespmem:$0x15020] =	vst v63  }
0x49: {  	_ =	swait.ge [sflag:s26], $0x1400  }
0x4a: {  	[sflag:s26] =	ssyncset.done $0x0  }
0x4b: {  	s28 =	simm.s32 $0x27B0;
	[sflag:s26] =	ssyncadd.s32 $0xFFFFEC00  }
0x4c: {  	[spmem:s2] =	stream.indirect.scatter.add.f32 [tilespmem:s18], [sflag:$0x8], $0x40, s28, s14, $0xb8;
	[tilespmem:$0x15020] =	vst v63  }
0x4d: {  	_ =	swait.ge [sflag:s29], $0x1400  }
0x4e: {  	[sflag:s29] =	ssyncset.done $0x0  }
0x4f: {  	s7 =	simm.s32 $0x190;
	[sflag:s29] =	ssyncadd.s32 $0xFFFFEC00  }
0x50: {  	[tilespmem:s15], [sflag:$0x1] =	stream.indirect.gather [hbm4b:s4+s14], $0x40, s7, s14, $0xb8;
	[tilespmem:$0x15020] =	vst v63  }
0x51: {  	_ =	swait.ge [sflag:s31], $0x1400  }
0x52: {  	[sflag:s31] =	ssyncset.done $0x0  }
0x53: {  	s8 =	simm.s32 $0x2800;
	[sflag:s31] =	ssyncadd.s32 $0xFFFFEC00  }
0x54: {  	[spmem:s2] =	stream.indirect.scatter.add.f32 [tilespmem:s21], [sflag:$0x9], $0x40, s8, s14, $0xb8;
	[tilespmem:$0x15020] =	vst v63  }
0x55: {  	_ =	swait.ge [sflag:s0], $0x1400  }
0x56: {  	[sflag:s0] =	ssyncset.done $0x0  }
0x57: {  	s9 =	simm.s32 $0x1E0;
	[sflag:s0] =	ssyncadd.s32 $0xFFFFEC00  }
0x58: {  	[tilespmem:s16], [sflag:$0x2] =	stream.indirect.gather [hbm4b:s4+s14], $0x40, s9, s14, $0xb8;
	[tilespmem:$0x15020] =	vst v63  }
0x59: {  	_ =	swait.ge [sflag:s20], $0x1400  }
0x5a: {  	[sflag:s20] =	ssyncset.done $0x0  }
0x5b: {  	s23 =	simm.s32 $0x2850;
	[sflag:s20] =	ssyncadd.s32 $0xFFFFEC00  }
0x5c: {  	[spmem:s2] =	stream.indirect.scatter.add.f32 [tilespmem:s25], [sflag:$0xA], $0x40, s23, s14, $0xb8;
	[tilespmem:$0x15020] =	vst v63  }
0x5d: {  	_ =	swait.ge [sflag:s24], $0x1400  }
0x5e: {  	[sflag:s24] =	ssyncset.done $0x0  }
0x5f: {  	s28 =	simm.s32 $0x230;
	s23 =	simm.s32 $0x0;
	[sflag:s24] =	ssyncadd.s32 $0xFFFFEC00  }
0x60: {  	[tilespmem:s18], [sflag:$0x3] =	stream.indirect.gather [hbm4b:s4+s14], $0x40, s28, s14, $0xb8;
	[tilespmem:$0x15020] =	vst v63  }
.LBB2_2:
0x61: {  	_ =	swait.ge [sflag:s19], $0x1400  }
0x62: {  	s28 =	sshra.s32 s23, $0x2;
	[sflag:s19] =	ssyncset.done $0x0  }
0x63: {  	s5 =	sadd.s32 $0x28A0, s28;
	[sflag:s19] =	ssyncadd.s32 $0xFFFFEC00  }
0x64: {  	[spmem:s2] =	stream.indirect.scatter.add.f32 [tilespmem:s15], [sflag:$0x6], $0x40, s5, s14, $0xb8;
	[tilespmem:$0x15020] =	vst v63  }
0x65: {  	_ =	swait.ge [sflag:s30], $0x1400  }
0x66: {  	[sflag:s30] =	ssyncset.done $0x0  }
0x67: {  	s8 =	sadd.s32 $0x280, s28;
	[sflag:s30] =	ssyncadd.s32 $0xFFFFEC00  }
0x68: {  	[tilespmem:s21], [sflag:$0x4] =	stream.indirect.gather [hbm4b:s4+s14], $0x40, s8, s14, $0xb8;
	[tilespmem:$0x15020] =	vst v63  }
0x69: {  	_ =	swait.ge [sflag:s22], $0x1400  }
0x6a: {  	[sflag:s22] =	ssyncset.done $0x0  }
0x6b: {  	s9 =	sadd.s32 $0x28F0, s28;
	[sflag:s22] =	ssyncadd.s32 $0xFFFFEC00  }
0x6c: {  	[spmem:s2] =	stream.indirect.scatter.add.f32 [tilespmem:s16], [sflag:$0x7], $0x40, s9, s14, $0xb8;
	[tilespmem:$0x15020] =	vst v63  }
0x6d: {  	_ =	swait.ge [sflag:s1], $0x1400  }
0x6e: {  	[sflag:s1] =	ssyncset.done $0x0  }
0x6f: {  	s7 =	sadd.s32 $0x2D0, s28;
	[sflag:s1] =	ssyncadd.s32 $0xFFFFEC00  }
0x70: {  	[tilespmem:s25], [sflag:$0x5] =	stream.indirect.gather [hbm4b:s4+s14], $0x40, s7, s14, $0xb8;
	[tilespmem:$0x15020] =	vst v63  }
0x71: {  	_ =	swait.ge [sflag:s26], $0x1400  }
0x72: {  	p0 =	seq.s32 s23, $0x8FC0;
	[sflag:s26] =	ssyncset.done $0x0  }
0x73: {  	s5 =	simm.s32 @p0 $0x4;
	s8 =	sadd.s32 $0x2940, s28;
	[sflag:s26] =	ssyncadd.s32 $0xFFFFEC00  }
0x74: {  	[spmem:s2] =	stream.indirect.scatter.add.f32 [tilespmem:s18], [sflag:$0x8], $0x40, s8, s14, $0xb8;
	[tilespmem:$0x15020] =	vst v63  }
0x75: {  	_ =	swait.ge @p0 [sflag:s5], $0x1400  }
0x76: {  	[sflag:s5] =	ssyncset.done @p0 $0x0  }
0x77: {  	[sflag:s5] =	ssyncadd.s32 @p0 $0xFFFFEC00;
	s5 =	sshra.s32 @p0 s23, $0x2  }
0x78: {  	s7 =	simm.s32 @p0 $0x50;
	s8 =	simm.s32 @p0 $0x8A20;
	s5 =	sadd.s32 @p0 $0x2990, s5  }
0x79: {  	[spmem:s2] =	stream.indirect.scatter.add.f32 @p0 [tilespmem:s8], [sflag:$0x9], $0x40, s5, s7, $0xb8;
	[tilespmem:$0x15020] =	vst v63  }
0x7a: {  	s5 =	simm.s32 @!p0 $0x6  }
0x7b: {  	_ =	swait.ge @!p0 [sflag:s5], $0x1400  }
0x7c: {  	[sflag:s5] =	ssyncset.done @!p0 $0x0  }
0x7d: {  	[sflag:s5] =	ssyncadd.s32 @!p0 $0xFFFFEC00;
	s5 =	sshra.s32 @!p0 s23, $0x2  }
0x7e: {  	s9 =	simm.s32 @!p0 $0x4E20;
	s8 =	simm.s32 @!p0 $0x50;
	s7 =	sadd.s32 @!p0 $0x320, s5  }
0x7f: {  	[tilespmem:s9], [sflag:$0x1] =	stream.indirect.gather @!p0 [hbm4b:s4+s8], $0x40, s7, s8, $0xb8;
	[tilespmem:$0x15020] =	vst v63  }
0x80: {  	s7 =	simm.s32 @!p0 $0x4  }
0x81: {  	_ =	swait.ge @!p0 [sflag:s7], $0x1400  }
0x82: {  	[sflag:s7] =	ssyncset.done @!p0 $0x0  }
0x83: {  	s9 =	simm.s32 @!p0 $0x8A20;
	[sflag:s7] =	ssyncadd.s32 @!p0 $0xFFFFEC00;
	s7 =	sadd.s32 @!p0 $0x2990, s5  }
0x84: {  	[spmem:s2] =	stream.indirect.scatter.add.f32 @!p0 [tilespmem:s9], [sflag:$0x9], $0x40, s7, s8, $0xb8;
	[tilespmem:$0x15020] =	vst v63  }
0x85: {  	s7 =	simm.s32 @!p0 $0x7  }
0x86: {  	_ =	swait.ge @!p0 [sflag:s7], $0x1400  }
0x87: {  	[sflag:s7] =	ssyncset.done @!p0 $0x0  }
0x88: {  	s5 =	sadd.s32 @!p0 $0x370, s5;
	[sflag:s7] =	ssyncadd.s32 @!p0 $0xFFFFEC00;
	s7 =	simm.s32 @!p0 $0x6220  }
0x89: {  	[tilespmem:s7], [sflag:$0x2] =	stream.indirect.gather @!p0 [hbm4b:s4+s8], $0x40, s5, s8, $0xb8;
	[tilespmem:$0x15020] =	vst v63  }
.Ltmp2:
0x8a: {  	_ = 	snop;
	(pc) =	sbr.rel @p0 .LBB2_4-.Ltmp2, $4  }
0x8b: {  	_ =	swait.ge [sflag:s20], $0x1400  }
0x8c: {  	[sflag:s20] =	ssyncset.done $0x0  }
0x8d: {  	s9 =	sadd.s32 $0x29E0, s28;
	[sflag:s20] =	ssyncadd.s32 $0xFFFFEC00  }
0x8e: {  	[spmem:s2] =	stream.indirect.scatter.add.f32 [tilespmem:s25], [sflag:$0xA], $0x40, s9, s14, $0xb8;
	[tilespmem:$0x15020] =	vst v63  }
.Ltmp3:
0x8f: {  	(pc) =	sbr.rel .LBB2_2-.Ltmp3, $4  }
0x90: {  	_ =	swait.ge [sflag:s24], $0x1400  }
0x91: {  	[sflag:s24] =	ssyncset.done $0x0  }
0x92: {  	s5 =	sadd.s32 $0x3C0, s28;
	s23 =	sadd.s32 $0x640, s23;
	[sflag:s24] =	ssyncadd.s32 $0xFFFFEC00  }
0x93: {  	[tilespmem:s18], [sflag:$0x3] =	stream.indirect.gather [hbm4b:s4+s14], $0x40, s5, s14, $0xb8;
	[tilespmem:$0x15020] =	vst v63  }
.LBB2_5:
0x94: {  	_ =	sfence.sel $0x180000  }
0x95: {  	[bflag:$0x0] =	sbarrier.arrive $0xFFFF  }
0x96: {  	_ =	strace $0x9000004A  }
0x97: {  	s0 =	stileid.u32;
	[bflag:$0x2] =	sbarrier.arrive $0xFFFF  }
0x98: {  	p0 =	sne.s32 s0, $0x0;
	s0 =	rddreg [dreg:$0x2]  }
0x99: {  	s0 =	sadd.s32 @!p0 $0x100000, s0  }
0x9a: {  	[sflag:s0] =	ssyncadd.tile.s32 @!p0 $0x1;
	_ =	shalt  }
.Lfunc_end2:
_tile_overlayer_lowered:
.L_overlay_start_2:
0x9b: {  	(tag) =	ssettag $0x2  }
0x9c: {  	s0 =	rddreg [dreg:$0x0];
	s2 =	stileid.u32  }
0x9d: {  	s1 =	rddreg [dreg:$0x1];
	p0 =	sne.s32 s2, $0x0  }
0x9e: {  	s3 =	rddreg [dreg:$0x2];
	[bflag:$0x3] =	sbarrier.arrive $0xFFFF;
	s2 =	simm.s32 @!p0 $0x1C0B  }
0x9f: {  	[timem:s3], [sflag:s2] =	dma.local @!p0 [hbm:s0], s1  }
0xa0: {  	s0 =	simm.s32 @!p0 $0xB  }
0xa1: {  	_ =	swait.ge @!p0 [sflag:s0], s1  }
0xa2: {  	s1 =	ssub.s32 @!p0 $0x0, s1;
	[sflag:s0] =	ssyncset.done @!p0 $0x0  }
0xa3: {  	[sflag:s0] =	ssyncadd.s32 @!p0 s1  }
0xa4: {  	[bflag:$0x3] =	sbarrier.arrive $0xFFFF  }
0xa5: {  	_ =	shalt  }

// kernel: kernel.7.cloned.1.call-start
scs
__scs_entry_jumppad:
0x0: {  	(pc) =	sbr.rel $0x88, $3  }
0x1: {  	(tag) =	ssettag $0x0;
	lr =	simm.s32 $0x1  }
0x2: {  	[smem:$0x3F9A] =	sst lr;
	_ =	strace $0xD0000000  }
0x3: {  	_ = 	snop  }
0x4: {  	_ = 	snop  }
0x5: {  	_ = 	snop  }
0x6: {  	_ = 	snop  }
0x7: {  	_ = 	snop  }
__scs_overlays_trampoline_lowered:
0x8: {  	[smem:$0x3FA9] =	sst s0  }
0x9: {  	[smem:$0x3FAA] =	sst s1  }
0xa: {  	[smem:$0x3FAB] =	sst s2  }
0xb: {  	[smem:$0x3FAC] =	sst s3  }
0xc: {  	[smem:$0x3FAD] =	sst s4  }
0xd: {  	[smem:$0x3FAE] =	sst s5  }
0xe: {  	[smem:$0x3FAF] =	sst s6  }
0xf: {  	[smem:$0x3FB0] =	sst s7  }
0x10: {  	[smem:$0x3FB1] =	sst s8  }
0x11: {  	[smem:$0x3FB2] =	sst s9;
	s0 =	simm.s32 @!p0 $0x0  }
0x12: {  	s1 =	sld [smem:$0x3F98];
	s0 =	simm.s32 @p0 $0x1  }
0x13: {  	[smem:$0x3FB3] =	sst s0;
	s0 =	simm.s32 @!p1 $0x0  }
0x14: {  	s2 =	sld [smem:$0x3F97];
	s0 =	simm.s32 @p1 $0x1  }
0x15: {  	[smem:$0x3FB4] =	sst s0;
	s0 =	simm.s32 @!p2 $0x0  }
0x16: {  	s3 =	sld [smem:$0x3FDB];
	s0 =	simm.s32 @p2 $0x1  }
0x17: {  	s4 =	simm.s32 $0x1BF5;
	[smem:$0x3FB6] =	sst s0  }
0x18: {  	s0 =	sld [smem:$0x3F99];
	_ =	swait.ge [sflag:s4], $0x0  }
0x19: {  	s7 =	sld [smem:$0x3F9A]  }
0x1a: {  	s8 =	sadd.s32 $0xFFFFE003, lr  }
0x1b: {  	s9 =	sadd.s32 $0xFFFFFEF7, lr;
	s5 =	simm.s32 $0xFFFFFFFF;
	p2 =	slt.u32 s8, $0xFFFFF086  }
0x1c: {  	p1 =	slt.u32 s9, $0xF7A;
	s5 =	simm.s32 @!p2 $0x0  }
0x1d: {  	s5 =	simm.s32 @p1 $0x1;
	p0 =	seq.s32 s7, s2  }
0x1e: {  	s7 =	smul.u32 @!p0 $0xF7A, s2;
	p2 =	seq.s32 @!p0 s5, $0x0  }
0x1f: {  	s9 =	smul.u32 $0xF7A, s1;
	s8 =	simm.s32 @!p0 $0x1BF5;
	p2 =	por !p2, p0  }
0x20: {  	[sflag:s8] =	ssyncset.s32 @!p0 $0xFFFFF086;
	s6 =	sadd.s32 @!p0 s3, s7;
	s7 =	simm.s32 @!p0 $0x108  }
0x21: {  	s3 =	sadd.s32 s3, s9;
	s6 =	sadd.s32 @!p0 $0x88, s6;
	s7 =	simm.s32 @p2 $0x1082  }
0x22: {  	[simem:s7], [sflag:s8] =	dma.local @!p0 [hbm:s6], $0xF7A  }
0x23: {  	s9 =	sor.u32 $0xD0000000, s2;
	s6 =	simm.s32 $0x108;
	_ =	swait.ge @!p0 [sflag:s8], $0x0  }
0x24: {  	s3 =	sadd.s32 $0x88, s3;
	s6 =	simm.s32 @!p1 $0x1082;
	[sflag:s4] =	ssyncset.s32 $0xFFFFF086  }
0x25: {  	[simem:s6], [sflag:s4] =	dma.local [hbm:s3], $0xF7A  }
0x26: {  	[smem:$0x3F9A] =	sst s1;
	(tag) =	ssettag s2;
	_ =	strace s9  }
0x27: {  	s1 =	sld [smem:$0x3FAA]  }
0x28: {  	s2 =	sld [smem:$0x3FAB]  }
0x29: {  	s4 =	sld [smem:$0x3FAD]  }
0x2a: {  	p0 =	seq.s32 s5, $0x0;
	s5 =	sld [smem:$0x3FAE]  }
0x2b: {  	s6 =	sld [smem:$0x3FAF]  }
0x2c: {  	s7 =	sld [smem:$0x3FB0]  }
0x2d: {  	s3 =	simm.s32 $0x108;
	s8 =	sld [smem:$0x3FB1]  }
0x2e: {  	s3 =	simm.s32 @!p0 $0x1082;
	s9 =	sld [smem:$0x3FB2]  }
0x2f: {  	lr =	sadd.s32 s0, s3;
	s0 =	sld [smem:$0x3FA9]  }
0x30: {  	s3 =	sld [smem:$0x3FAC]  }
0x31: {  	[smem:$0x3FB5] =	sst s10  }
0x32: {  	s10 =	sld [smem:$0x3FB3];
	_ =	sdelay $0x3  }
0x33: {  	p0 =	seq.s32 s10, $0x1;
	s10 =	sld [smem:$0x3FB5];
	_ =	sdelay $0x3  }
0x34: {  	[smem:$0x3FB5] =	sst s10  }
0x35: {  	s10 =	sld [smem:$0x3FB4];
	_ =	sdelay $0x3  }
0x36: {  	p1 =	seq.s32 s10, $0x1;
	s10 =	sld [smem:$0x3FB5];
	_ =	sdelay $0x3  }
0x37: {  	[smem:$0x3FB5] =	sst s10  }
0x38: {  	s10 =	sld [smem:$0x3FB6]  }
0x39: {  	_ = 	snop;
	(pc) =	sbr.ind lr, $3  }
0x3a: {  	_ = 	snop  }
0x3b: {  	_ = 	snop  }
0x3c: {  	p2 =	seq.s32 s10, $0x1;
	s10 =	sld [smem:$0x3FB5]  }
0x3d: {  	_ =	shalt  }
0x3e: {  	_ =	shalt  }
0x3f: {  	_ =	shalt  }
0x40: {  	_ =	shalt  }
0x41: {  	_ =	shalt  }
0x42: {  	_ =	shalt  }
0x43: {  	_ =	shalt  }
0x44: {  	_ =	shalt  }
0x45: {  	_ =	shalt  }
0x46: {  	_ =	shalt  }
0x47: {  	_ =	shalt  }
0x48: {  	_ =	shalt  }
0x49: {  	_ =	shalt  }
0x4a: {  	_ =	shalt  }
0x4b: {  	_ =	shalt  }
0x4c: {  	_ =	shalt  }
0x4d: {  	_ =	shalt  }
0x4e: {  	_ =	shalt  }
0x4f: {  	_ =	shalt  }
0x50: {  	_ =	shalt  }
0x51: {  	_ =	shalt  }
0x52: {  	_ =	shalt  }
0x53: {  	_ =	shalt  }
0x54: {  	_ =	shalt  }
0x55: {  	_ =	shalt  }
0x56: {  	_ =	shalt  }
0x57: {  	_ =	shalt  }
0x58: {  	_ =	shalt  }
0x59: {  	_ =	shalt  }
0x5a: {  	_ =	shalt  }
0x5b: {  	_ =	shalt  }
0x5c: {  	_ =	shalt  }
0x5d: {  	_ =	shalt  }
0x5e: {  	_ =	shalt  }
0x5f: {  	_ =	shalt  }
0x60: {  	_ =	shalt  }
0x61: {  	_ =	shalt  }
0x62: {  	_ =	shalt  }
0x63: {  	_ =	shalt  }
0x64: {  	_ =	shalt  }
0x65: {  	_ =	shalt  }
0x66: {  	_ =	shalt  }
0x67: {  	_ =	shalt  }
0x68: {  	_ =	shalt  }
0x69: {  	_ =	shalt  }
0x6a: {  	_ =	shalt  }
0x6b: {  	_ =	shalt  }
0x6c: {  	_ =	shalt  }
0x6d: {  	_ =	shalt  }
0x6e: {  	_ =	shalt  }
0x6f: {  	_ =	shalt  }
0x70: {  	_ =	shalt  }
0x71: {  	_ =	shalt  }
0x72: {  	_ =	shalt  }
0x73: {  	_ =	shalt  }
0x74: {  	_ =	shalt  }
0x75: {  	_ =	shalt  }
0x76: {  	_ =	shalt  }
0x77: {  	_ =	shalt  }
0x78: {  	_ =	shalt  }
0x79: {  	_ =	shalt  }
0x7a: {  	_ =	shalt  }
0x7b: {  	_ =	shalt  }
0x7c: {  	_ =	shalt  }
0x7d: {  	_ =	shalt  }
0x7e: {  	_ =	shalt  }
0x7f: {  	_ =	shalt  }
0x80: {  	_ =	shalt  }
0x81: {  	_ =	shalt  }
0x82: {  	_ =	shalt  }
0x83: {  	_ =	shalt  }
0x84: {  	_ =	shalt  }
0x85: {  	_ =	shalt  }
0x86: {  	_ =	shalt  }
0x87: {  	_ =	shalt  }
.Lfunc_end0:
.L_simem_size_0:
called_computation_lowered:
.L_overlay_start_0:
0x88: {  	s2 =	sld [smem:$0x3FD9]  }
0x89: {  	s3 =	sld [smem:$0x3FFE];
	_ =	sdelay $0x1  }
0x8a: {  	s1 =	srdreg.scid  }
0x8b: {  	s0 =	sand.u32 $0x1, s1  }
0x8c: {  	s14 =	sshll.u32 s0, $0xA;
	s2 =	sadd.s32 s3, s2  }
0x8d: {  	s2 =	sadd.s32 s2, s14  }
0x8e: {  	[smem:$0x3FC1] =	sst s2  }
0x8f: {  	_ = 	snop  }
0x90: {  	s2 =	sld [smem:$0x3FD0];
	_ =	sdelay $0x2  }
0x91: {  	s15 =	simm.s32 $0xA;
	s4 =	simm.s32 $0x10  }
0x92: {  	[smem:s4], [sflag:s15] =	dma.local [hbm:s2], $0x1  }
0x93: {  	_ =	swait.eq [sflag:s15], $0x1  }
0x94: {  	[sflag:s15] =	ssyncset.done $0x0  }
0x95: {  	[sflag:s15] =	ssyncadd.s32 $0xFFFFFFFF  }
0x96: {  	s16 =	sld [smem:$0x10];
	(tm) =	ssettm $0x1  }
0x97: {  	s17 =	sld [smem:$0x3FFB];
	_ =	sdelay $0x3  }
0x98: {  	_ =	strace s17  }
0x99: {  	s3 =	sld [smem:$0x3FFC];
	_ =	sdelay $0x3  }
0x9a: {  	_ =	strace s3  }
0x9b: {  	s3 =	sld [smem:$0x3FFD];
	_ =	sdelay $0x3  }
0x9c: {  	_ =	strace s3  }
0x9d: {  	_ =	strace $0x8FFFFFFF  }
0x9e: {  	s18 =	sld [smem:$0x3FDB];
	_ =	sdelay $0x1  }
0x9f: {  	s19 =	simm.s32 $_scs_section_size  }
0xa0: {  	s5 =	simm.s32 $_size__tile_overlayer_lowered;
	s6 =	simm.s32 $_tile_overlayer_lowered  }
0xa1: {  	s22 =	simm.s32 $0x1BFF;
	s21 =	sshll.u32 s6, $0x1;
	s3 =	sadd.s32 s19, s18  }
0xa2: {  	s7 =	simm.s32 $0x0;
	s20 =	sshll.u32 s5, $0x1;
	s5 =	sadd.s32 s21, s3  }
0xa3: {  	[timem:s7], [sflag:s22] =	dma.local [hbm:s5], s20  }
0xa4: {  	_ =	swait.ge [sflag:s22], s20  }
0xa5: {  	s4 =	ssub.s32 $0x0, s20;
	[sflag:s22] =	ssyncset.done $0x0  }
0xa6: {  	[sflag:s22] =	ssyncadd.s32 s4;
	_ =	sdelay $0x1  }
0xa7: {  	s23 =	simm.s32 $0x1B8B  }
0xa8: {  	_ =	swait.ge [sflag:s23], $0x1  }
0xa9: {  	[sflag:s23] =	ssyncset.done $0x0  }
0xaa: {  	s25 =	simm.s32 $0x1B8E;
	s24 =	sld [smem:$0x3FFE];
	[sflag:s23] =	ssyncadd.s32 $0xFFFFFFFF  }
0xab: {  	s26 =	simm.s32 $execute0_lowered;
	[smem:$0x3FD2] =	sst s25  }
0xac: {  	s5 =	sshll.u32 s26, $0x1;
	_ =	strace $0x80000046;
	[dreg:$0x1] =	wrdreg $0xFFFFFFFF  }
0xad: {  	s28 =	simm.s32 $_size_execute0_lowered;
	s3 =	sadd.s32 s3, s5;
	[dreg:$0x0] =	wrdreg $0x0  }
0xae: {  	s5 =	sshll.u32 s28, $0x1;
	[dreg:$0x2] =	wrdreg s3  }
0xaf: {  	[dreg:$0x3] =	wrdreg s5  }
0xb0: {  	[dreg:$0x4] =	wrdreg $0xC0  }
0xb1: {  	_ =	task [dreg:s7], $0x5FFFF  }
0xb2: {  	[dreg:$0x1] =	wrdreg $0xFFFFFFFF  }
0xb3: {  	[dreg:$0x0] =	wrdreg $0x60  }
0xb4: {  	[dreg:$0x2] =	wrdreg s24  }
0xb5: {  	[dreg:$0x3] =	wrdreg s16  }
0xb6: {  	[dreg:$0x4] =	wrdreg $0xB7200  }
0xb7: {  	[dreg:$0x5] =	wrdreg $0x155200  }
0xb8: {  	[dreg:$0x6] =	wrdreg $0x9  }
0xb9: {  	_ =	task.clear_ibuf [dreg:s7], $0x7FFFF;
	_ =	strace $0x90000046  }
0xba: {  	s29 =	simm.s32 $0x9;
	_ =	strace $0x80000048  }
0xbb: {  	_ =	swait.ge [sflag:s29], $0x1  }
0xbc: {  	[sflag:s29] =	ssyncadd.s32 $0xFFFFFFFF  }
0xbd: {  	_ =	strace $0x90000048  }
0xbe: {  	_ =	sfence  }
0xbf: {  	s30 =	sld [smem:$0x0];
	_ =	sdelay $0x2  }
0xc0: {  	s31 =	sshll.u32 s1, $0xD;
	s1 =	sshrl.u32 s1, $0x2  }
0xc1: {  	s3 =	sand.u32 $0x4000, s31;
	s1 =	sadd.s32 s1, s30  }
0xc2: {  	s0 =	sor.u32 s3, s0;
	s1 =	sshll.u32 s1, $0x11  }
0xc3: {  	s0 =	sor.u32 s1, s0  }
0xc4: {  	s0 =	sadd.s32 $0x8F2B, s0  }
0xc5: {  	[sflag:s0] =	ssyncadd.remote.s32 $0x1  }
0xc6: {  	_ =	sfence.sel $0xFFFF  }
0xc7: {  	[dreg:$0x0] =	wrdreg $0xFFFFFFFF;
	(pc) =	sbr.abs _section_cstart, $3  }
0xc8: {  	[dreg:$0x1] =	wrdreg $0xFFFFFFFF  }
0xc9: {  	_ =	task.clear_ibuf [dreg:s7], $0x2FFFF;
	_ =	strace $0x9FFFFFFF  }
0xca: {  	(tm) =	ssettm $0x7FFFFFFF  }
0xcb: {  	_ =	shalt  }
tec
execute0_lowered:
.L_overlay_start_1:
0x0: {  	(tag) =	ssettag $0x1  }
0x1: {  	s1 =	rddreg [dreg:$0x0]  }
0x2: {  	s0 =	srdreg.scid;
	s3 =	rddreg [dreg:$0x2]  }
0x3: {  	s5 =	stileid.u32;
	s4 =	rddreg [dreg:$0x3]  }
0x4: {  	s6 =	simm.s32 $0x0;
	s16 =	simm.s32 $0xC;
	s18 =	simm.s32 $0xB220  }
0x5: {  	s20 =	simm.s32 $0x50;
	s21 =	simm.s32 $0x4E20;
	s28 =	simm.s32 $0x8A20  }
0x6: {  	s29 =	simm.s32 $0x2;
	s14 =	simm.s32 $0xB;
	s30 =	simm.s32 $0x0  }
0x7: {  	s0 =	sand.u32 $0x1, s0;
	s7 =	smul.u32 $0x9E00, s5;
	[smem:$0x7FF] =	sst s6  }
0x8: {  	s9 =	smul.u32 $0x2780, s5;
	s6 =	sadd.s32 $0x1C00, s1;
	s23 =	sshll.u32 s5, $0x6  }
0x9: {  	s2 =	sshll.u32 s0, $0x4;
	_ =	strace $0x80000047;
	s8 =	smul.u32 $0x9E000, s0  }
0xa: {  	s11 =	smul.u32 $0x27800, s0;
	s0 =	ssub.s32 $0x2, s0;
	s2 =	sor.u32 s5, s2  }
0xb: {  	s10 =	sshrl.u32 s7, $0x3;
	s12 =	sshrl.u32 s9, $0x3;
	s22 =	sshrl.u32 s0, $0x1  }
0xc: {  	s2 =	smul.u32 $0x2710, s2;
	s10 =	sadd.s32 s10, s1;
	s12 =	sadd.s32 s12, s1  }
0xd: {  	s8 =	sadd.s32 s7, s8;
	s11 =	sadd.s32 s9, s11;
	s0 =	ssub.s32 s0, s22  }
0xe: {  	s7 =	sadd.s32 s7, s3;
	s9 =	sadd.s32 s9, s4;
	s22 =	simm.s32 $0x6220  }
0xf: {  	s8 =	sshrl.u32 s8, $0x3;
	s11 =	sshrl.u32 s11, $0x3;
	s24 =	sadd.s32 $0x29000, s10  }
0x10: {  	s25 =	sadd.s32 $0x3CC00, s12;
	s0 =	smax.u32 s0, $0x1;
	s15 =	sshrl.u32 s7, $0x3  }
0x11: {  	s17 =	sshrl.u32 s9, $0x3;
	s7 =	simm.s32 $0x7;
	s9 =	simm.s32 $0x5  }
0x12: {  	s12 =	simm.s32 $0x9;
	s2 =	sshrl.u32 s2, $0x3;
	[dreg:$0x5] =	wrdreg s24  }
0x13: {  	s13 =	sadd.s32 s8, s1;
	s8 =	sor.u32 $0x1C0C, s23;
	[dreg:$0x6] =	wrdreg s25  }
0x14: {  	[dreg:$0xb] =	wrdreg s0;
	s24 =	simm.s32 $0x7620;
	s25 =	simm.s32 $0x1  }
0x15: {  	s0 =	simm.s32 $0x3;
	s2 =	sadd.s32 s2, s1;
	s31 =	sadd.s32 $0x41C00, s13  }
0x16: {  	s23 =	simm.s32 $0x6;
	s26 =	sadd.s32 $0x15600, s2;
	[dreg:$0x9] =	wrdreg s31  }
0x17: {  	s1 =	sadd.s32 s11, s1;
	s2 =	sadd.s32 $0x1F240, s2;
	[dreg:$0x7] =	wrdreg s26  }
0x18: {  	s11 =	simm.s32 $0x8;
	s1 =	sadd.s32 $0x69400, s1;
	[dreg:$0x8] =	wrdreg s2  }
0x19: {  	s13 =	simm.s32 $0xA;
	[dreg:$0xa] =	wrdreg s1;
	s2 =	simm.s32 $0x9E20  }
.LBB2_1:
0x1a: {  	s1 =	rddreg [dreg:$0x5]  }
0x1b: {  	[spmem:s15], [sflag:s8] =	dma.local [hbm:s1], $0x13C0  }
0x1c: {  	_ =	swait.ge [sflag:s16], $0x13C0  }
0x1d: {  	[sflag:s16] =	ssyncset.done $0x0  }
0x1e: {  	s5 =	rddreg [dreg:$0x6];
	[sflag:s16] =	ssyncadd.s32 $0xFFFFEC40  }
0x1f: {  	[spmem:s17], [sflag:s8] =	dma.local [hbm:s5], $0x4F0  }
0x20: {  	_ =	swait.ge [sflag:s16], $0x4F0  }
0x21: {  	[sflag:s16] =	ssyncset.done $0x0  }
0x22: {  	[sflag:s16] =	ssyncadd.s32 $0xFFFFFB10  }
0x23: {  	s5 =	simm.s32 $0x0;
	s10 =	rddreg [dreg:$0x1]  }
0x24: {  	[tilespmem:s18], [sflag:$0xC] =	stream.linear.gather [hbm4b:s10+s5], $0x500, $0x38;
	[tilespmem:$0x17CA0] =	vst v63  }
0x25: {  	_ =	swait.ge [sflag:s16], $0x500  }
0x26: {  	[sflag:s16] =	ssyncset.done $0x0  }
0x27: {  	s19 =	rddreg [dreg:$0x7];
	[sflag:s16] =	ssyncadd.s32 $0xFFFFFB00  }
0x28: {  	[tilespmem:s5], [sflag:$0xC] =	stream.linear.gather [hbm4b:s19+s5], $0x2710, $0x38;
	[tilespmem:$0x17CA0] =	vst v63  }
0x29: {  	_ =	swait.ge [sflag:s16], $0x2710  }
0x2a: {  	[sflag:s16] =	ssyncset.done $0x0  }
0x2b: {  	s10 =	simm.s32 $0x2710;
	s26 =	rddreg [dreg:$0x8];
	[sflag:s16] =	ssyncadd.s32 $0xFFFFD8F0  }
0x2c: {  	[tilespmem:s10], [sflag:$0xC] =	stream.linear.gather [hbm4b:s26+s5], $0x2710, $0x38;
	[tilespmem:$0x17CA0] =	vst v63  }
0x2d: {  	_ =	swait.ge [sflag:s16], $0x2710  }
0x2e: {  	[sflag:s16] =	ssyncset.done $0x0  }
0x2f: {  	[sflag:s16] =	ssyncadd.s32 $0xFFFFD8F0  }
0x30: {  	[bflag:$0x0] =	sbarrier.arrive $0xFFFF  }
0x31: {  	[tilespmem:s21], [sflag:$0x1] =	stream.indirect.gather [hbm4b:s6+s20], $0x40, s5, s20, $0xb8;
	[tilespmem:$0x17CA0] =	vst v63  }
0x32: {  	_ = 	snop  }
0x33: {  	[tilespmem:s22], [sflag:$0x2] =	stream.indirect.gather [hbm4b:s6+s20], $0x40, s20, s20, $0xb8;
	[tilespmem:$0x17CA0] =	vst v63  }
0x34: {  	s31 =	simm.s32 $0xA0  }
0x35: {  	[tilespmem:s24], [sflag:$0x3] =	stream.indirect.gather [hbm4b:s6+s20], $0x40, s31, s20, $0xb8;
	[tilespmem:$0x17CA0] =	vst v63  }
0x36: {  	_ =	swait.ge [sflag:s25], $0x1400  }
0x37: {  	[sflag:s25] =	ssyncset.done $0x0  }
0x38: {  	[sflag:s25] =	ssyncadd.s32 $0xFFFFEC00  }
0x39: {  	[spmem:s3] =	stream.indirect.scatter.add.f32 [tilespmem:s21], [sflag:$0x6], $0x40, s10, s20, $0xb8;
	[tilespmem:$0x17CA0] =	vst v63  }
0x3a: {  	_ = 	snop  }
0x3b: {  	[spmem:s4] =	stream.indirect.scatter.add.f32 [tilespmem:s18], [sflag:$0xB], $0x10, s10, s20, $0xb8;
	[tilespmem:$0x17CA0] =	vst v63  }
0x3c: {  	s5 =	simm.s32 $0xF0  }
0x3d: {  	[tilespmem:s28], [sflag:$0x4] =	stream.indirect.gather [hbm4b:s6+s20], $0x40, s5, s20, $0xb8;
	[tilespmem:$0x17CA0] =	vst v63  }
0x3e: {  	_ =	swait.ge [sflag:s29], $0x1400  }
0x3f: {  	[sflag:s29] =	ssyncset.done $0x0  }
0x40: {  	s10 =	simm.s32 $0x2760;
	[sflag:s29] =	ssyncadd.s32 $0xFFFFEC00  }
0x41: {  	[spmem:s3] =	stream.indirect.scatter.add.f32 [tilespmem:s22], [sflag:$0x7], $0x40, s10, s20, $0xb8;
	[tilespmem:$0x17CA0] =	vst v63  }
0x42: {  	_ = 	snop  }
0x43: {  	[spmem:s4] =	stream.indirect.scatter.add.f32 [tilespmem:s18], [sflag:$0xB], $0x10, s10, s20, $0xb8;
	[tilespmem:$0x17CA0] =	vst v63  }
0x44: {  	s19 =	simm.s32 $0x140  }
0x45: {  	[tilespmem:s2], [sflag:$0x5] =	stream.indirect.gather [hbm4b:s6+s20], $0x40, s19, s20, $0xb8;
	[tilespmem:$0x17CA0] =	vst v63  }
0x46: {  	_ =	swait.ge [sflag:s0], $0x1400  }
0x47: {  	[sflag:s0] =	ssyncset.done $0x0  }
0x48: {  	s26 =	simm.s32 $0x27B0;
	[sflag:s0] =	ssyncadd.s32 $0xFFFFEC00  }
0x49: {  	[spmem:s3] =	stream.indirect.scatter.add.f32 [tilespmem:s24], [sflag:$0x8], $0x40, s26, s20, $0xb8;
	[tilespmem:$0x17CA0] =	vst v63  }
0x4a: {  	_ = 	snop  }
0x4b: {  	[spmem:s4] =	stream.indirect.scatter.add.f32 [tilespmem:s18], [sflag:$0xB], $0x10, s26, s20, $0xb8;
	[tilespmem:$0x17CA0] =	vst v63  }
0x4c: {  	_ =	swait.ge [sflag:s23], $0x1400  }
0x4d: {  	[sflag:s23] =	ssyncset.done $0x0  }
0x4e: {  	s31 =	simm.s32 $0x190;
	s5 =	simm.s32 $0x4;
	[sflag:s23] =	ssyncadd.s32 $0xFFFFEC00  }
0x4f: {  	[tilespmem:s21], [sflag:$0x1] =	stream.indirect.gather [hbm4b:s6+s20], $0x40, s31, s20, $0xb8;
	[tilespmem:$0x17CA0] =	vst v63  }
0x50: {  	_ =	swait.ge [sflag:s5], $0x1400  }
0x51: {  	[sflag:s5] =	ssyncset.done $0x0  }
0x52: {  	s10 =	simm.s32 $0x2800;
	[sflag:s5] =	ssyncadd.s32 $0xFFFFEC00  }
0x53: {  	[spmem:s3] =	stream.indirect.scatter.add.f32 [tilespmem:s28], [sflag:$0x9], $0x40, s10, s20, $0xb8;
	[tilespmem:$0x17CA0] =	vst v63  }
0x54: {  	_ = 	snop  }
0x55: {  	[spmem:s4] =	stream.indirect.scatter.add.f32 [tilespmem:s18], [sflag:$0xB], $0x10, s10, s20, $0xb8;
	[tilespmem:$0x17CA0] =	vst v63  }
0x56: {  	_ =	swait.ge [sflag:s7], $0x1400  }
0x57: {  	[sflag:s7] =	ssyncset.done $0x0  }
0x58: {  	s19 =	simm.s32 $0x1E0;
	[sflag:s7] =	ssyncadd.s32 $0xFFFFEC00  }
0x59: {  	[tilespmem:s22], [sflag:$0x2] =	stream.indirect.gather [hbm4b:s6+s20], $0x40, s19, s20, $0xb8;
	[tilespmem:$0x17CA0] =	vst v63  }
0x5a: {  	_ =	swait.ge [sflag:s9], $0x1400  }
0x5b: {  	[sflag:s9] =	ssyncset.done $0x0  }
0x5c: {  	s26 =	simm.s32 $0x2850;
	[sflag:s9] =	ssyncadd.s32 $0xFFFFEC00  }
0x5d: {  	[spmem:s3] =	stream.indirect.scatter.add.f32 [tilespmem:s2], [sflag:$0xA], $0x40, s26, s20, $0xb8;
	[tilespmem:$0x17CA0] =	vst v63  }
0x5e: {  	_ = 	snop  }
0x5f: {  	[spmem:s4] =	stream.indirect.scatter.add.f32 [tilespmem:s18], [sflag:$0xB], $0x10, s26, s20, $0xb8;
	[tilespmem:$0x17CA0] =	vst v63  }
0x60: {  	_ =	swait.ge [sflag:s11], $0x1400  }
0x61: {  	[sflag:s11] =	ssyncset.done $0x0  }
0x62: {  	s1 =	simm.s32 $0x0;
	s31 =	simm.s32 $0x230;
	[sflag:s11] =	ssyncadd.s32 $0xFFFFEC00  }
0x63: {  	[tilespmem:s24], [sflag:$0x3] =	stream.indirect.gather [hbm4b:s6+s20], $0x40, s31, s20, $0xb8;
	[tilespmem:$0x17CA0] =	vst v63  }
.LBB2_2:
0x64: {  	_ =	swait.ge [sflag:s25], $0x1400  }
0x65: {  	s26 =	sshra.s32 s1, $0x2;
	[sflag:s25] =	ssyncset.done $0x0  }
0x66: {  	s10 =	sadd.s32 $0x28A0, s26;
	[sflag:s25] =	ssyncadd.s32 $0xFFFFEC00  }
0x67: {  	[spmem:s3] =	stream.indirect.scatter.add.f32 [tilespmem:s21], [sflag:$0x6], $0x40, s10, s20, $0xb8;
	[tilespmem:$0x17CA0] =	vst v63  }
0x68: {  	_ = 	snop  }
0x69: {  	[spmem:s4] =	stream.indirect.scatter.add.f32 [tilespmem:s18], [sflag:$0xB], $0x10, s10, s20, $0xb8;
	[tilespmem:$0x17CA0] =	vst v63  }
0x6a: {  	_ =	swait.ge [sflag:s12], $0x1400  }
0x6b: {  	[sflag:s12] =	ssyncset.done $0x0  }
0x6c: {  	s19 =	sadd.s32 $0x280, s26;
	[sflag:s12] =	ssyncadd.s32 $0xFFFFEC00  }
0x6d: {  	[tilespmem:s28], [sflag:$0x4] =	stream.indirect.gather [hbm4b:s6+s20], $0x40, s19, s20, $0xb8;
	[tilespmem:$0x17CA0] =	vst v63  }
0x6e: {  	_ =	swait.ge [sflag:s29], $0x1400  }
0x6f: {  	[sflag:s29] =	ssyncset.done $0x0  }
0x70: {  	s31 =	sadd.s32 $0x28F0, s26;
	[sflag:s29] =	ssyncadd.s32 $0xFFFFEC00  }
0x71: {  	[spmem:s3] =	stream.indirect.scatter.add.f32 [tilespmem:s22], [sflag:$0x7], $0x40, s31, s20, $0xb8;
	[tilespmem:$0x17CA0] =	vst v63  }
0x72: {  	_ = 	snop  }
0x73: {  	[spmem:s4] =	stream.indirect.scatter.add.f32 [tilespmem:s18], [sflag:$0xB], $0x10, s31, s20, $0xb8;
	[tilespmem:$0x17CA0] =	vst v63  }
0x74: {  	_ =	swait.ge [sflag:s13], $0x1400  }
0x75: {  	[sflag:s13] =	ssyncset.done $0x0  }
0x76: {  	s5 =	sadd.s32 $0x2D0, s26;
	[sflag:s13] =	ssyncadd.s32 $0xFFFFEC00  }
0x77: {  	[tilespmem:s2], [sflag:$0x5] =	stream.indirect.gather [hbm4b:s6+s20], $0x40, s5, s20, $0xb8;
	[tilespmem:$0x17CA0] =	vst v63  }
0x78: {  	_ =	swait.ge [sflag:s0], $0x1400  }
0x79: {  	[sflag:s0] =	ssyncset.done $0x0  }
0x7a: {  	p0 =	seq.s32 s1, $0x8FC0;
	s19 =	sadd.s32 $0x2940, s26;
	[sflag:s0] =	ssyncadd.s32 $0xFFFFEC00  }
0x7b: {  	[spmem:s3] =	stream.indirect.scatter.add.f32 [tilespmem:s24], [sflag:$0x8], $0x40, s19, s20, $0xb8;
	[tilespmem:$0x17CA0] =	vst v63  }
0x7c: {  	s10 =	simm.s32 @p0 $0x4  }
0x7d: {  	[spmem:s4] =	stream.indirect.scatter.add.f32 [tilespmem:s18], [sflag:$0xB], $0x10, s19, s20, $0xb8;
	[tilespmem:$0x17CA0] =	vst v63  }
0x7e: {  	_ =	swait.ge @p0 [sflag:s10], $0x1400  }
0x7f: {  	[sflag:s10] =	ssyncset.done @p0 $0x0  }
0x80: {  	[sflag:s10] =	ssyncadd.s32 @p0 $0xFFFFEC00;
	s10 =	sshra.s32 @p0 s1, $0x2  }
0x81: {  	s31 =	simm.s32 @p0 $0x8A20;
	s19 =	simm.s32 @p0 $0x50;
	s10 =	sadd.s32 @p0 $0x2990, s10  }
0x82: {  	[spmem:s3] =	stream.indirect.scatter.add.f32 @p0 [tilespmem:s31], [sflag:$0x9], $0x40, s10, s19, $0xb8;
	[tilespmem:$0x17CA0] =	vst v63  }
0x83: {  	s31 =	simm.s32 @p0 $0xB220  }
0x84: {  	[spmem:s4] =	stream.indirect.scatter.add.f32 @p0 [tilespmem:s31], [sflag:$0xB], $0x10, s10, s19, $0xb8;
	[tilespmem:$0x17CA0] =	vst v63  }
0x85: {  	s10 =	simm.s32 @!p0 $0x6  }
0x86: {  	_ =	swait.ge @!p0 [sflag:s10], $0x1400  }
0x87: {  	[sflag:s10] =	ssyncset.done @!p0 $0x0  }
0x88: {  	[sflag:s10] =	ssyncadd.s32 @!p0 $0xFFFFEC00;
	s10 =	sshra.s32 @!p0 s1, $0x2  }
0x89: {  	s5 =	simm.s32 @!p0 $0x4E20;
	s31 =	simm.s32 @!p0 $0x50;
	s19 =	sadd.s32 @!p0 $0x320, s10  }
0x8a: {  	[tilespmem:s5], [sflag:$0x1] =	stream.indirect.gather @!p0 [hbm4b:s6+s31], $0x40, s19, s31, $0xb8;
	[tilespmem:$0x17CA0] =	vst v63  }
0x8b: {  	s5 =	simm.s32 @!p0 $0x4  }
0x8c: {  	_ =	swait.ge @!p0 [sflag:s5], $0x1400  }
0x8d: {  	[sflag:s5] =	ssyncset.done @!p0 $0x0  }
0x8e: {  	s19 =	simm.s32 @!p0 $0x8A20;
	[sflag:s5] =	ssyncadd.s32 @!p0 $0xFFFFEC00;
	s5 =	sadd.s32 @!p0 $0x2990, s10  }
0x8f: {  	[spmem:s3] =	stream.indirect.scatter.add.f32 @!p0 [tilespmem:s19], [sflag:$0x9], $0x40, s5, s31, $0xb8;
	[tilespmem:$0x17CA0] =	vst v63  }
0x90: {  	s19 =	simm.s32 @!p0 $0xB220  }
0x91: {  	[spmem:s4] =	stream.indirect.scatter.add.f32 @!p0 [tilespmem:s19], [sflag:$0xB], $0x10, s5, s31, $0xb8;
	[tilespmem:$0x17CA0] =	vst v63  }
0x92: {  	s5 =	simm.s32 @!p0 $0x7  }
0x93: {  	_ =	swait.ge @!p0 [sflag:s5], $0x1400  }
0x94: {  	[sflag:s5] =	ssyncset.done @!p0 $0x0  }
0x95: {  	[sflag:s5] =	ssyncadd.s32 @!p0 $0xFFFFEC00;
	s5 =	sadd.s32 @!p0 $0x370, s10;
	s10 =	simm.s32 @!p0 $0x6220  }
0x96: {  	[tilespmem:s10], [sflag:$0x2] =	stream.indirect.gather @!p0 [hbm4b:s6+s31], $0x40, s5, s31, $0xb8;
	[tilespmem:$0x17CA0] =	vst v63  }
0x97: {  	_ =	swait.ge [sflag:s9], $0x1400  }
.Ltmp0:
0x98: {  	[sflag:s9] =	ssyncset.done $0x0;
	(pc) =	sbr.rel @p0 .LBB2_4-.Ltmp0, $4  }
0x99: {  	s31 =	sadd.s32 $0x29E0, s26;
	[sflag:s9] =	ssyncadd.s32 $0xFFFFEC00  }
0x9a: {  	[spmem:s3] =	stream.indirect.scatter.add.f32 [tilespmem:s2], [sflag:$0xA], $0x40, s31, s20, $0xb8;
	[tilespmem:$0x17CA0] =	vst v63  }
0x9b: {  	_ = 	snop  }
0x9c: {  	[spmem:s4] =	stream.indirect.scatter.add.f32 [tilespmem:s18], [sflag:$0xB], $0x10, s31, s20, $0xb8;
	[tilespmem:$0x17CA0] =	vst v63  }
.Ltmp1:
0x9d: {  	(pc) =	sbr.rel .LBB2_2-.Ltmp1, $4  }
0x9e: {  	_ =	swait.ge [sflag:s11], $0x1400  }
0x9f: {  	[sflag:s11] =	ssyncset.done $0x0  }
0xa0: {  	s5 =	sadd.s32 $0x3C0, s26;
	s1 =	sadd.s32 $0x640, s1;
	[sflag:s11] =	ssyncadd.s32 $0xFFFFEC00  }
0xa1: {  	[tilespmem:s24], [sflag:$0x3] =	stream.indirect.gather [hbm4b:s6+s20], $0x40, s5, s20, $0xb8;
	[tilespmem:$0x17CA0] =	vst v63  }
.LBB2_4:
0xa2: {  	_ =	swait.ge [sflag:s23], $0x1400  }
0xa3: {  	[sflag:s23] =	ssyncset.done $0x0  }
0xa4: {  	[sflag:s23] =	ssyncadd.s32 $0xFFFFEC00  }
0xa5: {  	_ =	swait.ge [sflag:s7], $0x1400  }
0xa6: {  	[sflag:s7] =	ssyncset.done $0x0  }
0xa7: {  	[sflag:s7] =	ssyncadd.s32 $0xFFFFEC00  }
0xa8: {  	_ =	swait.ge [sflag:s11], $0x1400  }
0xa9: {  	[sflag:s11] =	ssyncset.done $0x0  }
0xaa: {  	[sflag:s11] =	ssyncadd.s32 $0xFFFFEC00  }
0xab: {  	_ =	swait.ge [sflag:s12], $0x1400  }
0xac: {  	[sflag:s12] =	ssyncset.done $0x0  }
0xad: {  	[sflag:s12] =	ssyncadd.s32 $0xFFFFEC00  }
0xae: {  	_ =	swait.ge [sflag:s13], $0x1400  }
0xaf: {  	[sflag:s13] =	ssyncset.done $0x0  }
0xb0: {  	[sflag:s13] =	ssyncadd.s32 $0xFFFFEC00  }
0xb1: {  	_ =	swait.ge [sflag:s14], $0x500  }
0xb2: {  	s1 =	simm.s32 $0x7C;
	[sflag:s14] =	ssyncset.done $0x0  }
.LBB2_5:
0xb3: {  	p0 =	sne.s32 s1, $0x1;
	s1 =	sadd.s32 $0xFFFFFFFF, s1;
	[sflag:s14] =	ssyncadd.s32 $0xFFFFFB00  }
.Ltmp2:
0xb4: {  	(pc) =	sbr.rel @p0 .LBB2_5-.Ltmp2, $3  }
0xb5: {  	_ =	sdelay $0x1  }
0xb6: {  	_ =	swait.ge [sflag:s14], $0x500  }
0xb7: {  	[sflag:s14] =	ssyncset.done $0x0  }
0xb8: {  	[sflag:s14] =	ssyncadd.s32 $0xFFFFFB00  }
0xb9: {  	[bflag:$0x0] =	sbarrier.arrive $0xFFFF  }
0xba: {  	s1 =	rddreg [dreg:$0x9]  }
0xbb: {  	[hbm:s1], [sflag:s8] =	dma.local [spmem:s15], $0x13C0  }
0xbc: {  	_ =	swait.ge [sflag:s16], $0x13C0  }
0xbd: {  	[sflag:s16] =	ssyncset.done $0x0  }
0xbe: {  	s26 =	rddreg [dreg:$0xa];
	[sflag:s16] =	ssyncadd.s32 $0xFFFFEC40  }
0xbf: {  	[hbm:s26], [sflag:s8] =	dma.local [spmem:s17], $0x4F0  }
0xc0: {  	_ =	swait.ge [sflag:s16], $0x4F0  }
0xc1: {  	s30 =	sadd.s32 $0x1, s30;
	s31 =	rddreg [dreg:$0xb]  }
0xc2: {  	p0 =	sne.s32 s30, s31  }
.Ltmp3:
0xc3: {  	_ = 	snop;
	(pc) =	sbr.rel @p0 .LBB2_1-.Ltmp3, $3  }
0xc4: {  	_ =	sdelay $0x1  }
0xc5: {  	[sflag:s16] =	ssyncset.done $0x0  }
0xc6: {  	[sflag:s16] =	ssyncadd.s32 $0xFFFFFB10  }
0xc7: {  	_ =	sfence.sel $0x180000  }
0xc8: {  	[bflag:$0x0] =	sbarrier.arrive $0xFFFF  }
0xc9: {  	_ =	strace $0x90000047  }
0xca: {  	s0 =	stileid.u32;
	[bflag:$0x2] =	sbarrier.arrive $0xFFFF  }
0xcb: {  	p0 =	sne.s32 s0, $0x0;
	s0 =	rddreg [dreg:$0x4]  }
0xcc: {  	s0 =	sadd.s32 @!p0 $0x100000, s0  }
0xcd: {  	[sflag:s0] =	ssyncadd.tile.s32 @!p0 $0x1;
	_ =	shalt  }
.Lfunc_end2:
_tile_overlayer_lowered:
.L_overlay_start_2:
0xce: {  	(tag) =	ssettag $0x2  }
0xcf: {  	s0 =	rddreg [dreg:$0x0];
	s2 =	stileid.u32  }
0xd0: {  	s1 =	rddreg [dreg:$0x1];
	p0 =	sne.s32 s2, $0x0  }
0xd1: {  	s3 =	rddreg [dreg:$0x2];
	[bflag:$0x3] =	sbarrier.arrive $0xFFFF;
	s2 =	simm.s32 @!p0 $0x1C0C  }
0xd2: {  	[timem:s3], [sflag:s2] =	dma.local @!p0 [hbm:s0], s1  }
0xd3: {  	s0 =	simm.s32 @!p0 $0xC  }
0xd4: {  	_ =	swait.ge @!p0 [sflag:s0], s1  }
0xd5: {  	s1 =	ssub.s32 @!p0 $0x0, s1;
	[sflag:s0] =	ssyncset.done @!p0 $0x0  }
0xd6: {  	[sflag:s0] =	ssyncadd.s32 @!p0 s1  }
0xd7: {  	[bflag:$0x3] =	sbarrier.arrive $0xFFFF  }
0xd8: {  	_ =	shalt  }

</sc_bundles>
